<compile_context>
chip_gen: v7x
topology: tpu7x:2x2x1
jax: 0.10.2.dev20260603
libtpu: 0.0.44.dev20260713+nightly
codegen_flags: <defaults>
</compile_context>

<pallas_src>
import functools

import jax
import jax.numpy as jnp
import numpy as np
from jax import lax
from jax.experimental import pallas as pl
from jax.experimental.pallas import tpu as pltpu
from jax.experimental.pallas import tpu_sc as plsc

N = 10000
E = 320000
D_MODEL = 128
H = 8
DEPTH = D_MODEL // H
D_EDGE = 16
D_FF = 512

NC = 2
NS = 16
NW = NC * NS
EDGES_PER_W = E // NW
CH = 40
NCHUNK = EDGES_PER_W // CH
N_PAD = 10240
ROWS_PER_TILE = N_PAD // NS
RCH = CH

BN = 1000
BE = 3200

def _dot(a, b):
    return jnp.dot(a, b, preferred_element_type=jnp.float32)


def _dot_f32(a, b):
    ah = a.astype(jnp.bfloat16).astype(jnp.float32)
    al = a - ah
    return jnp.dot(jnp.concatenate((ah, al), axis=1),
                   jnp.concatenate((b, b), axis=0),
                   preferred_element_type=jnp.float32)



def _lane_sum(v):
    s = v[:, 0:8]
    for i in range(1, 16):
        s = s + v[:, 8 * i:8 * i + 8]
    s = s[:, 0:4] + s[:, 4:8]
    s = s[:, 0:2] + s[:, 2:4]
    return s[:, 0:1] + s[:, 1:2]


def _ln_match(x, g, b):
    m = _lane_sum(x) * jnp.float32(1.0 / D_MODEL)
    c = x - m
    var = _lane_sum(c * c) * jnp.float32(1.0 / D_MODEL)
    return c / jnp.sqrt(var + 1e-6) * g + b


def _p1_body(feat, g1, b1, Wq, bq, Wk, bk, Wv, bv, q_o, k_o, v_o, ksum_o):
    i = pl.program_id(0)
    x = feat[...]
    xn = _ln_match(x, g1[...], b1[...])
    qb = _dot(xn, Wq[...]) + bq[...]
    kb = _dot(xn, Wk[...]) + bk[...]
    vb = _dot(xn, Wv[...]) + bv[...]
    q_o[...] = qb
    k_o[...] = kb
    v_o[...] = vb
    part = jnp.sum(kb, axis=0, keepdims=True)

    @pl.when(i == 0)
    def _():
        ksum_o[...] = part

    @pl.when(i > 0)
    def _():
        ksum_o[...] = ksum_o[...] + part


def _p1(feature, g1, b1, Wq, bq, Wk, bk, Wv, bv):
    grid = N // BN
    full = lambda shape: pl.BlockSpec(shape, lambda i: (0, 0))
    return pl.pallas_call(
        _p1_body,
        grid=(grid,),
        in_specs=[
            pl.BlockSpec((BN, D_MODEL), lambda i: (i, 0)),
            full((1, D_MODEL)), full((1, D_MODEL)),
            full((D_MODEL, D_MODEL)), full((1, D_MODEL)),
            full((D_MODEL, D_MODEL)), full((1, D_MODEL)),
            full((D_MODEL, D_MODEL)), full((1, D_MODEL)),
        ],
        out_specs=[
            pl.BlockSpec((BN, D_MODEL), lambda i: (i, 0)),
            pl.BlockSpec((BN, D_MODEL), lambda i: (i, 0)),
            pl.BlockSpec((BN, D_MODEL), lambda i: (i, 0)),
            pl.BlockSpec((1, D_MODEL), lambda i: (0, 0)),
        ],
        out_shape=[
            jax.ShapeDtypeStruct((N, D_MODEL), jnp.float32),
            jax.ShapeDtypeStruct((N, D_MODEL), jnp.float32),
            jax.ShapeDtypeStruct((N, D_MODEL), jnp.float32),
            jax.ShapeDtypeStruct((1, D_MODEL), jnp.float32),
        ],
    )(feature, g1, b1, Wq, bq, Wk, bk, Wv, bv)



def _p2_body(q_hbm, k_hbm, v_hbm, row_hbm, col_hbm, zero_hbm,
             qg_hbm, kg_hbm, part_hbm,
             colv, rowv, qb0, kb0, vb0, qb1, kb1, vb1, acc,
             sem0, sem1):
    c = lax.axis_index("c")
    s = lax.axis_index("s")
    wid = c * NS + s

    pltpu.sync_copy(zero_hbm, qb0)
    base_r = s * ROWS_PER_TILE
    for t in range(ROWS_PER_TILE // RCH):
        pltpu.sync_copy(qb0, acc.at[pl.ds(base_r + t * RCH, RCH)])
    plsc.subcore_barrier()

    wbase = wid * EDGES_PER_W
    bufs = ((qb0, kb0, vb0, sem0), (qb1, kb1, vb1, sem1))

    def issue(j, p):
        qb, kb, vb, sem = bufs[p]
        base = wbase + j * CH
        pltpu.sync_copy(col_hbm.at[pl.ds(base, CH)], colv.at[p])
        pltpu.sync_copy(row_hbm.at[pl.ds(base, CH)], rowv.at[p])
        pltpu.async_copy(q_hbm.at[colv.at[p]], qb, sem)
        pltpu.async_copy(k_hbm.at[rowv.at[p]], kb, sem)
        pltpu.async_copy(v_hbm.at[rowv.at[p]], vb, sem)

    def drain(j, p):
        qb, kb, vb, sem = bufs[p]
        base = wbase + j * CH
        pltpu.make_async_copy(q_hbm.at[colv.at[p]], qb, sem).wait()
        pltpu.make_async_copy(k_hbm.at[rowv.at[p]], kb, sem).wait()
        pltpu.make_async_copy(v_hbm.at[rowv.at[p]], vb, sem).wait()
        pltpu.sync_copy(qb, qg_hbm.at[pl.ds(base, CH)])
        pltpu.sync_copy(kb, kg_hbm.at[pl.ds(base, CH)])
        pltpu.sync_copy(vb, acc.at[colv.at[p]], add=True)

    assert NCHUNK % 2 == 0
    issue(0, 0)

    def step(i, carry):
        j = 2 * i
        issue(j + 1, 1)
        drain(j, 0)
        issue(j + 2, 0)
        drain(j + 1, 1)
        return carry

    lax.fori_loop(0, (NCHUNK - 2) // 2, step, 0)
    issue(NCHUNK - 1, 1)
    drain(NCHUNK - 2, 0)
    drain(NCHUNK - 1, 1)
    plsc.subcore_barrier()

    for t in range(ROWS_PER_TILE // RCH):
        r0 = base_r + t * RCH
        pltpu.sync_copy(acc.at[pl.ds(r0, RCH)], qb0)
        pltpu.sync_copy(qb0, part_hbm.at[pl.ds(c * N_PAD + r0, RCH)])


def _p2(q, k, v, row, col, zeros):
    mesh = plsc.VectorSubcoreMesh(core_axis_name="c", subcore_axis_name="s")
    fn = pl.kernel(
        _p2_body,
        out_type=(
            jax.ShapeDtypeStruct((E, D_MODEL), jnp.float32),
            jax.ShapeDtypeStruct((E, D_MODEL), jnp.float32),
            jax.ShapeDtypeStruct((NC * N_PAD, D_MODEL), jnp.float32),
        ),
        mesh=mesh,
        scratch_types=[
            pltpu.VMEM((2, CH), jnp.int32),
            pltpu.VMEM((2, CH), jnp.int32),
            pltpu.VMEM((CH, D_MODEL), jnp.float32),
            pltpu.VMEM((CH, D_MODEL), jnp.float32),
            pltpu.VMEM((CH, D_MODEL), jnp.float32),
            pltpu.VMEM((CH, D_MODEL), jnp.float32),
            pltpu.VMEM((CH, D_MODEL), jnp.float32),
            pltpu.VMEM((CH, D_MODEL), jnp.float32),
            pltpu.VMEM_SHARED((N_PAD, D_MODEL), jnp.float32),
            pltpu.SemaphoreType.DMA,
            pltpu.SemaphoreType.DMA,
        ],
    )
    return fn(q, k, v, row, col, zeros)



def _p3_body(qg, kg, er, sp, ksum, Wrel, brel, wsp, bsp, attw_o):
    rel = _dot(er[...], Wrel[...]) + brel[...]
    qe = qg[...] + rel
    ke = kg[...] + rel
    rows = lax.broadcasted_iota(jnp.int32, (D_MODEL, H), 0) // DEPTH
    cols = lax.broadcasted_iota(jnp.int32, (D_MODEL, H), 1)
    hm = (rows == cols).astype(jnp.float32)
    c = jnp.float32(1.0 / np.sqrt(np.sqrt(float(H))))
    num = _dot_f32(qe * ke, hm) * c + sp[...] * wsp[...] + bsp[...]
    qg16 = qg[...].astype(jnp.bfloat16).astype(jnp.float32)
    ks16 = ksum[...].astype(jnp.bfloat16).astype(jnp.float32)
    norm = _dot_f32(qg16 * ks16, hm)
    attw_o[...] = num / norm


def _p3(qg, kg, edge_rel, sp_value, ksum, Wrel, brel, wsp, bsp):
    grid = E // BE
    full = lambda shape: pl.BlockSpec(shape, lambda i: (0, 0))
    return pl.pallas_call(
        _p3_body,
        grid=(grid,),
        in_specs=[
            pl.BlockSpec((BE, D_MODEL), lambda i: (i, 0)),
            pl.BlockSpec((BE, D_MODEL), lambda i: (i, 0)),
            pl.BlockSpec((BE, D_EDGE), lambda i: (i, 0)),
            pl.BlockSpec((BE, 1), lambda i: (i, 0)),
            full((1, D_MODEL)),
            full((D_EDGE, D_MODEL)), full((1, D_MODEL)),
            full((1, H)), full((1, H)),
        ],
        out_specs=pl.BlockSpec((BE, H), lambda i: (i, 0)),
        out_shape=jax.ShapeDtypeStruct((E, H), jnp.float32),
    )(qg, kg, edge_rel, sp_value, ksum, Wrel, brel, wsp, bsp)



def _p4_body(part, feat, Wd, bd, g2, b2, W1, bf1, W2, bf2, out_o):
    agg = part[0] + part[1]
    attn_out = _dot(agg, Wd[...]) + bd[...]
    out1 = attn_out + feat[...]
    m = jnp.mean(out1, axis=-1, keepdims=True)
    var = jnp.mean(jnp.square(out1 - m), axis=-1, keepdims=True)
    t = (out1 - m) / jnp.sqrt(var + 1e-6) * g2[...] + b2[...]
    ffn = _dot(jnp.maximum(_dot(t, W1[...]) + bf1[...], 0.0), W2[...]) + bf2[...]
    out_o[...] = out1 + ffn


def _p4(partials, feature, Wd, bd, g2, b2, W1, bf1, W2, bf2):
    grid = N // BN
    full = lambda shape: pl.BlockSpec(shape, lambda *_: tuple(0 for _ in shape))
    return pl.pallas_call(
        _p4_body,
        grid=(grid,),
        in_specs=[
            pl.BlockSpec((2, BN, D_MODEL), lambda i: (0, i, 0)),
            pl.BlockSpec((BN, D_MODEL), lambda i: (i, 0)),
            full((D_MODEL, D_MODEL)), full((1, D_MODEL)),
            full((1, D_MODEL)), full((1, D_MODEL)),
            full((D_MODEL, D_FF)), full((1, D_FF)),
            full((D_FF, D_MODEL)), full((1, D_MODEL)),
        ],
        out_specs=pl.BlockSpec((BN, D_MODEL), lambda i: (i, 0)),
        out_shape=jax.ShapeDtypeStruct((N, D_MODEL), jnp.float32),
    )(partials, feature, Wd, bd, g2, b2, W1, bf1, W2, bf2)



def kernel(feature, sp_edge_index, sp_value, edge_rel, g1, b1, g2, b2,
           Wq, bq, Wk, bk, Wv, bv, Wd, bd, Wrel, brel, Wsp, bsp,
           W1, bf1, W2, bf2):
    r2 = lambda a: a.reshape(1, -1)
    q, k, v, ksum = _p1(feature, r2(g1), r2(b1), Wq, r2(bq), Wk, r2(bk),
                        Wv, r2(bv))
    row = sp_edge_index[0]
    col = sp_edge_index[1]
    zeros = jnp.zeros((RCH, D_MODEL), jnp.float32)
    qg, kg, partials = _p2(q, k, v, row, col, zeros)
    attw = _p3(qg, kg, edge_rel, sp_value, ksum, Wrel, r2(brel),
               Wsp.reshape(1, H), r2(bsp))
    partials = partials.reshape(NC, N_PAD, D_MODEL)[:, :N, :]
    out2 = _p4(partials, feature, Wd, r2(bd), r2(g2), r2(b2),
               W1, r2(bf1), W2, r2(bf2))
    return (out2, attw)

# --- scband reference (transcript-rebuilt; emitter-appended) ---
"""Pipeline reference for scband-graph-transformer-encode-33732673143697 (READ-ONLY COPY).

The authoritative reference and input builder live on the scoring server;
editing this copy changes nothing except your own understanding.
"""

import jax, jax.numpy as jnp
import numpy as np

N = 10000
E = 320000
D_MODEL = 128
H = 8
DEPTH = D_MODEL // H
D_EDGE = 16
D_FF = 512


def _ln(x, g, b, eps=1e-6):
    m = jnp.mean(x, axis=-1, keepdims=True)
    v = jnp.mean(jnp.square(x - m), axis=-1, keepdims=True)
    return (x - m) / jnp.sqrt(v + eps) * g + b


def setup_inputs(seed: int = 0):
    key = jax.random.key(seed)
    ks = jax.random.split(key, 20)

    def lin(k, fi, fo):
        k1, k2 = jax.random.split(k)
        lim = 1.0 / np.sqrt(fi)
        return (jax.random.uniform(k1, (fi, fo), minval=-lim, maxval=lim, dtype=jnp.float32),
                jax.random.uniform(k2, (fo,), minval=-lim, maxval=lim, dtype=jnp.float32))

    inp = {}
    inp["feature"] = jax.random.normal(ks[0], (N, D_MODEL), dtype=jnp.float32)
    inp["sp_edge_index"] = jax.random.randint(ks[1], (2, E), 0, N, dtype=jnp.int32)
    inp["sp_value"] = jax.random.uniform(ks[2], (E, 1), dtype=jnp.float32)
    inp["edge_rel"] = jax.random.normal(ks[3], (E, D_EDGE), dtype=jnp.float32)
    inp["g1"] = jnp.ones((D_MODEL,), dtype=jnp.float32)
    inp["b1"] = jnp.zeros((D_MODEL,), dtype=jnp.float32)
    inp["g2"] = jnp.ones((D_MODEL,), dtype=jnp.float32)
    inp["b2"] = jnp.zeros((D_MODEL,), dtype=jnp.float32)
    inp["Wq"], inp["bq"] = lin(ks[4], D_MODEL, D_MODEL)
    inp["Wk"], inp["bk"] = lin(ks[5], D_MODEL, D_MODEL)
    inp["Wv"], inp["bv"] = lin(ks[6], D_MODEL, D_MODEL)
    inp["Wd"], inp["bd"] = lin(ks[7], D_MODEL, D_MODEL)
    inp["Wrel"], inp["brel"] = lin(ks[8], D_EDGE, D_MODEL)
    inp["Wsp"], inp["bsp"] = lin(ks[9], 1, H)
    inp["W1"], inp["bf1"] = lin(ks[10], D_MODEL, D_FF)
    inp["W2"], inp["bf2"] = lin(ks[11], D_FF, D_MODEL)
    return inp


def reference(feature, sp_edge_index, sp_value, edge_rel, g1, b1, g2, b2, Wq, bq, Wk, bk, Wv, bv, Wd, bd, Wrel, brel, Wsp, bsp, W1, bf1, W2, bf2):
    x = _ln(feature, g1, b1)
    rel_emb = edge_rel @ Wrel + brel
    q = x @ Wq + bq
    k = x @ Wk + bk
    v = (x @ Wv + bv).reshape(N, H, DEPTH)
    row = sp_edge_index[0]
    col = sp_edge_index[1]
    qe = (q[col] + rel_emb).reshape(E, H, DEPTH)
    kstart = (k[row] + rel_emb).reshape(E, H, DEPTH)
    edge_attn_num = jnp.einsum('ehd,ehd->eh', qe, kstart)
    data_normalizer = 1.0 / jnp.sqrt(jnp.sqrt(jnp.asarray(H, dtype=jnp.float32)))
    edge_attn_num = edge_attn_num * data_normalizer
    edge_attn_num = edge_attn_num + (sp_value @ Wsp + bsp)
    ks_sum = jnp.sum(k.reshape(N, H, DEPTH), axis=0)
    attn_norm = jnp.einsum('nhm,hm->nh', q.reshape(N, H, DEPTH), ks_sum)
    attention_weight = edge_attn_num / attn_norm[col]
    # PyG MessagePassing default message(x_j)=x_j (message() not overridden in the
    # torch class), aggr='add': unweighted scatter-add of v[row] into col.
    # Doing all heads at once equals the per-head loop + concat.
    out = jax.ops.segment_sum(v[row], col, num_segments=N).reshape(N, D_MODEL)
    attn_output = out @ Wd + bd
    out1 = attn_output + feature
    ffn = jax.nn.relu(_ln(out1, g2, b2) @ W1 + bf1) @ W2 + bf2
    out2 = out1 + ffn
    return (out2, attention_weight)

if __name__ == "__main__":
    import jax
    _d = setup_inputs()
    print(jax.jit(kernel)(*tuple(_d.values())))

</pallas_src>

<mosaic_0001>
#map = affine_map<(d0, d1) -> (0, 0)>
#map1 = affine_map<(d0, d1) -> (0)>
module attributes {stable_mosaic.version = 14 : i64} {
  func.func @_p2_body(%arg0: i32, %arg1: i32, %arg2: memref<10000x128xf32, #tpu.memory_space<hbm>>, %arg3: memref<10000x128xf32, #tpu.memory_space<hbm>>, %arg4: memref<10000x128xf32, #tpu.memory_space<hbm>>, %arg5: memref<320000xi32, #tpu.memory_space<hbm>>, %arg6: memref<320000xi32, #tpu.memory_space<hbm>>, %arg7: memref<40x128xf32, #tpu.memory_space<hbm>>, %arg8: memref<320000x128xf32, #tpu.memory_space<hbm>>, %arg9: memref<320000x128xf32, #tpu.memory_space<hbm>>, %arg10: memref<20480x128xf32, #tpu.memory_space<hbm>>, %arg11: memref<2x40xi32, #tpu.memory_space<vmem>>, %arg12: memref<2x40xi32, #tpu.memory_space<vmem>>, %arg13: memref<40x128xf32, #tpu.memory_space<vmem>>, %arg14: memref<40x128xf32, #tpu.memory_space<vmem>>, %arg15: memref<40x128xf32, #tpu.memory_space<vmem>>, %arg16: memref<40x128xf32, #tpu.memory_space<vmem>>, %arg17: memref<40x128xf32, #tpu.memory_space<vmem>>, %arg18: memref<40x128xf32, #tpu.memory_space<vmem>>, %arg19: memref<10240x128xf32, #tpu.memory_space<vmem_shared>>, %arg20: memref<!tpu.dma_semaphore, #tpu.memory_space<semaphore_mem>>, %arg21: memref<!tpu.dma_semaphore, #tpu.memory_space<semaphore_mem>>) attributes {dimension_semantics = [#tpu.dimension_semantics<core_parallel>, #tpu.dimension_semantics<subcore_parallel>], iteration_bounds = array<i64: 2, 16>, scalar_prefetch = 0 : i64, scratch_operands = 11 : i64, tpu.core_type = #tpu.core_type<sc_vector_subcore>, window_params = [{transform_indices = #map}, {transform_indices = #map}, {transform_indices = #map}, {transform_indices = #map1}, {transform_indices = #map1}, {transform_indices = #map}, {transform_indices = #map}, {transform_indices = #map}, {transform_indices = #map}]} {
    %mul3A = arith.constant 16 : i32
    %mul3A_0 = arith.muli %arg0, %mul3A : i32
    %add3A = arith.addi %mul3A_0, %arg1 : i32
    "tpu.region"() ({
      %run_scoped3A_218 = tpu.sem_alloc : memref<!tpu.dma_semaphore, #tpu.memory_space<semaphore_mem>>
      tpu.enqueue_dma source(%arg7 : memref<40x128xf32, #tpu.memory_space<hbm>>) target(%arg13 : memref<40x128xf32, #tpu.memory_space<vmem>>) target_semaphore(%run_scoped3A_218 : memref<!tpu.dma_semaphore, #tpu.memory_space<semaphore_mem>>)
      tpu.wait_dma2 semaphore(%run_scoped3A_218 : memref<!tpu.dma_semaphore, #tpu.memory_space<semaphore_mem>>) src(%arg7 : memref<40x128xf32, #tpu.memory_space<hbm>>) dst(%arg13 : memref<40x128xf32, #tpu.memory_space<vmem>>)
      tpu.yield
    }) : () -> ()
    %mul3A_1 = arith.constant 640 : i32
    %mul3A_2 = arith.muli %arg1, %mul3A_1 : i32
    %add3A_3 = arith.constant 0 : i32
    %add3A_4 = arith.addi %mul3A_2, %add3A_3 : i32
    "tpu.region"() ({
      %run_scoped3A_218 = tpu.sem_alloc : memref<!tpu.dma_semaphore, #tpu.memory_space<semaphore_mem>>
      %dma_start3A_219 = arith.constant 0 : i32
      %dma_start3A_220 = tpu.memref_slice %arg19[%add3A_4, %dma_start3A_219] : memref<10240x128xf32, #tpu.memory_space<vmem_shared>> -> memref<40x128xf32, #tpu.memory_space<vmem_shared>>
      %dma_start3A_221 = arith.constant 0 : i32
      %dma_start3A_222 = tpu.memref_slice %arg19[%add3A_4, %dma_start3A_221] : memref<10240x128xf32, #tpu.memory_space<vmem_shared>> -> memref<40x128xf32, #tpu.memory_space<vmem_shared>>
      tpu.enqueue_dma source(%arg13 : memref<40x128xf32, #tpu.memory_space<vmem>>) target(%dma_start3A_222 : memref<40x128xf32, #tpu.memory_space<vmem_shared>>) target_semaphore(%run_scoped3A_218 : memref<!tpu.dma_semaphore, #tpu.memory_space<semaphore_mem>>)
      %dma_wait3A_223 = arith.constant 0 : i32
      %dma_wait3A_224 = tpu.memref_slice %arg19[%add3A_4, %dma_wait3A_223] : memref<10240x128xf32, #tpu.memory_space<vmem_shared>> -> memref<40x128xf32, #tpu.memory_space<vmem_shared>>
      %dma_wait3A_225 = arith.constant 0 : i32
      %dma_wait3A_226 = tpu.memref_slice %arg19[%add3A_4, %dma_wait3A_225] : memref<10240x128xf32, #tpu.memory_space<vmem_shared>> -> memref<40x128xf32, #tpu.memory_space<vmem_shared>>
      tpu.wait_dma2 semaphore(%run_scoped3A_218 : memref<!tpu.dma_semaphore, #tpu.memory_space<semaphore_mem>>) src(%arg13 : memref<40x128xf32, #tpu.memory_space<vmem>>) dst(%dma_wait3A_226 : memref<40x128xf32, #tpu.memory_space<vmem_shared>>)
      tpu.yield
    }) : () -> ()
    %add3A_5 = arith.constant 40 : i32
    %add3A_6 = arith.addi %mul3A_2, %add3A_5 : i32
    "tpu.region"() ({
      %run_scoped3A_218 = tpu.sem_alloc : memref<!tpu.dma_semaphore, #tpu.memory_space<semaphore_mem>>
      %dma_start3A_219 = arith.constant 0 : i32
      %dma_start3A_220 = tpu.memref_slice %arg19[%add3A_6, %dma_start3A_219] : memref<10240x128xf32, #tpu.memory_space<vmem_shared>> -> memref<40x128xf32, #tpu.memory_space<vmem_shared>>
      %dma_start3A_221 = arith.constant 0 : i32
      %dma_start3A_222 = tpu.memref_slice %arg19[%add3A_6, %dma_start3A_221] : memref<10240x128xf32, #tpu.memory_space<vmem_shared>> -> memref<40x128xf32, #tpu.memory_space<vmem_shared>>
      tpu.enqueue_dma source(%arg13 : memref<40x128xf32, #tpu.memory_space<vmem>>) target(%dma_start3A_222 : memref<40x128xf32, #tpu.memory_space<vmem_shared>>) target_semaphore(%run_scoped3A_218 : memref<!tpu.dma_semaphore, #tpu.memory_space<semaphore_mem>>)
      %dma_wait3A_223 = arith.constant 0 : i32
      %dma_wait3A_224 = tpu.memref_slice %arg19[%add3A_6, %dma_wait3A_223] : memref<10240x128xf32, #tpu.memory_space<vmem_shared>> -> memref<40x128xf32, #tpu.memory_space<vmem_shared>>
      %dma_wait3A_225 = arith.constant 0 : i32
      %dma_wait3A_226 = tpu.memref_slice %arg19[%add3A_6, %dma_wait3A_225] : memref<10240x128xf32, #tpu.memory_space<vmem_shared>> -> memref<40x128xf32, #tpu.memory_space<vmem_shared>>
      tpu.wait_dma2 semaphore(%run_scoped3A_218 : memref<!tpu.dma_semaphore, #tpu.memory_space<semaphore_mem>>) src(%arg13 : memref<40x128xf32, #tpu.memory_space<vmem>>) dst(%dma_wait3A_226 : memref<40x128xf32, #tpu.memory_space<vmem_shared>>)
      tpu.yield
    }) : () -> ()
    %add3A_7 = arith.constant 80 : i32
    %add3A_8 = arith.addi %mul3A_2, %add3A_7 : i32
    "tpu.region"() ({
      %run_scoped3A_218 = tpu.sem_alloc : memref<!tpu.dma_semaphore, #tpu.memory_space<semaphore_mem>>
      %dma_start3A_219 = arith.constant 0 : i32
      %dma_start3A_220 = tpu.memref_slice %arg19[%add3A_8, %dma_start3A_219] : memref<10240x128xf32, #tpu.memory_space<vmem_shared>> -> memref<40x128xf32, #tpu.memory_space<vmem_shared>>
      %dma_start3A_221 = arith.constant 0 : i32
      %dma_start3A_222 = tpu.memref_slice %arg19[%add3A_8, %dma_start3A_221] : memref<10240x128xf32, #tpu.memory_space<vmem_shared>> -> memref<40x128xf32, #tpu.memory_space<vmem_shared>>
      tpu.enqueue_dma source(%arg13 : memref<40x128xf32, #tpu.memory_space<vmem>>) target(%dma_start3A_222 : memref<40x128xf32, #tpu.memory_space<vmem_shared>>) target_semaphore(%run_scoped3A_218 : memref<!tpu.dma_semaphore, #tpu.memory_space<semaphore_mem>>)
      %dma_wait3A_223 = arith.constant 0 : i32
      %dma_wait3A_224 = tpu.memref_slice %arg19[%add3A_8, %dma_wait3A_223] : memref<10240x128xf32, #tpu.memory_space<vmem_shared>> -> memref<40x128xf32, #tpu.memory_space<vmem_shared>>
      %dma_wait3A_225 = arith.constant 0 : i32
      %dma_wait3A_226 = tpu.memref_slice %arg19[%add3A_8, %dma_wait3A_225] : memref<10240x128xf32, #tpu.memory_space<vmem_shared>> -> memref<40x128xf32, #tpu.memory_space<vmem_shared>>
      tpu.wait_dma2 semaphore(%run_scoped3A_218 : memref<!tpu.dma_semaphore, #tpu.memory_space<semaphore_mem>>) src(%arg13 : memref<40x128xf32, #tpu.memory_space<vmem>>) dst(%dma_wait3A_226 : memref<40x128xf32, #tpu.memory_space<vmem_shared>>)
      tpu.yield
    }) : () -> ()
    %add3A_9 = arith.constant 120 : i32
    %add3A_10 = arith.addi %mul3A_2, %add3A_9 : i32
    "tpu.region"() ({
      %run_scoped3A_218 = tpu.sem_alloc : memref<!tpu.dma_semaphore, #tpu.memory_space<semaphore_mem>>
      %dma_start3A_219 = arith.constant 0 : i32
      %dma_start3A_220 = tpu.memref_slice %arg19[%add3A_10, %dma_start3A_219] : memref<10240x128xf32, #tpu.memory_space<vmem_shared>> -> memref<40x128xf32, #tpu.memory_space<vmem_shared>>
      %dma_start3A_221 = arith.constant 0 : i32
      %dma_start3A_222 = tpu.memref_slice %arg19[%add3A_10, %dma_start3A_221] : memref<10240x128xf32, #tpu.memory_space<vmem_shared>> -> memref<40x128xf32, #tpu.memory_space<vmem_shared>>
      tpu.enqueue_dma source(%arg13 : memref<40x128xf32, #tpu.memory_space<vmem>>) target(%dma_start3A_222 : memref<40x128xf32, #tpu.memory_space<vmem_shared>>) target_semaphore(%run_scoped3A_218 : memref<!tpu.dma_semaphore, #tpu.memory_space<semaphore_mem>>)
      %dma_wait3A_223 = arith.constant 0 : i32
      %dma_wait3A_224 = tpu.memref_slice %arg19[%add3A_10, %dma_wait3A_223] : memref<10240x128xf32, #tpu.memory_space<vmem_shared>> -> memref<40x128xf32, #tpu.memory_space<vmem_shared>>
      %dma_wait3A_225 = arith.constant 0 : i32
      %dma_wait3A_226 = tpu.memref_slice %arg19[%add3A_10, %dma_wait3A_225] : memref<10240x128xf32, #tpu.memory_space<vmem_shared>> -> memref<40x128xf32, #tpu.memory_space<vmem_shared>>
      tpu.wait_dma2 semaphore(%run_scoped3A_218 : memref<!tpu.dma_semaphore, #tpu.memory_space<semaphore_mem>>) src(%arg13 : memref<40x128xf32, #tpu.memory_space<vmem>>) dst(%dma_wait3A_226 : memref<40x128xf32, #tpu.memory_space<vmem_shared>>)
      tpu.yield
    }) : () -> ()
    %add3A_11 = arith.constant 160 : i32
    %add3A_12 = arith.addi %mul3A_2, %add3A_11 : i32
    "tpu.region"() ({
      %run_scoped3A_218 = tpu.sem_alloc : memref<!tpu.dma_semaphore, #tpu.memory_space<semaphore_mem>>
      %dma_start3A_219 = arith.constant 0 : i32
      %dma_start3A_220 = tpu.memref_slice %arg19[%add3A_12, %dma_start3A_219] : memref<10240x128xf32, #tpu.memory_space<vmem_shared>> -> memref<40x128xf32, #tpu.memory_space<vmem_shared>>
      %dma_start3A_221 = arith.constant 0 : i32
      %dma_start3A_222 = tpu.memref_slice %arg19[%add3A_12, %dma_start3A_221] : memref<10240x128xf32, #tpu.memory_space<vmem_shared>> -> memref<40x128xf32, #tpu.memory_space<vmem_shared>>
      tpu.enqueue_dma source(%arg13 : memref<40x128xf32, #tpu.memory_space<vmem>>) target(%dma_start3A_222 : memref<40x128xf32, #tpu.memory_space<vmem_shared>>) target_semaphore(%run_scoped3A_218 : memref<!tpu.dma_semaphore, #tpu.memory_space<semaphore_mem>>)
      %dma_wait3A_223 = arith.constant 0 : i32
      %dma_wait3A_224 = tpu.memref_slice %arg19[%add3A_12, %dma_wait3A_223] : memref<10240x128xf32, #tpu.memory_space<vmem_shared>> -> memref<40x128xf32, #tpu.memory_space<vmem_shared>>
      %dma_wait3A_225 = arith.constant 0 : i32
      %dma_wait3A_226 = tpu.memref_slice %arg19[%add3A_12, %dma_wait3A_225] : memref<10240x128xf32, #tpu.memory_space<vmem_shared>> -> memref<40x128xf32, #tpu.memory_space<vmem_shared>>
      tpu.wait_dma2 semaphore(%run_scoped3A_218 : memref<!tpu.dma_semaphore, #tpu.memory_space<semaphore_mem>>) src(%arg13 : memref<40x128xf32, #tpu.memory_space<vmem>>) dst(%dma_wait3A_226 : memref<40x128xf32, #tpu.memory_space<vmem_shared>>)
      tpu.yield
    }) : () -> ()
    %add3A_13 = arith.constant 200 : i32
    %add3A_14 = arith.addi %mul3A_2, %add3A_13 : i32
    "tpu.region"() ({
      %run_scoped3A_218 = tpu.sem_alloc : memref<!tpu.dma_semaphore, #tpu.memory_space<semaphore_mem>>
      %dma_start3A_219 = arith.constant 0 : i32
      %dma_start3A_220 = tpu.memref_slice %arg19[%add3A_14, %dma_start3A_219] : memref<10240x128xf32, #tpu.memory_space<vmem_shared>> -> memref<40x128xf32, #tpu.memory_space<vmem_shared>>
      %dma_start3A_221 = arith.constant 0 : i32
      %dma_start3A_222 = tpu.memref_slice %arg19[%add3A_14, %dma_start3A_221] : memref<10240x128xf32, #tpu.memory_space<vmem_shared>> -> memref<40x128xf32, #tpu.memory_space<vmem_shared>>
      tpu.enqueue_dma source(%arg13 : memref<40x128xf32, #tpu.memory_space<vmem>>) target(%dma_start3A_222 : memref<40x128xf32, #tpu.memory_space<vmem_shared>>) target_semaphore(%run_scoped3A_218 : memref<!tpu.dma_semaphore, #tpu.memory_space<semaphore_mem>>)
      %dma_wait3A_223 = arith.constant 0 : i32
      %dma_wait3A_224 = tpu.memref_slice %arg19[%add3A_14, %dma_wait3A_223] : memref<10240x128xf32, #tpu.memory_space<vmem_shared>> -> memref<40x128xf32, #tpu.memory_space<vmem_shared>>
      %dma_wait3A_225 = arith.constant 0 : i32
      %dma_wait3A_226 = tpu.memref_slice %arg19[%add3A_14, %dma_wait3A_225] : memref<10240x128xf32, #tpu.memory_space<vmem_shared>> -> memref<40x128xf32, #tpu.memory_space<vmem_shared>>
      tpu.wait_dma2 semaphore(%run_scoped3A_218 : memref<!tpu.dma_semaphore, #tpu.memory_space<semaphore_mem>>) src(%arg13 : memref<40x128xf32, #tpu.memory_space<vmem>>) dst(%dma_wait3A_226 : memref<40x128xf32, #tpu.memory_space<vmem_shared>>)
      tpu.yield
    }) : () -> ()
    %add3A_15 = arith.constant 240 : i32
    %add3A_16 = arith.addi %mul3A_2, %add3A_15 : i32
    "tpu.region"() ({
      %run_scoped3A_218 = tpu.sem_alloc : memref<!tpu.dma_semaphore, #tpu.memory_space<semaphore_mem>>
      %dma_start3A_219 = arith.constant 0 : i32
      %dma_start3A_220 = tpu.memref_slice %arg19[%add3A_16, %dma_start3A_219] : memref<10240x128xf32, #tpu.memory_space<vmem_shared>> -> memref<40x128xf32, #tpu.memory_space<vmem_shared>>
      %dma_start3A_221 = arith.constant 0 : i32
      %dma_start3A_222 = tpu.memref_slice %arg19[%add3A_16, %dma_start3A_221] : memref<10240x128xf32, #tpu.memory_space<vmem_shared>> -> memref<40x128xf32, #tpu.memory_space<vmem_shared>>
      tpu.enqueue_dma source(%arg13 : memref<40x128xf32, #tpu.memory_space<vmem>>) target(%dma_start3A_222 : memref<40x128xf32, #tpu.memory_space<vmem_shared>>) target_semaphore(%run_scoped3A_218 : memref<!tpu.dma_semaphore, #tpu.memory_space<semaphore_mem>>)
      %dma_wait3A_223 = arith.constant 0 : i32
      %dma_wait3A_224 = tpu.memref_slice %arg19[%add3A_16, %dma_wait3A_223] : memref<10240x128xf32, #tpu.memory_space<vmem_shared>> -> memref<40x128xf32, #tpu.memory_space<vmem_shared>>
      %dma_wait3A_225 = arith.constant 0 : i32
      %dma_wait3A_226 = tpu.memref_slice %arg19[%add3A_16, %dma_wait3A_225] : memref<10240x128xf32, #tpu.memory_space<vmem_shared>> -> memref<40x128xf32, #tpu.memory_space<vmem_shared>>
      tpu.wait_dma2 semaphore(%run_scoped3A_218 : memref<!tpu.dma_semaphore, #tpu.memory_space<semaphore_mem>>) src(%arg13 : memref<40x128xf32, #tpu.memory_space<vmem>>) dst(%dma_wait3A_226 : memref<40x128xf32, #tpu.memory_space<vmem_shared>>)
      tpu.yield
    }) : () -> ()
    %add3A_17 = arith.constant 280 : i32
    %add3A_18 = arith.addi %mul3A_2, %add3A_17 : i32
    "tpu.region"() ({
      %run_scoped3A_218 = tpu.sem_alloc : memref<!tpu.dma_semaphore, #tpu.memory_space<semaphore_mem>>
      %dma_start3A_219 = arith.constant 0 : i32
      %dma_start3A_220 = tpu.memref_slice %arg19[%add3A_18, %dma_start3A_219] : memref<10240x128xf32, #tpu.memory_space<vmem_shared>> -> memref<40x128xf32, #tpu.memory_space<vmem_shared>>
      %dma_start3A_221 = arith.constant 0 : i32
      %dma_start3A_222 = tpu.memref_slice %arg19[%add3A_18, %dma_start3A_221] : memref<10240x128xf32, #tpu.memory_space<vmem_shared>> -> memref<40x128xf32, #tpu.memory_space<vmem_shared>>
      tpu.enqueue_dma source(%arg13 : memref<40x128xf32, #tpu.memory_space<vmem>>) target(%dma_start3A_222 : memref<40x128xf32, #tpu.memory_space<vmem_shared>>) target_semaphore(%run_scoped3A_218 : memref<!tpu.dma_semaphore, #tpu.memory_space<semaphore_mem>>)
      %dma_wait3A_223 = arith.constant 0 : i32
      %dma_wait3A_224 = tpu.memref_slice %arg19[%add3A_18, %dma_wait3A_223] : memref<10240x128xf32, #tpu.memory_space<vmem_shared>> -> memref<40x128xf32, #tpu.memory_space<vmem_shared>>
      %dma_wait3A_225 = arith.constant 0 : i32
      %dma_wait3A_226 = tpu.memref_slice %arg19[%add3A_18, %dma_wait3A_225] : memref<10240x128xf32, #tpu.memory_space<vmem_shared>> -> memref<40x128xf32, #tpu.memory_space<vmem_shared>>
      tpu.wait_dma2 semaphore(%run_scoped3A_218 : memref<!tpu.dma_semaphore, #tpu.memory_space<semaphore_mem>>) src(%arg13 : memref<40x128xf32, #tpu.memory_space<vmem>>) dst(%dma_wait3A_226 : memref<40x128xf32, #tpu.memory_space<vmem_shared>>)
      tpu.yield
    }) : () -> ()
    %add3A_19 = arith.constant 320 : i32
    %add3A_20 = arith.addi %mul3A_2, %add3A_19 : i32
    "tpu.region"() ({
      %run_scoped3A_218 = tpu.sem_alloc : memref<!tpu.dma_semaphore, #tpu.memory_space<semaphore_mem>>
      %dma_start3A_219 = arith.constant 0 : i32
      %dma_start3A_220 = tpu.memref_slice %arg19[%add3A_20, %dma_start3A_219] : memref<10240x128xf32, #tpu.memory_space<vmem_shared>> -> memref<40x128xf32, #tpu.memory_space<vmem_shared>>
      %dma_start3A_221 = arith.constant 0 : i32
      %dma_start3A_222 = tpu.memref_slice %arg19[%add3A_20, %dma_start3A_221] : memref<10240x128xf32, #tpu.memory_space<vmem_shared>> -> memref<40x128xf32, #tpu.memory_space<vmem_shared>>
      tpu.enqueue_dma source(%arg13 : memref<40x128xf32, #tpu.memory_space<vmem>>) target(%dma_start3A_222 : memref<40x128xf32, #tpu.memory_space<vmem_shared>>) target_semaphore(%run_scoped3A_218 : memref<!tpu.dma_semaphore, #tpu.memory_space<semaphore_mem>>)
      %dma_wait3A_223 = arith.constant 0 : i32
      %dma_wait3A_224 = tpu.memref_slice %arg19[%add3A_20, %dma_wait3A_223] : memref<10240x128xf32, #tpu.memory_space<vmem_shared>> -> memref<40x128xf32, #tpu.memory_space<vmem_shared>>
      %dma_wait3A_225 = arith.constant 0 : i32
      %dma_wait3A_226 = tpu.memref_slice %arg19[%add3A_20, %dma_wait3A_225] : memref<10240x128xf32, #tpu.memory_space<vmem_shared>> -> memref<40x128xf32, #tpu.memory_space<vmem_shared>>
      tpu.wait_dma2 semaphore(%run_scoped3A_218 : memref<!tpu.dma_semaphore, #tpu.memory_space<semaphore_mem>>) src(%arg13 : memref<40x128xf32, #tpu.memory_space<vmem>>) dst(%dma_wait3A_226 : memref<40x128xf32, #tpu.memory_space<vmem_shared>>)
      tpu.yield
    }) : () -> ()
    %add3A_21 = arith.constant 360 : i32
    %add3A_22 = arith.addi %mul3A_2, %add3A_21 : i32
    "tpu.region"() ({
      %run_scoped3A_218 = tpu.sem_alloc : memref<!tpu.dma_semaphore, #tpu.memory_space<semaphore_mem>>
      %dma_start3A_219 = arith.constant 0 : i32
      %dma_start3A_220 = tpu.memref_slice %arg19[%add3A_22, %dma_start3A_219] : memref<10240x128xf32, #tpu.memory_space<vmem_shared>> -> memref<40x128xf32, #tpu.memory_space<vmem_shared>>
      %dma_start3A_221 = arith.constant 0 : i32
      %dma_start3A_222 = tpu.memref_slice %arg19[%add3A_22, %dma_start3A_221] : memref<10240x128xf32, #tpu.memory_space<vmem_shared>> -> memref<40x128xf32, #tpu.memory_space<vmem_shared>>
      tpu.enqueue_dma source(%arg13 : memref<40x128xf32, #tpu.memory_space<vmem>>) target(%dma_start3A_222 : memref<40x128xf32, #tpu.memory_space<vmem_shared>>) target_semaphore(%run_scoped3A_218 : memref<!tpu.dma_semaphore, #tpu.memory_space<semaphore_mem>>)
      %dma_wait3A_223 = arith.constant 0 : i32
      %dma_wait3A_224 = tpu.memref_slice %arg19[%add3A_22, %dma_wait3A_223] : memref<10240x128xf32, #tpu.memory_space<vmem_shared>> -> memref<40x128xf32, #tpu.memory_space<vmem_shared>>
      %dma_wait3A_225 = arith.constant 0 : i32
      %dma_wait3A_226 = tpu.memref_slice %arg19[%add3A_22, %dma_wait3A_225] : memref<10240x128xf32, #tpu.memory_space<vmem_shared>> -> memref<40x128xf32, #tpu.memory_space<vmem_shared>>
      tpu.wait_dma2 semaphore(%run_scoped3A_218 : memref<!tpu.dma_semaphore, #tpu.memory_space<semaphore_mem>>) src(%arg13 : memref<40x128xf32, #tpu.memory_space<vmem>>) dst(%dma_wait3A_226 : memref<40x128xf32, #tpu.memory_space<vmem_shared>>)
      tpu.yield
    }) : () -> ()
    %add3A_23 = arith.constant 400 : i32
    %add3A_24 = arith.addi %mul3A_2, %add3A_23 : i32
    "tpu.region"() ({
      %run_scoped3A_218 = tpu.sem_alloc : memref<!tpu.dma_semaphore, #tpu.memory_space<semaphore_mem>>
      %dma_start3A_219 = arith.constant 0 : i32
      %dma_start3A_220 = tpu.memref_slice %arg19[%add3A_24, %dma_start3A_219] : memref<10240x128xf32, #tpu.memory_space<vmem_shared>> -> memref<40x128xf32, #tpu.memory_space<vmem_shared>>
      %dma_start3A_221 = arith.constant 0 : i32
      %dma_start3A_222 = tpu.memref_slice %arg19[%add3A_24, %dma_start3A_221] : memref<10240x128xf32, #tpu.memory_space<vmem_shared>> -> memref<40x128xf32, #tpu.memory_space<vmem_shared>>
      tpu.enqueue_dma source(%arg13 : memref<40x128xf32, #tpu.memory_space<vmem>>) target(%dma_start3A_222 : memref<40x128xf32, #tpu.memory_space<vmem_shared>>) target_semaphore(%run_scoped3A_218 : memref<!tpu.dma_semaphore, #tpu.memory_space<semaphore_mem>>)
      %dma_wait3A_223 = arith.constant 0 : i32
      %dma_wait3A_224 = tpu.memref_slice %arg19[%add3A_24, %dma_wait3A_223] : memref<10240x128xf32, #tpu.memory_space<vmem_shared>> -> memref<40x128xf32, #tpu.memory_space<vmem_shared>>
      %dma_wait3A_225 = arith.constant 0 : i32
      %dma_wait3A_226 = tpu.memref_slice %arg19[%add3A_24, %dma_wait3A_225] : memref<10240x128xf32, #tpu.memory_space<vmem_shared>> -> memref<40x128xf32, #tpu.memory_space<vmem_shared>>
      tpu.wait_dma2 semaphore(%run_scoped3A_218 : memref<!tpu.dma_semaphore, #tpu.memory_space<semaphore_mem>>) src(%arg13 : memref<40x128xf32, #tpu.memory_space<vmem>>) dst(%dma_wait3A_226 : memref<40x128xf32, #tpu.memory_space<vmem_shared>>)
      tpu.yield
    }) : () -> ()
    %add3A_25 = arith.constant 440 : i32
    %add3A_26 = arith.addi %mul3A_2, %add3A_25 : i32
    "tpu.region"() ({
      %run_scoped3A_218 = tpu.sem_alloc : memref<!tpu.dma_semaphore, #tpu.memory_space<semaphore_mem>>
      %dma_start3A_219 = arith.constant 0 : i32
      %dma_start3A_220 = tpu.memref_slice %arg19[%add3A_26, %dma_start3A_219] : memref<10240x128xf32, #tpu.memory_space<vmem_shared>> -> memref<40x128xf32, #tpu.memory_space<vmem_shared>>
      %dma_start3A_221 = arith.constant 0 : i32
      %dma_start3A_222 = tpu.memref_slice %arg19[%add3A_26, %dma_start3A_221] : memref<10240x128xf32, #tpu.memory_space<vmem_shared>> -> memref<40x128xf32, #tpu.memory_space<vmem_shared>>
      tpu.enqueue_dma source(%arg13 : memref<40x128xf32, #tpu.memory_space<vmem>>) target(%dma_start3A_222 : memref<40x128xf32, #tpu.memory_space<vmem_shared>>) target_semaphore(%run_scoped3A_218 : memref<!tpu.dma_semaphore, #tpu.memory_space<semaphore_mem>>)
      %dma_wait3A_223 = arith.constant 0 : i32
      %dma_wait3A_224 = tpu.memref_slice %arg19[%add3A_26, %dma_wait3A_223] : memref<10240x128xf32, #tpu.memory_space<vmem_shared>> -> memref<40x128xf32, #tpu.memory_space<vmem_shared>>
      %dma_wait3A_225 = arith.constant 0 : i32
      %dma_wait3A_226 = tpu.memref_slice %arg19[%add3A_26, %dma_wait3A_225] : memref<10240x128xf32, #tpu.memory_space<vmem_shared>> -> memref<40x128xf32, #tpu.memory_space<vmem_shared>>
      tpu.wait_dma2 semaphore(%run_scoped3A_218 : memref<!tpu.dma_semaphore, #tpu.memory_space<semaphore_mem>>) src(%arg13 : memref<40x128xf32, #tpu.memory_space<vmem>>) dst(%dma_wait3A_226 : memref<40x128xf32, #tpu.memory_space<vmem_shared>>)
      tpu.yield
    }) : () -> ()
    %add3A_27 = arith.constant 480 : i32
    %add3A_28 = arith.addi %mul3A_2, %add3A_27 : i32
    "tpu.region"() ({
      %run_scoped3A_218 = tpu.sem_alloc : memref<!tpu.dma_semaphore, #tpu.memory_space<semaphore_mem>>
      %dma_start3A_219 = arith.constant 0 : i32
      %dma_start3A_220 = tpu.memref_slice %arg19[%add3A_28, %dma_start3A_219] : memref<10240x128xf32, #tpu.memory_space<vmem_shared>> -> memref<40x128xf32, #tpu.memory_space<vmem_shared>>
      %dma_start3A_221 = arith.constant 0 : i32
      %dma_start3A_222 = tpu.memref_slice %arg19[%add3A_28, %dma_start3A_221] : memref<10240x128xf32, #tpu.memory_space<vmem_shared>> -> memref<40x128xf32, #tpu.memory_space<vmem_shared>>
      tpu.enqueue_dma source(%arg13 : memref<40x128xf32, #tpu.memory_space<vmem>>) target(%dma_start3A_222 : memref<40x128xf32, #tpu.memory_space<vmem_shared>>) target_semaphore(%run_scoped3A_218 : memref<!tpu.dma_semaphore, #tpu.memory_space<semaphore_mem>>)
      %dma_wait3A_223 = arith.constant 0 : i32
      %dma_wait3A_224 = tpu.memref_slice %arg19[%add3A_28, %dma_wait3A_223] : memref<10240x128xf32, #tpu.memory_space<vmem_shared>> -> memref<40x128xf32, #tpu.memory_space<vmem_shared>>
      %dma_wait3A_225 = arith.constant 0 : i32
      %dma_wait3A_226 = tpu.memref_slice %arg19[%add3A_28, %dma_wait3A_225] : memref<10240x128xf32, #tpu.memory_space<vmem_shared>> -> memref<40x128xf32, #tpu.memory_space<vmem_shared>>
      tpu.wait_dma2 semaphore(%run_scoped3A_218 : memref<!tpu.dma_semaphore, #tpu.memory_space<semaphore_mem>>) src(%arg13 : memref<40x128xf32, #tpu.memory_space<vmem>>) dst(%dma_wait3A_226 : memref<40x128xf32, #tpu.memory_space<vmem_shared>>)
      tpu.yield
    }) : () -> ()
    %add3A_29 = arith.constant 520 : i32
    %add3A_30 = arith.addi %mul3A_2, %add3A_29 : i32
    "tpu.region"() ({
      %run_scoped3A_218 = tpu.sem_alloc : memref<!tpu.dma_semaphore, #tpu.memory_space<semaphore_mem>>
      %dma_start3A_219 = arith.constant 0 : i32
      %dma_start3A_220 = tpu.memref_slice %arg19[%add3A_30, %dma_start3A_219] : memref<10240x128xf32, #tpu.memory_space<vmem_shared>> -> memref<40x128xf32, #tpu.memory_space<vmem_shared>>
      %dma_start3A_221 = arith.constant 0 : i32
      %dma_start3A_222 = tpu.memref_slice %arg19[%add3A_30, %dma_start3A_221] : memref<10240x128xf32, #tpu.memory_space<vmem_shared>> -> memref<40x128xf32, #tpu.memory_space<vmem_shared>>
      tpu.enqueue_dma source(%arg13 : memref<40x128xf32, #tpu.memory_space<vmem>>) target(%dma_start3A_222 : memref<40x128xf32, #tpu.memory_space<vmem_shared>>) target_semaphore(%run_scoped3A_218 : memref<!tpu.dma_semaphore, #tpu.memory_space<semaphore_mem>>)
      %dma_wait3A_223 = arith.constant 0 : i32
      %dma_wait3A_224 = tpu.memref_slice %arg19[%add3A_30, %dma_wait3A_223] : memref<10240x128xf32, #tpu.memory_space<vmem_shared>> -> memref<40x128xf32, #tpu.memory_space<vmem_shared>>
      %dma_wait3A_225 = arith.constant 0 : i32
      %dma_wait3A_226 = tpu.memref_slice %arg19[%add3A_30, %dma_wait3A_225] : memref<10240x128xf32, #tpu.memory_space<vmem_shared>> -> memref<40x128xf32, #tpu.memory_space<vmem_shared>>
      tpu.wait_dma2 semaphore(%run_scoped3A_218 : memref<!tpu.dma_semaphore, #tpu.memory_space<semaphore_mem>>) src(%arg13 : memref<40x128xf32, #tpu.memory_space<vmem>>) dst(%dma_wait3A_226 : memref<40x128xf32, #tpu.memory_space<vmem_shared>>)
      tpu.yield
    }) : () -> ()
    %add3A_31 = arith.constant 560 : i32
    %add3A_32 = arith.addi %mul3A_2, %add3A_31 : i32
    "tpu.region"() ({
      %run_scoped3A_218 = tpu.sem_alloc : memref<!tpu.dma_semaphore, #tpu.memory_space<semaphore_mem>>
      %dma_start3A_219 = arith.constant 0 : i32
      %dma_start3A_220 = tpu.memref_slice %arg19[%add3A_32, %dma_start3A_219] : memref<10240x128xf32, #tpu.memory_space<vmem_shared>> -> memref<40x128xf32, #tpu.memory_space<vmem_shared>>
      %dma_start3A_221 = arith.constant 0 : i32
      %dma_start3A_222 = tpu.memref_slice %arg19[%add3A_32, %dma_start3A_221] : memref<10240x128xf32, #tpu.memory_space<vmem_shared>> -> memref<40x128xf32, #tpu.memory_space<vmem_shared>>
      tpu.enqueue_dma source(%arg13 : memref<40x128xf32, #tpu.memory_space<vmem>>) target(%dma_start3A_222 : memref<40x128xf32, #tpu.memory_space<vmem_shared>>) target_semaphore(%run_scoped3A_218 : memref<!tpu.dma_semaphore, #tpu.memory_space<semaphore_mem>>)
      %dma_wait3A_223 = arith.constant 0 : i32
      %dma_wait3A_224 = tpu.memref_slice %arg19[%add3A_32, %dma_wait3A_223] : memref<10240x128xf32, #tpu.memory_space<vmem_shared>> -> memref<40x128xf32, #tpu.memory_space<vmem_shared>>
      %dma_wait3A_225 = arith.constant 0 : i32
      %dma_wait3A_226 = tpu.memref_slice %arg19[%add3A_32, %dma_wait3A_225] : memref<10240x128xf32, #tpu.memory_space<vmem_shared>> -> memref<40x128xf32, #tpu.memory_space<vmem_shared>>
      tpu.wait_dma2 semaphore(%run_scoped3A_218 : memref<!tpu.dma_semaphore, #tpu.memory_space<semaphore_mem>>) src(%arg13 : memref<40x128xf32, #tpu.memory_space<vmem>>) dst(%dma_wait3A_226 : memref<40x128xf32, #tpu.memory_space<vmem_shared>>)
      tpu.yield
    }) : () -> ()
    %add3A_33 = arith.constant 600 : i32
    %add3A_34 = arith.addi %mul3A_2, %add3A_33 : i32
    "tpu.region"() ({
      %run_scoped3A_218 = tpu.sem_alloc : memref<!tpu.dma_semaphore, #tpu.memory_space<semaphore_mem>>
      %dma_start3A_219 = arith.constant 0 : i32
      %dma_start3A_220 = tpu.memref_slice %arg19[%add3A_34, %dma_start3A_219] : memref<10240x128xf32, #tpu.memory_space<vmem_shared>> -> memref<40x128xf32, #tpu.memory_space<vmem_shared>>
      %dma_start3A_221 = arith.constant 0 : i32
      %dma_start3A_222 = tpu.memref_slice %arg19[%add3A_34, %dma_start3A_221] : memref<10240x128xf32, #tpu.memory_space<vmem_shared>> -> memref<40x128xf32, #tpu.memory_space<vmem_shared>>
      tpu.enqueue_dma source(%arg13 : memref<40x128xf32, #tpu.memory_space<vmem>>) target(%dma_start3A_222 : memref<40x128xf32, #tpu.memory_space<vmem_shared>>) target_semaphore(%run_scoped3A_218 : memref<!tpu.dma_semaphore, #tpu.memory_space<semaphore_mem>>)
      %dma_wait3A_223 = arith.constant 0 : i32
      %dma_wait3A_224 = tpu.memref_slice %arg19[%add3A_34, %dma_wait3A_223] : memref<10240x128xf32, #tpu.memory_space<vmem_shared>> -> memref<40x128xf32, #tpu.memory_space<vmem_shared>>
      %dma_wait3A_225 = arith.constant 0 : i32
      %dma_wait3A_226 = tpu.memref_slice %arg19[%add3A_34, %dma_wait3A_225] : memref<10240x128xf32, #tpu.memory_space<vmem_shared>> -> memref<40x128xf32, #tpu.memory_space<vmem_shared>>
      tpu.wait_dma2 semaphore(%run_scoped3A_218 : memref<!tpu.dma_semaphore, #tpu.memory_space<semaphore_mem>>) src(%arg13 : memref<40x128xf32, #tpu.memory_space<vmem>>) dst(%dma_wait3A_226 : memref<40x128xf32, #tpu.memory_space<vmem_shared>>)
      tpu.yield
    }) : () -> ()
    %barrier3A = arith.constant 0 : index
    tpu.barrier barrier_id(%barrier3A)
    %mul3A_35 = arith.constant 10000 : i32
    %mul3A_36 = arith.muli %add3A, %mul3A_35 : i32
    %add3A_37 = arith.constant 0 : i32
    %add3A_38 = arith.addi %mul3A_36, %add3A_37 : i32
    %run_scoped3A = arith.constant 0 : i32
    "tpu.region"() ({
      %run_scoped3A_218 = tpu.sem_alloc : memref<!tpu.dma_semaphore, #tpu.memory_space<semaphore_mem>>
      %dma_start3A_219 = arith.constant 0 : i32
      %dma_start3A_220 = tpu.memref_slice %arg11[%run_scoped3A, %dma_start3A_219] : memref<2x40xi32, #tpu.memory_space<vmem>> -> memref<1x40xi32, #tpu.memory_space<vmem>>
      %dma_start3A_221 = tpu.memref_squeeze %dma_start3A_220 : memref<1x40xi32, #tpu.memory_space<vmem>> -> memref<40xi32, #tpu.memory_space<vmem>>
      %dma_start3A_222 = tpu.memref_slice %arg6[%add3A_38] : memref<320000xi32, #tpu.memory_space<hbm>> -> memref<40xi32, #tpu.memory_space<hbm>>
      %dma_start3A_223 = arith.constant 0 : i32
      %dma_start3A_224 = tpu.memref_slice %arg11[%run_scoped3A, %dma_start3A_223] : memref<2x40xi32, #tpu.memory_space<vmem>> -> memref<1x40xi32, #tpu.memory_space<vmem>>
      %dma_start3A_225 = tpu.memref_squeeze %dma_start3A_224 : memref<1x40xi32, #tpu.memory_space<vmem>> -> memref<40xi32, #tpu.memory_space<vmem>>
      %dma_start3A_226 = tpu.memref_slice %arg6[%add3A_38] : memref<320000xi32, #tpu.memory_space<hbm>> -> memref<40xi32, #tpu.memory_space<hbm>>
      tpu.enqueue_dma source(%dma_start3A_226 : memref<40xi32, #tpu.memory_space<hbm>>) target(%dma_start3A_225 : memref<40xi32, #tpu.memory_space<vmem>>) target_semaphore(%run_scoped3A_218 : memref<!tpu.dma_semaphore, #tpu.memory_space<semaphore_mem>>)
      %dma_wait3A_227 = arith.constant 0 : i32
      %dma_wait3A_228 = tpu.memref_slice %arg11[%run_scoped3A, %dma_wait3A_227] : memref<2x40xi32, #tpu.memory_space<vmem>> -> memref<1x40xi32, #tpu.memory_space<vmem>>
      %dma_wait3A_229 = tpu.memref_squeeze %dma_wait3A_228 : memref<1x40xi32, #tpu.memory_space<vmem>> -> memref<40xi32, #tpu.memory_space<vmem>>
      %dma_wait3A_230 = tpu.memref_slice %arg6[%add3A_38] : memref<320000xi32, #tpu.memory_space<hbm>> -> memref<40xi32, #tpu.memory_space<hbm>>
      %dma_wait3A_231 = arith.constant 0 : i32
      %dma_wait3A_232 = tpu.memref_slice %arg11[%run_scoped3A, %dma_wait3A_231] : memref<2x40xi32, #tpu.memory_space<vmem>> -> memref<1x40xi32, #tpu.memory_space<vmem>>
      %dma_wait3A_233 = tpu.memref_squeeze %dma_wait3A_232 : memref<1x40xi32, #tpu.memory_space<vmem>> -> memref<40xi32, #tpu.memory_space<vmem>>
      %dma_wait3A_234 = tpu.memref_slice %arg6[%add3A_38] : memref<320000xi32, #tpu.memory_space<hbm>> -> memref<40xi32, #tpu.memory_space<hbm>>
      tpu.wait_dma2 semaphore(%run_scoped3A_218 : memref<!tpu.dma_semaphore, #tpu.memory_space<semaphore_mem>>) src(%dma_wait3A_234 : memref<40xi32, #tpu.memory_space<hbm>>) dst(%dma_wait3A_233 : memref<40xi32, #tpu.memory_space<vmem>>)
      tpu.yield
    }) : () -> ()
    %run_scoped3A_39 = arith.constant 0 : i32
    "tpu.region"() ({
      %run_scoped3A_218 = tpu.sem_alloc : memref<!tpu.dma_semaphore, #tpu.memory_space<semaphore_mem>>
      %dma_start3A_219 = arith.constant 0 : i32
      %dma_start3A_220 = tpu.memref_slice %arg12[%run_scoped3A_39, %dma_start3A_219] : memref<2x40xi32, #tpu.memory_space<vmem>> -> memref<1x40xi32, #tpu.memory_space<vmem>>
      %dma_start3A_221 = tpu.memref_squeeze %dma_start3A_220 : memref<1x40xi32, #tpu.memory_space<vmem>> -> memref<40xi32, #tpu.memory_space<vmem>>
      %dma_start3A_222 = tpu.memref_slice %arg5[%add3A_38] : memref<320000xi32, #tpu.memory_space<hbm>> -> memref<40xi32, #tpu.memory_space<hbm>>
      %dma_start3A_223 = arith.constant 0 : i32
      %dma_start3A_224 = tpu.memref_slice %arg12[%run_scoped3A_39, %dma_start3A_223] : memref<2x40xi32, #tpu.memory_space<vmem>> -> memref<1x40xi32, #tpu.memory_space<vmem>>
      %dma_start3A_225 = tpu.memref_squeeze %dma_start3A_224 : memref<1x40xi32, #tpu.memory_space<vmem>> -> memref<40xi32, #tpu.memory_space<vmem>>
      %dma_start3A_226 = tpu.memref_slice %arg5[%add3A_38] : memref<320000xi32, #tpu.memory_space<hbm>> -> memref<40xi32, #tpu.memory_space<hbm>>
      tpu.enqueue_dma source(%dma_start3A_226 : memref<40xi32, #tpu.memory_space<hbm>>) target(%dma_start3A_225 : memref<40xi32, #tpu.memory_space<vmem>>) target_semaphore(%run_scoped3A_218 : memref<!tpu.dma_semaphore, #tpu.memory_space<semaphore_mem>>)
      %dma_wait3A_227 = arith.constant 0 : i32
      %dma_wait3A_228 = tpu.memref_slice %arg12[%run_scoped3A_39, %dma_wait3A_227] : memref<2x40xi32, #tpu.memory_space<vmem>> -> memref<1x40xi32, #tpu.memory_space<vmem>>
      %dma_wait3A_229 = tpu.memref_squeeze %dma_wait3A_228 : memref<1x40xi32, #tpu.memory_space<vmem>> -> memref<40xi32, #tpu.memory_space<vmem>>
      %dma_wait3A_230 = tpu.memref_slice %arg5[%add3A_38] : memref<320000xi32, #tpu.memory_space<hbm>> -> memref<40xi32, #tpu.memory_space<hbm>>
      %dma_wait3A_231 = arith.constant 0 : i32
      %dma_wait3A_232 = tpu.memref_slice %arg12[%run_scoped3A_39, %dma_wait3A_231] : memref<2x40xi32, #tpu.memory_space<vmem>> -> memref<1x40xi32, #tpu.memory_space<vmem>>
      %dma_wait3A_233 = tpu.memref_squeeze %dma_wait3A_232 : memref<1x40xi32, #tpu.memory_space<vmem>> -> memref<40xi32, #tpu.memory_space<vmem>>
      %dma_wait3A_234 = tpu.memref_slice %arg5[%add3A_38] : memref<320000xi32, #tpu.memory_space<hbm>> -> memref<40xi32, #tpu.memory_space<hbm>>
      tpu.wait_dma2 semaphore(%run_scoped3A_218 : memref<!tpu.dma_semaphore, #tpu.memory_space<semaphore_mem>>) src(%dma_wait3A_234 : memref<40xi32, #tpu.memory_space<hbm>>) dst(%dma_wait3A_233 : memref<40xi32, #tpu.memory_space<vmem>>)
      tpu.yield
    }) : () -> ()
    %dma_start3A = arith.constant 0 : i32
    %dma_start3A_40 = arith.constant 0 : i32
    %dma_start3A_41 = tpu.memref_slice %arg11[%dma_start3A, %dma_start3A_40] : memref<2x40xi32, #tpu.memory_space<vmem>> -> memref<1x40xi32, #tpu.memory_space<vmem>>
    %dma_start3A_42 = tpu.memref_squeeze %dma_start3A_41 : memref<1x40xi32, #tpu.memory_space<vmem>> -> memref<40xi32, #tpu.memory_space<vmem>>
    %dma_start3A_43 = arith.constant 0 : i32
    %dma_start3A_44 = arith.constant 0 : i32
    %dma_start3A_45 = tpu.memref_slice %arg2[%dma_start3A_43, %dma_start3A_44] : memref<10000x128xf32, #tpu.memory_space<hbm>> -> memref<10000x128xf32, #tpu.memory_space<hbm>>
    tpu.enqueue_indirect_dma source(%dma_start3A_45 : memref<10000x128xf32, #tpu.memory_space<hbm>>) target(%arg13 : memref<40x128xf32, #tpu.memory_space<vmem>>) offsets(%dma_start3A_42 : memref<40xi32, #tpu.memory_space<vmem>>) semaphore(%arg20 : memref<!tpu.dma_semaphore, #tpu.memory_space<semaphore_mem>>)
    %dma_start3A_46 = arith.constant 0 : i32
    %dma_start3A_47 = arith.constant 0 : i32
    %dma_start3A_48 = tpu.memref_slice %arg12[%dma_start3A_46, %dma_start3A_47] : memref<2x40xi32, #tpu.memory_space<vmem>> -> memref<1x40xi32, #tpu.memory_space<vmem>>
    %dma_start3A_49 = tpu.memref_squeeze %dma_start3A_48 : memref<1x40xi32, #tpu.memory_space<vmem>> -> memref<40xi32, #tpu.memory_space<vmem>>
    %dma_start3A_50 = arith.constant 0 : i32
    %dma_start3A_51 = arith.constant 0 : i32
    %dma_start3A_52 = tpu.memref_slice %arg3[%dma_start3A_50, %dma_start3A_51] : memref<10000x128xf32, #tpu.memory_space<hbm>> -> memref<10000x128xf32, #tpu.memory_space<hbm>>
    tpu.enqueue_indirect_dma source(%dma_start3A_52 : memref<10000x128xf32, #tpu.memory_space<hbm>>) target(%arg14 : memref<40x128xf32, #tpu.memory_space<vmem>>) offsets(%dma_start3A_49 : memref<40xi32, #tpu.memory_space<vmem>>) semaphore(%arg20 : memref<!tpu.dma_semaphore, #tpu.memory_space<semaphore_mem>>)
    %dma_start3A_53 = arith.constant 0 : i32
    %dma_start3A_54 = arith.constant 0 : i32
    %dma_start3A_55 = tpu.memref_slice %arg12[%dma_start3A_53, %dma_start3A_54] : memref<2x40xi32, #tpu.memory_space<vmem>> -> memref<1x40xi32, #tpu.memory_space<vmem>>
    %dma_start3A_56 = tpu.memref_squeeze %dma_start3A_55 : memref<1x40xi32, #tpu.memory_space<vmem>> -> memref<40xi32, #tpu.memory_space<vmem>>
    %dma_start3A_57 = arith.constant 0 : i32
    %dma_start3A_58 = arith.constant 0 : i32
    %dma_start3A_59 = tpu.memref_slice %arg4[%dma_start3A_57, %dma_start3A_58] : memref<10000x128xf32, #tpu.memory_space<hbm>> -> memref<10000x128xf32, #tpu.memory_space<hbm>>
    tpu.enqueue_indirect_dma source(%dma_start3A_59 : memref<10000x128xf32, #tpu.memory_space<hbm>>) target(%arg15 : memref<40x128xf32, #tpu.memory_space<vmem>>) offsets(%dma_start3A_56 : memref<40xi32, #tpu.memory_space<vmem>>) semaphore(%arg20 : memref<!tpu.dma_semaphore, #tpu.memory_space<semaphore_mem>>)
    %scan3A = arith.constant 0 : i32
    %scan3A_60 = arith.constant 0 : i32
    %scan3A_61 = arith.constant 124 : i32
    %scan3A_62 = arith.addi %scan3A_60, %scan3A_61 : i32
    %scan3A_63 = arith.constant 1 : i32
    scf.for %scan3A_218 = %scan3A_60 to %scan3A_62 step %scan3A_63  : i32 {
      %mul3A_219 = arith.constant 2 : i32
      %mul3A_220 = arith.muli %mul3A_219, %scan3A_218 : i32
      %add3A_221 = arith.constant 1 : i32
      %add3A_222 = arith.addi %mul3A_220, %add3A_221 : i32
      %mul3A_223 = arith.constant 40 : i32
      %mul3A_224 = arith.muli %add3A_222, %mul3A_223 : i32
      %add3A_225 = arith.addi %mul3A_36, %mul3A_224 : i32
      %run_scoped3A_226 = arith.constant 1 : i32
      "tpu.region"() ({
        %run_scoped3A_329 = tpu.sem_alloc : memref<!tpu.dma_semaphore, #tpu.memory_space<semaphore_mem>>
        %dma_start3A_330 = arith.constant 0 : i32
        %dma_start3A_331 = tpu.memref_slice %arg11[%run_scoped3A_226, %dma_start3A_330] : memref<2x40xi32, #tpu.memory_space<vmem>> -> memref<1x40xi32, #tpu.memory_space<vmem>>
        %dma_start3A_332 = tpu.memref_squeeze %dma_start3A_331 : memref<1x40xi32, #tpu.memory_space<vmem>> -> memref<40xi32, #tpu.memory_space<vmem>>
        %dma_start3A_333 = tpu.memref_slice %arg6[%add3A_225] : memref<320000xi32, #tpu.memory_space<hbm>> -> memref<40xi32, #tpu.memory_space<hbm>>
        %dma_start3A_334 = arith.constant 0 : i32
        %dma_start3A_335 = tpu.memref_slice %arg11[%run_scoped3A_226, %dma_start3A_334] : memref<2x40xi32, #tpu.memory_space<vmem>> -> memref<1x40xi32, #tpu.memory_space<vmem>>
        %dma_start3A_336 = tpu.memref_squeeze %dma_start3A_335 : memref<1x40xi32, #tpu.memory_space<vmem>> -> memref<40xi32, #tpu.memory_space<vmem>>
        %dma_start3A_337 = tpu.memref_slice %arg6[%add3A_225] : memref<320000xi32, #tpu.memory_space<hbm>> -> memref<40xi32, #tpu.memory_space<hbm>>
        tpu.enqueue_dma source(%dma_start3A_337 : memref<40xi32, #tpu.memory_space<hbm>>) target(%dma_start3A_336 : memref<40xi32, #tpu.memory_space<vmem>>) target_semaphore(%run_scoped3A_329 : memref<!tpu.dma_semaphore, #tpu.memory_space<semaphore_mem>>)
        %dma_wait3A_338 = arith.constant 0 : i32
        %dma_wait3A_339 = tpu.memref_slice %arg11[%run_scoped3A_226, %dma_wait3A_338] : memref<2x40xi32, #tpu.memory_space<vmem>> -> memref<1x40xi32, #tpu.memory_space<vmem>>
        %dma_wait3A_340 = tpu.memref_squeeze %dma_wait3A_339 : memref<1x40xi32, #tpu.memory_space<vmem>> -> memref<40xi32, #tpu.memory_space<vmem>>
        %dma_wait3A_341 = tpu.memref_slice %arg6[%add3A_225] : memref<320000xi32, #tpu.memory_space<hbm>> -> memref<40xi32, #tpu.memory_space<hbm>>
        %dma_wait3A_342 = arith.constant 0 : i32
        %dma_wait3A_343 = tpu.memref_slice %arg11[%run_scoped3A_226, %dma_wait3A_342] : memref<2x40xi32, #tpu.memory_space<vmem>> -> memref<1x40xi32, #tpu.memory_space<vmem>>
        %dma_wait3A_344 = tpu.memref_squeeze %dma_wait3A_343 : memref<1x40xi32, #tpu.memory_space<vmem>> -> memref<40xi32, #tpu.memory_space<vmem>>
        %dma_wait3A_345 = tpu.memref_slice %arg6[%add3A_225] : memref<320000xi32, #tpu.memory_space<hbm>> -> memref<40xi32, #tpu.memory_space<hbm>>
        tpu.wait_dma2 semaphore(%run_scoped3A_329 : memref<!tpu.dma_semaphore, #tpu.memory_space<semaphore_mem>>) src(%dma_wait3A_345 : memref<40xi32, #tpu.memory_space<hbm>>) dst(%dma_wait3A_344 : memref<40xi32, #tpu.memory_space<vmem>>)
        tpu.yield
      }) : () -> ()
      %run_scoped3A_227 = arith.constant 1 : i32
      "tpu.region"() ({
        %run_scoped3A_329 = tpu.sem_alloc : memref<!tpu.dma_semaphore, #tpu.memory_space<semaphore_mem>>
        %dma_start3A_330 = arith.constant 0 : i32
        %dma_start3A_331 = tpu.memref_slice %arg12[%run_scoped3A_227, %dma_start3A_330] : memref<2x40xi32, #tpu.memory_space<vmem>> -> memref<1x40xi32, #tpu.memory_space<vmem>>
        %dma_start3A_332 = tpu.memref_squeeze %dma_start3A_331 : memref<1x40xi32, #tpu.memory_space<vmem>> -> memref<40xi32, #tpu.memory_space<vmem>>
        %dma_start3A_333 = tpu.memref_slice %arg5[%add3A_225] : memref<320000xi32, #tpu.memory_space<hbm>> -> memref<40xi32, #tpu.memory_space<hbm>>
        %dma_start3A_334 = arith.constant 0 : i32
        %dma_start3A_335 = tpu.memref_slice %arg12[%run_scoped3A_227, %dma_start3A_334] : memref<2x40xi32, #tpu.memory_space<vmem>> -> memref<1x40xi32, #tpu.memory_space<vmem>>
        %dma_start3A_336 = tpu.memref_squeeze %dma_start3A_335 : memref<1x40xi32, #tpu.memory_space<vmem>> -> memref<40xi32, #tpu.memory_space<vmem>>
        %dma_start3A_337 = tpu.memref_slice %arg5[%add3A_225] : memref<320000xi32, #tpu.memory_space<hbm>> -> memref<40xi32, #tpu.memory_space<hbm>>
        tpu.enqueue_dma source(%dma_start3A_337 : memref<40xi32, #tpu.memory_space<hbm>>) target(%dma_start3A_336 : memref<40xi32, #tpu.memory_space<vmem>>) target_semaphore(%run_scoped3A_329 : memref<!tpu.dma_semaphore, #tpu.memory_space<semaphore_mem>>)
        %dma_wait3A_338 = arith.constant 0 : i32
        %dma_wait3A_339 = tpu.memref_slice %arg12[%run_scoped3A_227, %dma_wait3A_338] : memref<2x40xi32, #tpu.memory_space<vmem>> -> memref<1x40xi32, #tpu.memory_space<vmem>>
        %dma_wait3A_340 = tpu.memref_squeeze %dma_wait3A_339 : memref<1x40xi32, #tpu.memory_space<vmem>> -> memref<40xi32, #tpu.memory_space<vmem>>
        %dma_wait3A_341 = tpu.memref_slice %arg5[%add3A_225] : memref<320000xi32, #tpu.memory_space<hbm>> -> memref<40xi32, #tpu.memory_space<hbm>>
        %dma_wait3A_342 = arith.constant 0 : i32
        %dma_wait3A_343 = tpu.memref_slice %arg12[%run_scoped3A_227, %dma_wait3A_342] : memref<2x40xi32, #tpu.memory_space<vmem>> -> memref<1x40xi32, #tpu.memory_space<vmem>>
        %dma_wait3A_344 = tpu.memref_squeeze %dma_wait3A_343 : memref<1x40xi32, #tpu.memory_space<vmem>> -> memref<40xi32, #tpu.memory_space<vmem>>
        %dma_wait3A_345 = tpu.memref_slice %arg5[%add3A_225] : memref<320000xi32, #tpu.memory_space<hbm>> -> memref<40xi32, #tpu.memory_space<hbm>>
        tpu.wait_dma2 semaphore(%run_scoped3A_329 : memref<!tpu.dma_semaphore, #tpu.memory_space<semaphore_mem>>) src(%dma_wait3A_345 : memref<40xi32, #tpu.memory_space<hbm>>) dst(%dma_wait3A_344 : memref<40xi32, #tpu.memory_space<vmem>>)
        tpu.yield
      }) : () -> ()
      %dma_start3A_228 = arith.constant 1 : i32
      %dma_start3A_229 = arith.constant 0 : i32
      %dma_start3A_230 = tpu.memref_slice %arg11[%dma_start3A_228, %dma_start3A_229] : memref<2x40xi32, #tpu.memory_space<vmem>> -> memref<1x40xi32, #tpu.memory_space<vmem>>
      %dma_start3A_231 = tpu.memref_squeeze %dma_start3A_230 : memref<1x40xi32, #tpu.memory_space<vmem>> -> memref<40xi32, #tpu.memory_space<vmem>>
      %dma_start3A_232 = arith.constant 0 : i32
      %dma_start3A_233 = arith.constant 0 : i32
      %dma_start3A_234 = tpu.memref_slice %arg2[%dma_start3A_232, %dma_start3A_233] : memref<10000x128xf32, #tpu.memory_space<hbm>> -> memref<10000x128xf32, #tpu.memory_space<hbm>>
      tpu.enqueue_indirect_dma source(%dma_start3A_234 : memref<10000x128xf32, #tpu.memory_space<hbm>>) target(%arg16 : memref<40x128xf32, #tpu.memory_space<vmem>>) offsets(%dma_start3A_231 : memref<40xi32, #tpu.memory_space<vmem>>) semaphore(%arg21 : memref<!tpu.dma_semaphore, #tpu.memory_space<semaphore_mem>>)
      %dma_start3A_235 = arith.constant 1 : i32
      %dma_start3A_236 = arith.constant 0 : i32
      %dma_start3A_237 = tpu.memref_slice %arg12[%dma_start3A_235, %dma_start3A_236] : memref<2x40xi32, #tpu.memory_space<vmem>> -> memref<1x40xi32, #tpu.memory_space<vmem>>
      %dma_start3A_238 = tpu.memref_squeeze %dma_start3A_237 : memref<1x40xi32, #tpu.memory_space<vmem>> -> memref<40xi32, #tpu.memory_space<vmem>>
      %dma_start3A_239 = arith.constant 0 : i32
      %dma_start3A_240 = arith.constant 0 : i32
      %dma_start3A_241 = tpu.memref_slice %arg3[%dma_start3A_239, %dma_start3A_240] : memref<10000x128xf32, #tpu.memory_space<hbm>> -> memref<10000x128xf32, #tpu.memory_space<hbm>>
      tpu.enqueue_indirect_dma source(%dma_start3A_241 : memref<10000x128xf32, #tpu.memory_space<hbm>>) target(%arg17 : memref<40x128xf32, #tpu.memory_space<vmem>>) offsets(%dma_start3A_238 : memref<40xi32, #tpu.memory_space<vmem>>) semaphore(%arg21 : memref<!tpu.dma_semaphore, #tpu.memory_space<semaphore_mem>>)
      %dma_start3A_242 = arith.constant 1 : i32
      %dma_start3A_243 = arith.constant 0 : i32
      %dma_start3A_244 = tpu.memref_slice %arg12[%dma_start3A_242, %dma_start3A_243] : memref<2x40xi32, #tpu.memory_space<vmem>> -> memref<1x40xi32, #tpu.memory_space<vmem>>
      %dma_start3A_245 = tpu.memref_squeeze %dma_start3A_244 : memref<1x40xi32, #tpu.memory_space<vmem>> -> memref<40xi32, #tpu.memory_space<vmem>>
      %dma_start3A_246 = arith.constant 0 : i32
      %dma_start3A_247 = arith.constant 0 : i32
      %dma_start3A_248 = tpu.memref_slice %arg4[%dma_start3A_246, %dma_start3A_247] : memref<10000x128xf32, #tpu.memory_space<hbm>> -> memref<10000x128xf32, #tpu.memory_space<hbm>>
      tpu.enqueue_indirect_dma source(%dma_start3A_248 : memref<10000x128xf32, #tpu.memory_space<hbm>>) target(%arg18 : memref<40x128xf32, #tpu.memory_space<vmem>>) offsets(%dma_start3A_245 : memref<40xi32, #tpu.memory_space<vmem>>) semaphore(%arg21 : memref<!tpu.dma_semaphore, #tpu.memory_space<semaphore_mem>>)
      %mul3A_249 = arith.constant 40 : i32
      %mul3A_250 = arith.muli %mul3A_220, %mul3A_249 : i32
      %add3A_251 = arith.addi %mul3A_36, %mul3A_250 : i32
      %dma_wait3A_252 = arith.constant 0 : i32
      %dma_wait3A_253 = arith.constant 0 : i32
      %dma_wait3A_254 = tpu.memref_slice %arg11[%dma_wait3A_252, %dma_wait3A_253] : memref<2x40xi32, #tpu.memory_space<vmem>> -> memref<1x40xi32, #tpu.memory_space<vmem>>
      %dma_wait3A_255 = tpu.memref_squeeze %dma_wait3A_254 : memref<1x40xi32, #tpu.memory_space<vmem>> -> memref<40xi32, #tpu.memory_space<vmem>>
      %dma_wait3A_256 = arith.constant 0 : i32
      %dma_wait3A_257 = arith.constant 0 : i32
      %dma_wait3A_258 = tpu.memref_slice %arg2[%dma_wait3A_256, %dma_wait3A_257] : memref<10000x128xf32, #tpu.memory_space<hbm>> -> memref<10000x128xf32, #tpu.memory_space<hbm>>
      tpu.wait_indirect_dma semaphore(%arg20 : memref<!tpu.dma_semaphore, #tpu.memory_space<semaphore_mem>>) src(%dma_wait3A_258 : memref<10000x128xf32, #tpu.memory_space<hbm>>) dst(%arg13 : memref<40x128xf32, #tpu.memory_space<vmem>>)
      %dma_wait3A_259 = arith.constant 0 : i32
      %dma_wait3A_260 = arith.constant 0 : i32
      %dma_wait3A_261 = tpu.memref_slice %arg12[%dma_wait3A_259, %dma_wait3A_260] : memref<2x40xi32, #tpu.memory_space<vmem>> -> memref<1x40xi32, #tpu.memory_space<vmem>>
      %dma_wait3A_262 = tpu.memref_squeeze %dma_wait3A_261 : memref<1x40xi32, #tpu.memory_space<vmem>> -> memref<40xi32, #tpu.memory_space<vmem>>
      %dma_wait3A_263 = arith.constant 0 : i32
      %dma_wait3A_264 = arith.constant 0 : i32
      %dma_wait3A_265 = tpu.memref_slice %arg3[%dma_wait3A_263, %dma_wait3A_264] : memref<10000x128xf32, #tpu.memory_space<hbm>> -> memref<10000x128xf32, #tpu.memory_space<hbm>>
      tpu.wait_indirect_dma semaphore(%arg20 : memref<!tpu.dma_semaphore, #tpu.memory_space<semaphore_mem>>) src(%dma_wait3A_265 : memref<10000x128xf32, #tpu.memory_space<hbm>>) dst(%arg14 : memref<40x128xf32, #tpu.memory_space<vmem>>)
      %dma_wait3A_266 = arith.constant 0 : i32
      %dma_wait3A_267 = arith.constant 0 : i32
      %dma_wait3A_268 = tpu.memref_slice %arg12[%dma_wait3A_266, %dma_wait3A_267] : memref<2x40xi32, #tpu.memory_space<vmem>> -> memref<1x40xi32, #tpu.memory_space<vmem>>
      %dma_wait3A_269 = tpu.memref_squeeze %dma_wait3A_268 : memref<1x40xi32, #tpu.memory_space<vmem>> -> memref<40xi32, #tpu.memory_space<vmem>>
      %dma_wait3A_270 = arith.constant 0 : i32
      %dma_wait3A_271 = arith.constant 0 : i32
      %dma_wait3A_272 = tpu.memref_slice %arg4[%dma_wait3A_270, %dma_wait3A_271] : memref<10000x128xf32, #tpu.memory_space<hbm>> -> memref<10000x128xf32, #tpu.memory_space<hbm>>
      tpu.wait_indirect_dma semaphore(%arg20 : memref<!tpu.dma_semaphore, #tpu.memory_space<semaphore_mem>>) src(%dma_wait3A_272 : memref<10000x128xf32, #tpu.memory_space<hbm>>) dst(%arg15 : memref<40x128xf32, #tpu.memory_space<vmem>>)
      "tpu.region"() ({
        %run_scoped3A_329 = tpu.sem_alloc : memref<!tpu.dma_semaphore, #tpu.memory_space<semaphore_mem>>
        %dma_start3A_330 = arith.constant 0 : i32
        %dma_start3A_331 = tpu.memref_slice %arg8[%add3A_251, %dma_start3A_330] : memref<320000x128xf32, #tpu.memory_space<hbm>> -> memref<40x128xf32, #tpu.memory_space<hbm>>
        %dma_start3A_332 = arith.constant 0 : i32
        %dma_start3A_333 = tpu.memref_slice %arg8[%add3A_251, %dma_start3A_332] : memref<320000x128xf32, #tpu.memory_space<hbm>> -> memref<40x128xf32, #tpu.memory_space<hbm>>
        tpu.enqueue_dma source(%arg13 : memref<40x128xf32, #tpu.memory_space<vmem>>) target(%dma_start3A_333 : memref<40x128xf32, #tpu.memory_space<hbm>>) target_semaphore(%run_scoped3A_329 : memref<!tpu.dma_semaphore, #tpu.memory_space<semaphore_mem>>)
        %dma_wait3A_334 = arith.constant 0 : i32
        %dma_wait3A_335 = tpu.memref_slice %arg8[%add3A_251, %dma_wait3A_334] : memref<320000x128xf32, #tpu.memory_space<hbm>> -> memref<40x128xf32, #tpu.memory_space<hbm>>
        %dma_wait3A_336 = arith.constant 0 : i32
        %dma_wait3A_337 = tpu.memref_slice %arg8[%add3A_251, %dma_wait3A_336] : memref<320000x128xf32, #tpu.memory_space<hbm>> -> memref<40x128xf32, #tpu.memory_space<hbm>>
        tpu.wait_dma2 semaphore(%run_scoped3A_329 : memref<!tpu.dma_semaphore, #tpu.memory_space<semaphore_mem>>) src(%arg13 : memref<40x128xf32, #tpu.memory_space<vmem>>) dst(%dma_wait3A_337 : memref<40x128xf32, #tpu.memory_space<hbm>>)
        tpu.yield
      }) : () -> ()
      "tpu.region"() ({
        %run_scoped3A_329 = tpu.sem_alloc : memref<!tpu.dma_semaphore, #tpu.memory_space<semaphore_mem>>
        %dma_start3A_330 = arith.constant 0 : i32
        %dma_start3A_331 = tpu.memref_slice %arg9[%add3A_251, %dma_start3A_330] : memref<320000x128xf32, #tpu.memory_space<hbm>> -> memref<40x128xf32, #tpu.memory_space<hbm>>
        %dma_start3A_332 = arith.constant 0 : i32
        %dma_start3A_333 = tpu.memref_slice %arg9[%add3A_251, %dma_start3A_332] : memref<320000x128xf32, #tpu.memory_space<hbm>> -> memref<40x128xf32, #tpu.memory_space<hbm>>
        tpu.enqueue_dma source(%arg14 : memref<40x128xf32, #tpu.memory_space<vmem>>) target(%dma_start3A_333 : memref<40x128xf32, #tpu.memory_space<hbm>>) target_semaphore(%run_scoped3A_329 : memref<!tpu.dma_semaphore, #tpu.memory_space<semaphore_mem>>)
        %dma_wait3A_334 = arith.constant 0 : i32
        %dma_wait3A_335 = tpu.memref_slice %arg9[%add3A_251, %dma_wait3A_334] : memref<320000x128xf32, #tpu.memory_space<hbm>> -> memref<40x128xf32, #tpu.memory_space<hbm>>
        %dma_wait3A_336 = arith.constant 0 : i32
        %dma_wait3A_337 = tpu.memref_slice %arg9[%add3A_251, %dma_wait3A_336] : memref<320000x128xf32, #tpu.memory_space<hbm>> -> memref<40x128xf32, #tpu.memory_space<hbm>>
        tpu.wait_dma2 semaphore(%run_scoped3A_329 : memref<!tpu.dma_semaphore, #tpu.memory_space<semaphore_mem>>) src(%arg14 : memref<40x128xf32, #tpu.memory_space<vmem>>) dst(%dma_wait3A_337 : memref<40x128xf32, #tpu.memory_space<hbm>>)
        tpu.yield
      }) : () -> ()
      %run_scoped3A_273 = arith.constant 0 : i32
      "tpu.region"() ({
        %run_scoped3A_329 = tpu.sem_alloc : memref<!tpu.dma_semaphore, #tpu.memory_space<semaphore_mem>>
        %dma_start3A_330 = arith.constant 0 : i32
        %dma_start3A_331 = tpu.memref_slice %arg11[%run_scoped3A_273, %dma_start3A_330] : memref<2x40xi32, #tpu.memory_space<vmem>> -> memref<1x40xi32, #tpu.memory_space<vmem>>
        %dma_start3A_332 = tpu.memref_squeeze %dma_start3A_331 : memref<1x40xi32, #tpu.memory_space<vmem>> -> memref<40xi32, #tpu.memory_space<vmem>>
        %dma_start3A_333 = arith.constant 0 : i32
        %dma_start3A_334 = arith.constant 0 : i32
        %dma_start3A_335 = tpu.memref_slice %arg19[%dma_start3A_333, %dma_start3A_334] : memref<10240x128xf32, #tpu.memory_space<vmem_shared>> -> memref<10240x128xf32, #tpu.memory_space<vmem_shared>>
        tpu.enqueue_indirect_dma source(%arg15 : memref<40x128xf32, #tpu.memory_space<vmem>>) target(%dma_start3A_335 : memref<10240x128xf32, #tpu.memory_space<vmem_shared>>) offsets(%dma_start3A_332 : memref<40xi32, #tpu.memory_space<vmem>>) semaphore(%run_scoped3A_329 : memref<!tpu.dma_semaphore, #tpu.memory_space<semaphore_mem>>) {add = true}
        %dma_wait3A_336 = arith.constant 0 : i32
        %dma_wait3A_337 = tpu.memref_slice %arg11[%run_scoped3A_273, %dma_wait3A_336] : memref<2x40xi32, #tpu.memory_space<vmem>> -> memref<1x40xi32, #tpu.memory_space<vmem>>
        %dma_wait3A_338 = tpu.memref_squeeze %dma_wait3A_337 : memref<1x40xi32, #tpu.memory_space<vmem>> -> memref<40xi32, #tpu.memory_space<vmem>>
        %dma_wait3A_339 = arith.constant 0 : i32
        %dma_wait3A_340 = arith.constant 0 : i32
        %dma_wait3A_341 = tpu.memref_slice %arg19[%dma_wait3A_339, %dma_wait3A_340] : memref<10240x128xf32, #tpu.memory_space<vmem_shared>> -> memref<10240x128xf32, #tpu.memory_space<vmem_shared>>
        tpu.wait_indirect_dma semaphore(%run_scoped3A_329 : memref<!tpu.dma_semaphore, #tpu.memory_space<semaphore_mem>>) src(%arg15 : memref<40x128xf32, #tpu.memory_space<vmem>>) dst(%dma_wait3A_341 : memref<10240x128xf32, #tpu.memory_space<vmem_shared>>)
        tpu.yield
      }) : () -> ()
      %add3A_274 = arith.constant 2 : i32
      %add3A_275 = arith.addi %mul3A_220, %add3A_274 : i32
      %mul3A_276 = arith.constant 40 : i32
      %mul3A_277 = arith.muli %add3A_275, %mul3A_276 : i32
      %add3A_278 = arith.addi %mul3A_36, %mul3A_277 : i32
      %run_scoped3A_279 = arith.constant 0 : i32
      "tpu.region"() ({
        %run_scoped3A_329 = tpu.sem_alloc : memref<!tpu.dma_semaphore, #tpu.memory_space<semaphore_mem>>
        %dma_start3A_330 = arith.constant 0 : i32
        %dma_start3A_331 = tpu.memref_slice %arg11[%run_scoped3A_279, %dma_start3A_330] : memref<2x40xi32, #tpu.memory_space<vmem>> -> memref<1x40xi32, #tpu.memory_space<vmem>>
        %dma_start3A_332 = tpu.memref_squeeze %dma_start3A_331 : memref<1x40xi32, #tpu.memory_space<vmem>> -> memref<40xi32, #tpu.memory_space<vmem>>
        %dma_start3A_333 = tpu.memref_slice %arg6[%add3A_278] : memref<320000xi32, #tpu.memory_space<hbm>> -> memref<40xi32, #tpu.memory_space<hbm>>
        %dma_start3A_334 = arith.constant 0 : i32
        %dma_start3A_335 = tpu.memref_slice %arg11[%run_scoped3A_279, %dma_start3A_334] : memref<2x40xi32, #tpu.memory_space<vmem>> -> memref<1x40xi32, #tpu.memory_space<vmem>>
        %dma_start3A_336 = tpu.memref_squeeze %dma_start3A_335 : memref<1x40xi32, #tpu.memory_space<vmem>> -> memref<40xi32, #tpu.memory_space<vmem>>
        %dma_start3A_337 = tpu.memref_slice %arg6[%add3A_278] : memref<320000xi32, #tpu.memory_space<hbm>> -> memref<40xi32, #tpu.memory_space<hbm>>
        tpu.enqueue_dma source(%dma_start3A_337 : memref<40xi32, #tpu.memory_space<hbm>>) target(%dma_start3A_336 : memref<40xi32, #tpu.memory_space<vmem>>) target_semaphore(%run_scoped3A_329 : memref<!tpu.dma_semaphore, #tpu.memory_space<semaphore_mem>>)
        %dma_wait3A_338 = arith.constant 0 : i32
        %dma_wait3A_339 = tpu.memref_slice %arg11[%run_scoped3A_279, %dma_wait3A_338] : memref<2x40xi32, #tpu.memory_space<vmem>> -> memref<1x40xi32, #tpu.memory_space<vmem>>
        %dma_wait3A_340 = tpu.memref_squeeze %dma_wait3A_339 : memref<1x40xi32, #tpu.memory_space<vmem>> -> memref<40xi32, #tpu.memory_space<vmem>>
        %dma_wait3A_341 = tpu.memref_slice %arg6[%add3A_278] : memref<320000xi32, #tpu.memory_space<hbm>> -> memref<40xi32, #tpu.memory_space<hbm>>
        %dma_wait3A_342 = arith.constant 0 : i32
        %dma_wait3A_343 = tpu.memref_slice %arg11[%run_scoped3A_279, %dma_wait3A_342] : memref<2x40xi32, #tpu.memory_space<vmem>> -> memref<1x40xi32, #tpu.memory_space<vmem>>
        %dma_wait3A_344 = tpu.memref_squeeze %dma_wait3A_343 : memref<1x40xi32, #tpu.memory_space<vmem>> -> memref<40xi32, #tpu.memory_space<vmem>>
        %dma_wait3A_345 = tpu.memref_slice %arg6[%add3A_278] : memref<320000xi32, #tpu.memory_space<hbm>> -> memref<40xi32, #tpu.memory_space<hbm>>
        tpu.wait_dma2 semaphore(%run_scoped3A_329 : memref<!tpu.dma_semaphore, #tpu.memory_space<semaphore_mem>>) src(%dma_wait3A_345 : memref<40xi32, #tpu.memory_space<hbm>>) dst(%dma_wait3A_344 : memref<40xi32, #tpu.memory_space<vmem>>)
        tpu.yield
      }) : () -> ()
      %run_scoped3A_280 = arith.constant 0 : i32
      "tpu.region"() ({
        %run_scoped3A_329 = tpu.sem_alloc : memref<!tpu.dma_semaphore, #tpu.memory_space<semaphore_mem>>
        %dma_start3A_330 = arith.constant 0 : i32
        %dma_start3A_331 = tpu.memref_slice %arg12[%run_scoped3A_280, %dma_start3A_330] : memref<2x40xi32, #tpu.memory_space<vmem>> -> memref<1x40xi32, #tpu.memory_space<vmem>>
        %dma_start3A_332 = tpu.memref_squeeze %dma_start3A_331 : memref<1x40xi32, #tpu.memory_space<vmem>> -> memref<40xi32, #tpu.memory_space<vmem>>
        %dma_start3A_333 = tpu.memref_slice %arg5[%add3A_278] : memref<320000xi32, #tpu.memory_space<hbm>> -> memref<40xi32, #tpu.memory_space<hbm>>
        %dma_start3A_334 = arith.constant 0 : i32
        %dma_start3A_335 = tpu.memref_slice %arg12[%run_scoped3A_280, %dma_start3A_334] : memref<2x40xi32, #tpu.memory_space<vmem>> -> memref<1x40xi32, #tpu.memory_space<vmem>>
        %dma_start3A_336 = tpu.memref_squeeze %dma_start3A_335 : memref<1x40xi32, #tpu.memory_space<vmem>> -> memref<40xi32, #tpu.memory_space<vmem>>
        %dma_start3A_337 = tpu.memref_slice %arg5[%add3A_278] : memref<320000xi32, #tpu.memory_space<hbm>> -> memref<40xi32, #tpu.memory_space<hbm>>
        tpu.enqueue_dma source(%dma_start3A_337 : memref<40xi32, #tpu.memory_space<hbm>>) target(%dma_start3A_336 : memref<40xi32, #tpu.memory_space<vmem>>) target_semaphore(%run_scoped3A_329 : memref<!tpu.dma_semaphore, #tpu.memory_space<semaphore_mem>>)
        %dma_wait3A_338 = arith.constant 0 : i32
        %dma_wait3A_339 = tpu.memref_slice %arg12[%run_scoped3A_280, %dma_wait3A_338] : memref<2x40xi32, #tpu.memory_space<vmem>> -> memref<1x40xi32, #tpu.memory_space<vmem>>
        %dma_wait3A_340 = tpu.memref_squeeze %dma_wait3A_339 : memref<1x40xi32, #tpu.memory_space<vmem>> -> memref<40xi32, #tpu.memory_space<vmem>>
        %dma_wait3A_341 = tpu.memref_slice %arg5[%add3A_278] : memref<320000xi32, #tpu.memory_space<hbm>> -> memref<40xi32, #tpu.memory_space<hbm>>
        %dma_wait3A_342 = arith.constant 0 : i32
        %dma_wait3A_343 = tpu.memref_slice %arg12[%run_scoped3A_280, %dma_wait3A_342] : memref<2x40xi32, #tpu.memory_space<vmem>> -> memref<1x40xi32, #tpu.memory_space<vmem>>
        %dma_wait3A_344 = tpu.memref_squeeze %dma_wait3A_343 : memref<1x40xi32, #tpu.memory_space<vmem>> -> memref<40xi32, #tpu.memory_space<vmem>>
        %dma_wait3A_345 = tpu.memref_slice %arg5[%add3A_278] : memref<320000xi32, #tpu.memory_space<hbm>> -> memref<40xi32, #tpu.memory_space<hbm>>
        tpu.wait_dma2 semaphore(%run_scoped3A_329 : memref<!tpu.dma_semaphore, #tpu.memory_space<semaphore_mem>>) src(%dma_wait3A_345 : memref<40xi32, #tpu.memory_space<hbm>>) dst(%dma_wait3A_344 : memref<40xi32, #tpu.memory_space<vmem>>)
        tpu.yield
      }) : () -> ()
      %dma_start3A_281 = arith.constant 0 : i32
      %dma_start3A_282 = arith.constant 0 : i32
      %dma_start3A_283 = tpu.memref_slice %arg11[%dma_start3A_281, %dma_start3A_282] : memref<2x40xi32, #tpu.memory_space<vmem>> -> memref<1x40xi32, #tpu.memory_space<vmem>>
      %dma_start3A_284 = tpu.memref_squeeze %dma_start3A_283 : memref<1x40xi32, #tpu.memory_space<vmem>> -> memref<40xi32, #tpu.memory_space<vmem>>
      %dma_start3A_285 = arith.constant 0 : i32
      %dma_start3A_286 = arith.constant 0 : i32
      %dma_start3A_287 = tpu.memref_slice %arg2[%dma_start3A_285, %dma_start3A_286] : memref<10000x128xf32, #tpu.memory_space<hbm>> -> memref<10000x128xf32, #tpu.memory_space<hbm>>
      tpu.enqueue_indirect_dma source(%dma_start3A_287 : memref<10000x128xf32, #tpu.memory_space<hbm>>) target(%arg13 : memref<40x128xf32, #tpu.memory_space<vmem>>) offsets(%dma_start3A_284 : memref<40xi32, #tpu.memory_space<vmem>>) semaphore(%arg20 : memref<!tpu.dma_semaphore, #tpu.memory_space<semaphore_mem>>)
      %dma_start3A_288 = arith.constant 0 : i32
      %dma_start3A_289 = arith.constant 0 : i32
      %dma_start3A_290 = tpu.memref_slice %arg12[%dma_start3A_288, %dma_start3A_289] : memref<2x40xi32, #tpu.memory_space<vmem>> -> memref<1x40xi32, #tpu.memory_space<vmem>>
      %dma_start3A_291 = tpu.memref_squeeze %dma_start3A_290 : memref<1x40xi32, #tpu.memory_space<vmem>> -> memref<40xi32, #tpu.memory_space<vmem>>
      %dma_start3A_292 = arith.constant 0 : i32
      %dma_start3A_293 = arith.constant 0 : i32
      %dma_start3A_294 = tpu.memref_slice %arg3[%dma_start3A_292, %dma_start3A_293] : memref<10000x128xf32, #tpu.memory_space<hbm>> -> memref<10000x128xf32, #tpu.memory_space<hbm>>
      tpu.enqueue_indirect_dma source(%dma_start3A_294 : memref<10000x128xf32, #tpu.memory_space<hbm>>) target(%arg14 : memref<40x128xf32, #tpu.memory_space<vmem>>) offsets(%dma_start3A_291 : memref<40xi32, #tpu.memory_space<vmem>>) semaphore(%arg20 : memref<!tpu.dma_semaphore, #tpu.memory_space<semaphore_mem>>)
      %dma_start3A_295 = arith.constant 0 : i32
      %dma_start3A_296 = arith.constant 0 : i32
      %dma_start3A_297 = tpu.memref_slice %arg12[%dma_start3A_295, %dma_start3A_296] : memref<2x40xi32, #tpu.memory_space<vmem>> -> memref<1x40xi32, #tpu.memory_space<vmem>>
      %dma_start3A_298 = tpu.memref_squeeze %dma_start3A_297 : memref<1x40xi32, #tpu.memory_space<vmem>> -> memref<40xi32, #tpu.memory_space<vmem>>
      %dma_start3A_299 = arith.constant 0 : i32
      %dma_start3A_300 = arith.constant 0 : i32
      %dma_start3A_301 = tpu.memref_slice %arg4[%dma_start3A_299, %dma_start3A_300] : memref<10000x128xf32, #tpu.memory_space<hbm>> -> memref<10000x128xf32, #tpu.memory_space<hbm>>
      tpu.enqueue_indirect_dma source(%dma_start3A_301 : memref<10000x128xf32, #tpu.memory_space<hbm>>) target(%arg15 : memref<40x128xf32, #tpu.memory_space<vmem>>) offsets(%dma_start3A_298 : memref<40xi32, #tpu.memory_space<vmem>>) semaphore(%arg20 : memref<!tpu.dma_semaphore, #tpu.memory_space<semaphore_mem>>)
      %add3A_302 = arith.constant 1 : i32
      %add3A_303 = arith.addi %mul3A_220, %add3A_302 : i32
      %mul3A_304 = arith.constant 40 : i32
      %mul3A_305 = arith.muli %add3A_303, %mul3A_304 : i32
      %add3A_306 = arith.addi %mul3A_36, %mul3A_305 : i32
      %dma_wait3A_307 = arith.constant 1 : i32
      %dma_wait3A_308 = arith.constant 0 : i32
      %dma_wait3A_309 = tpu.memref_slice %arg11[%dma_wait3A_307, %dma_wait3A_308] : memref<2x40xi32, #tpu.memory_space<vmem>> -> memref<1x40xi32, #tpu.memory_space<vmem>>
      %dma_wait3A_310 = tpu.memref_squeeze %dma_wait3A_309 : memref<1x40xi32, #tpu.memory_space<vmem>> -> memref<40xi32, #tpu.memory_space<vmem>>
      %dma_wait3A_311 = arith.constant 0 : i32
      %dma_wait3A_312 = arith.constant 0 : i32
      %dma_wait3A_313 = tpu.memref_slice %arg2[%dma_wait3A_311, %dma_wait3A_312] : memref<10000x128xf32, #tpu.memory_space<hbm>> -> memref<10000x128xf32, #tpu.memory_space<hbm>>
      tpu.wait_indirect_dma semaphore(%arg21 : memref<!tpu.dma_semaphore, #tpu.memory_space<semaphore_mem>>) src(%dma_wait3A_313 : memref<10000x128xf32, #tpu.memory_space<hbm>>) dst(%arg16 : memref<40x128xf32, #tpu.memory_space<vmem>>)
      %dma_wait3A_314 = arith.constant 1 : i32
      %dma_wait3A_315 = arith.constant 0 : i32
      %dma_wait3A_316 = tpu.memref_slice %arg12[%dma_wait3A_314, %dma_wait3A_315] : memref<2x40xi32, #tpu.memory_space<vmem>> -> memref<1x40xi32, #tpu.memory_space<vmem>>
      %dma_wait3A_317 = tpu.memref_squeeze %dma_wait3A_316 : memref<1x40xi32, #tpu.memory_space<vmem>> -> memref<40xi32, #tpu.memory_space<vmem>>
      %dma_wait3A_318 = arith.constant 0 : i32
      %dma_wait3A_319 = arith.constant 0 : i32
      %dma_wait3A_320 = tpu.memref_slice %arg3[%dma_wait3A_318, %dma_wait3A_319] : memref<10000x128xf32, #tpu.memory_space<hbm>> -> memref<10000x128xf32, #tpu.memory_space<hbm>>
      tpu.wait_indirect_dma semaphore(%arg21 : memref<!tpu.dma_semaphore, #tpu.memory_space<semaphore_mem>>) src(%dma_wait3A_320 : memref<10000x128xf32, #tpu.memory_space<hbm>>) dst(%arg17 : memref<40x128xf32, #tpu.memory_space<vmem>>)
      %dma_wait3A_321 = arith.constant 1 : i32
      %dma_wait3A_322 = arith.constant 0 : i32
      %dma_wait3A_323 = tpu.memref_slice %arg12[%dma_wait3A_321, %dma_wait3A_322] : memref<2x40xi32, #tpu.memory_space<vmem>> -> memref<1x40xi32, #tpu.memory_space<vmem>>
      %dma_wait3A_324 = tpu.memref_squeeze %dma_wait3A_323 : memref<1x40xi32, #tpu.memory_space<vmem>> -> memref<40xi32, #tpu.memory_space<vmem>>
      %dma_wait3A_325 = arith.constant 0 : i32
      %dma_wait3A_326 = arith.constant 0 : i32
      %dma_wait3A_327 = tpu.memref_slice %arg4[%dma_wait3A_325, %dma_wait3A_326] : memref<10000x128xf32, #tpu.memory_space<hbm>> -> memref<10000x128xf32, #tpu.memory_space<hbm>>
      tpu.wait_indirect_dma semaphore(%arg21 : memref<!tpu.dma_semaphore, #tpu.memory_space<semaphore_mem>>) src(%dma_wait3A_327 : memref<10000x128xf32, #tpu.memory_space<hbm>>) dst(%arg18 : memref<40x128xf32, #tpu.memory_space<vmem>>)
      "tpu.region"() ({
        %run_scoped3A_329 = tpu.sem_alloc : memref<!tpu.dma_semaphore, #tpu.memory_space<semaphore_mem>>
        %dma_start3A_330 = arith.constant 0 : i32
        %dma_start3A_331 = tpu.memref_slice %arg8[%add3A_306, %dma_start3A_330] : memref<320000x128xf32, #tpu.memory_space<hbm>> -> memref<40x128xf32, #tpu.memory_space<hbm>>
        %dma_start3A_332 = arith.constant 0 : i32
        %dma_start3A_333 = tpu.memref_slice %arg8[%add3A_306, %dma_start3A_332] : memref<320000x128xf32, #tpu.memory_space<hbm>> -> memref<40x128xf32, #tpu.memory_space<hbm>>
        tpu.enqueue_dma source(%arg16 : memref<40x128xf32, #tpu.memory_space<vmem>>) target(%dma_start3A_333 : memref<40x128xf32, #tpu.memory_space<hbm>>) target_semaphore(%run_scoped3A_329 : memref<!tpu.dma_semaphore, #tpu.memory_space<semaphore_mem>>)
        %dma_wait3A_334 = arith.constant 0 : i32
        %dma_wait3A_335 = tpu.memref_slice %arg8[%add3A_306, %dma_wait3A_334] : memref<320000x128xf32, #tpu.memory_space<hbm>> -> memref<40x128xf32, #tpu.memory_space<hbm>>
        %dma_wait3A_336 = arith.constant 0 : i32
        %dma_wait3A_337 = tpu.memref_slice %arg8[%add3A_306, %dma_wait3A_336] : memref<320000x128xf32, #tpu.memory_space<hbm>> -> memref<40x128xf32, #tpu.memory_space<hbm>>
        tpu.wait_dma2 semaphore(%run_scoped3A_329 : memref<!tpu.dma_semaphore, #tpu.memory_space<semaphore_mem>>) src(%arg16 : memref<40x128xf32, #tpu.memory_space<vmem>>) dst(%dma_wait3A_337 : memref<40x128xf32, #tpu.memory_space<hbm>>)
        tpu.yield
      }) : () -> ()
      "tpu.region"() ({
        %run_scoped3A_329 = tpu.sem_alloc : memref<!tpu.dma_semaphore, #tpu.memory_space<semaphore_mem>>
        %dma_start3A_330 = arith.constant 0 : i32
        %dma_start3A_331 = tpu.memref_slice %arg9[%add3A_306, %dma_start3A_330] : memref<320000x128xf32, #tpu.memory_space<hbm>> -> memref<40x128xf32, #tpu.memory_space<hbm>>
        %dma_start3A_332 = arith.constant 0 : i32
        %dma_start3A_333 = tpu.memref_slice %arg9[%add3A_306, %dma_start3A_332] : memref<320000x128xf32, #tpu.memory_space<hbm>> -> memref<40x128xf32, #tpu.memory_space<hbm>>
        tpu.enqueue_dma source(%arg17 : memref<40x128xf32, #tpu.memory_space<vmem>>) target(%dma_start3A_333 : memref<40x128xf32, #tpu.memory_space<hbm>>) target_semaphore(%run_scoped3A_329 : memref<!tpu.dma_semaphore, #tpu.memory_space<semaphore_mem>>)
        %dma_wait3A_334 = arith.constant 0 : i32
        %dma_wait3A_335 = tpu.memref_slice %arg9[%add3A_306, %dma_wait3A_334] : memref<320000x128xf32, #tpu.memory_space<hbm>> -> memref<40x128xf32, #tpu.memory_space<hbm>>
        %dma_wait3A_336 = arith.constant 0 : i32
        %dma_wait3A_337 = tpu.memref_slice %arg9[%add3A_306, %dma_wait3A_336] : memref<320000x128xf32, #tpu.memory_space<hbm>> -> memref<40x128xf32, #tpu.memory_space<hbm>>
        tpu.wait_dma2 semaphore(%run_scoped3A_329 : memref<!tpu.dma_semaphore, #tpu.memory_space<semaphore_mem>>) src(%arg17 : memref<40x128xf32, #tpu.memory_space<vmem>>) dst(%dma_wait3A_337 : memref<40x128xf32, #tpu.memory_space<hbm>>)
        tpu.yield
      }) : () -> ()
      %run_scoped3A_328 = arith.constant 1 : i32
      "tpu.region"() ({
        %run_scoped3A_329 = tpu.sem_alloc : memref<!tpu.dma_semaphore, #tpu.memory_space<semaphore_mem>>
        %dma_start3A_330 = arith.constant 0 : i32
        %dma_start3A_331 = tpu.memref_slice %arg11[%run_scoped3A_328, %dma_start3A_330] : memref<2x40xi32, #tpu.memory_space<vmem>> -> memref<1x40xi32, #tpu.memory_space<vmem>>
        %dma_start3A_332 = tpu.memref_squeeze %dma_start3A_331 : memref<1x40xi32, #tpu.memory_space<vmem>> -> memref<40xi32, #tpu.memory_space<vmem>>
        %dma_start3A_333 = arith.constant 0 : i32
        %dma_start3A_334 = arith.constant 0 : i32
        %dma_start3A_335 = tpu.memref_slice %arg19[%dma_start3A_333, %dma_start3A_334] : memref<10240x128xf32, #tpu.memory_space<vmem_shared>> -> memref<10240x128xf32, #tpu.memory_space<vmem_shared>>
        tpu.enqueue_indirect_dma source(%arg18 : memref<40x128xf32, #tpu.memory_space<vmem>>) target(%dma_start3A_335 : memref<10240x128xf32, #tpu.memory_space<vmem_shared>>) offsets(%dma_start3A_332 : memref<40xi32, #tpu.memory_space<vmem>>) semaphore(%run_scoped3A_329 : memref<!tpu.dma_semaphore, #tpu.memory_space<semaphore_mem>>) {add = true}
        %dma_wait3A_336 = arith.constant 0 : i32
        %dma_wait3A_337 = tpu.memref_slice %arg11[%run_scoped3A_328, %dma_wait3A_336] : memref<2x40xi32, #tpu.memory_space<vmem>> -> memref<1x40xi32, #tpu.memory_space<vmem>>
        %dma_wait3A_338 = tpu.memref_squeeze %dma_wait3A_337 : memref<1x40xi32, #tpu.memory_space<vmem>> -> memref<40xi32, #tpu.memory_space<vmem>>
        %dma_wait3A_339 = arith.constant 0 : i32
        %dma_wait3A_340 = arith.constant 0 : i32
        %dma_wait3A_341 = tpu.memref_slice %arg19[%dma_wait3A_339, %dma_wait3A_340] : memref<10240x128xf32, #tpu.memory_space<vmem_shared>> -> memref<10240x128xf32, #tpu.memory_space<vmem_shared>>
        tpu.wait_indirect_dma semaphore(%run_scoped3A_329 : memref<!tpu.dma_semaphore, #tpu.memory_space<semaphore_mem>>) src(%arg18 : memref<40x128xf32, #tpu.memory_space<vmem>>) dst(%dma_wait3A_341 : memref<10240x128xf32, #tpu.memory_space<vmem_shared>>)
        tpu.yield
      }) : () -> ()
    }
    %scan3A_64 = arith.constant 124 : i32
    %add3A_65 = arith.constant 9960 : i32
    %add3A_66 = arith.addi %mul3A_36, %add3A_65 : i32
    %run_scoped3A_67 = arith.constant 1 : i32
    "tpu.region"() ({
      %run_scoped3A_218 = tpu.sem_alloc : memref<!tpu.dma_semaphore, #tpu.memory_space<semaphore_mem>>
      %dma_start3A_219 = arith.constant 0 : i32
      %dma_start3A_220 = tpu.memref_slice %arg11[%run_scoped3A_67, %dma_start3A_219] : memref<2x40xi32, #tpu.memory_space<vmem>> -> memref<1x40xi32, #tpu.memory_space<vmem>>
      %dma_start3A_221 = tpu.memref_squeeze %dma_start3A_220 : memref<1x40xi32, #tpu.memory_space<vmem>> -> memref<40xi32, #tpu.memory_space<vmem>>
      %dma_start3A_222 = tpu.memref_slice %arg6[%add3A_66] : memref<320000xi32, #tpu.memory_space<hbm>> -> memref<40xi32, #tpu.memory_space<hbm>>
      %dma_start3A_223 = arith.constant 0 : i32
      %dma_start3A_224 = tpu.memref_slice %arg11[%run_scoped3A_67, %dma_start3A_223] : memref<2x40xi32, #tpu.memory_space<vmem>> -> memref<1x40xi32, #tpu.memory_space<vmem>>
      %dma_start3A_225 = tpu.memref_squeeze %dma_start3A_224 : memref<1x40xi32, #tpu.memory_space<vmem>> -> memref<40xi32, #tpu.memory_space<vmem>>
      %dma_start3A_226 = tpu.memref_slice %arg6[%add3A_66] : memref<320000xi32, #tpu.memory_space<hbm>> -> memref<40xi32, #tpu.memory_space<hbm>>
      tpu.enqueue_dma source(%dma_start3A_226 : memref<40xi32, #tpu.memory_space<hbm>>) target(%dma_start3A_225 : memref<40xi32, #tpu.memory_space<vmem>>) target_semaphore(%run_scoped3A_218 : memref<!tpu.dma_semaphore, #tpu.memory_space<semaphore_mem>>)
      %dma_wait3A_227 = arith.constant 0 : i32
      %dma_wait3A_228 = tpu.memref_slice %arg11[%run_scoped3A_67, %dma_wait3A_227] : memref<2x40xi32, #tpu.memory_space<vmem>> -> memref<1x40xi32, #tpu.memory_space<vmem>>
      %dma_wait3A_229 = tpu.memref_squeeze %dma_wait3A_228 : memref<1x40xi32, #tpu.memory_space<vmem>> -> memref<40xi32, #tpu.memory_space<vmem>>
      %dma_wait3A_230 = tpu.memref_slice %arg6[%add3A_66] : memref<320000xi32, #tpu.memory_space<hbm>> -> memref<40xi32, #tpu.memory_space<hbm>>
      %dma_wait3A_231 = arith.constant 0 : i32
      %dma_wait3A_232 = tpu.memref_slice %arg11[%run_scoped3A_67, %dma_wait3A_231] : memref<2x40xi32, #tpu.memory_space<vmem>> -> memref<1x40xi32, #tpu.memory_space<vmem>>
      %dma_wait3A_233 = tpu.memref_squeeze %dma_wait3A_232 : memref<1x40xi32, #tpu.memory_space<vmem>> -> memref<40xi32, #tpu.memory_space<vmem>>
      %dma_wait3A_234 = tpu.memref_slice %arg6[%add3A_66] : memref<320000xi32, #tpu.memory_space<hbm>> -> memref<40xi32, #tpu.memory_space<hbm>>
      tpu.wait_dma2 semaphore(%run_scoped3A_218 : memref<!tpu.dma_semaphore, #tpu.memory_space<semaphore_mem>>) src(%dma_wait3A_234 : memref<40xi32, #tpu.memory_space<hbm>>) dst(%dma_wait3A_233 : memref<40xi32, #tpu.memory_space<vmem>>)
      tpu.yield
    }) : () -> ()
    %run_scoped3A_68 = arith.constant 1 : i32
    "tpu.region"() ({
      %run_scoped3A_218 = tpu.sem_alloc : memref<!tpu.dma_semaphore, #tpu.memory_space<semaphore_mem>>
      %dma_start3A_219 = arith.constant 0 : i32
      %dma_start3A_220 = tpu.memref_slice %arg12[%run_scoped3A_68, %dma_start3A_219] : memref<2x40xi32, #tpu.memory_space<vmem>> -> memref<1x40xi32, #tpu.memory_space<vmem>>
      %dma_start3A_221 = tpu.memref_squeeze %dma_start3A_220 : memref<1x40xi32, #tpu.memory_space<vmem>> -> memref<40xi32, #tpu.memory_space<vmem>>
      %dma_start3A_222 = tpu.memref_slice %arg5[%add3A_66] : memref<320000xi32, #tpu.memory_space<hbm>> -> memref<40xi32, #tpu.memory_space<hbm>>
      %dma_start3A_223 = arith.constant 0 : i32
      %dma_start3A_224 = tpu.memref_slice %arg12[%run_scoped3A_68, %dma_start3A_223] : memref<2x40xi32, #tpu.memory_space<vmem>> -> memref<1x40xi32, #tpu.memory_space<vmem>>
      %dma_start3A_225 = tpu.memref_squeeze %dma_start3A_224 : memref<1x40xi32, #tpu.memory_space<vmem>> -> memref<40xi32, #tpu.memory_space<vmem>>
      %dma_start3A_226 = tpu.memref_slice %arg5[%add3A_66] : memref<320000xi32, #tpu.memory_space<hbm>> -> memref<40xi32, #tpu.memory_space<hbm>>
      tpu.enqueue_dma source(%dma_start3A_226 : memref<40xi32, #tpu.memory_space<hbm>>) target(%dma_start3A_225 : memref<40xi32, #tpu.memory_space<vmem>>) target_semaphore(%run_scoped3A_218 : memref<!tpu.dma_semaphore, #tpu.memory_space<semaphore_mem>>)
      %dma_wait3A_227 = arith.constant 0 : i32
      %dma_wait3A_228 = tpu.memref_slice %arg12[%run_scoped3A_68, %dma_wait3A_227] : memref<2x40xi32, #tpu.memory_space<vmem>> -> memref<1x40xi32, #tpu.memory_space<vmem>>
      %dma_wait3A_229 = tpu.memref_squeeze %dma_wait3A_228 : memref<1x40xi32, #tpu.memory_space<vmem>> -> memref<40xi32, #tpu.memory_space<vmem>>
      %dma_wait3A_230 = tpu.memref_slice %arg5[%add3A_66] : memref<320000xi32, #tpu.memory_space<hbm>> -> memref<40xi32, #tpu.memory_space<hbm>>
      %dma_wait3A_231 = arith.constant 0 : i32
      %dma_wait3A_232 = tpu.memref_slice %arg12[%run_scoped3A_68, %dma_wait3A_231] : memref<2x40xi32, #tpu.memory_space<vmem>> -> memref<1x40xi32, #tpu.memory_space<vmem>>
      %dma_wait3A_233 = tpu.memref_squeeze %dma_wait3A_232 : memref<1x40xi32, #tpu.memory_space<vmem>> -> memref<40xi32, #tpu.memory_space<vmem>>
      %dma_wait3A_234 = tpu.memref_slice %arg5[%add3A_66] : memref<320000xi32, #tpu.memory_space<hbm>> -> memref<40xi32, #tpu.memory_space<hbm>>
      tpu.wait_dma2 semaphore(%run_scoped3A_218 : memref<!tpu.dma_semaphore, #tpu.memory_space<semaphore_mem>>) src(%dma_wait3A_234 : memref<40xi32, #tpu.memory_space<hbm>>) dst(%dma_wait3A_233 : memref<40xi32, #tpu.memory_space<vmem>>)
      tpu.yield
    }) : () -> ()
    %dma_start3A_69 = arith.constant 1 : i32
    %dma_start3A_70 = arith.constant 0 : i32
    %dma_start3A_71 = tpu.memref_slice %arg11[%dma_start3A_69, %dma_start3A_70] : memref<2x40xi32, #tpu.memory_space<vmem>> -> memref<1x40xi32, #tpu.memory_space<vmem>>
    %dma_start3A_72 = tpu.memref_squeeze %dma_start3A_71 : memref<1x40xi32, #tpu.memory_space<vmem>> -> memref<40xi32, #tpu.memory_space<vmem>>
    %dma_start3A_73 = arith.constant 0 : i32
    %dma_start3A_74 = arith.constant 0 : i32
    %dma_start3A_75 = tpu.memref_slice %arg2[%dma_start3A_73, %dma_start3A_74] : memref<10000x128xf32, #tpu.memory_space<hbm>> -> memref<10000x128xf32, #tpu.memory_space<hbm>>
    tpu.enqueue_indirect_dma source(%dma_start3A_75 : memref<10000x128xf32, #tpu.memory_space<hbm>>) target(%arg16 : memref<40x128xf32, #tpu.memory_space<vmem>>) offsets(%dma_start3A_72 : memref<40xi32, #tpu.memory_space<vmem>>) semaphore(%arg21 : memref<!tpu.dma_semaphore, #tpu.memory_space<semaphore_mem>>)
    %dma_start3A_76 = arith.constant 1 : i32
    %dma_start3A_77 = arith.constant 0 : i32
    %dma_start3A_78 = tpu.memref_slice %arg12[%dma_start3A_76, %dma_start3A_77] : memref<2x40xi32, #tpu.memory_space<vmem>> -> memref<1x40xi32, #tpu.memory_space<vmem>>
    %dma_start3A_79 = tpu.memref_squeeze %dma_start3A_78 : memref<1x40xi32, #tpu.memory_space<vmem>> -> memref<40xi32, #tpu.memory_space<vmem>>
    %dma_start3A_80 = arith.constant 0 : i32
    %dma_start3A_81 = arith.constant 0 : i32
    %dma_start3A_82 = tpu.memref_slice %arg3[%dma_start3A_80, %dma_start3A_81] : memref<10000x128xf32, #tpu.memory_space<hbm>> -> memref<10000x128xf32, #tpu.memory_space<hbm>>
    tpu.enqueue_indirect_dma source(%dma_start3A_82 : memref<10000x128xf32, #tpu.memory_space<hbm>>) target(%arg17 : memref<40x128xf32, #tpu.memory_space<vmem>>) offsets(%dma_start3A_79 : memref<40xi32, #tpu.memory_space<vmem>>) semaphore(%arg21 : memref<!tpu.dma_semaphore, #tpu.memory_space<semaphore_mem>>)
    %dma_start3A_83 = arith.constant 1 : i32
    %dma_start3A_84 = arith.constant 0 : i32
    %dma_start3A_85 = tpu.memref_slice %arg12[%dma_start3A_83, %dma_start3A_84] : memref<2x40xi32, #tpu.memory_space<vmem>> -> memref<1x40xi32, #tpu.memory_space<vmem>>
    %dma_start3A_86 = tpu.memref_squeeze %dma_start3A_85 : memref<1x40xi32, #tpu.memory_space<vmem>> -> memref<40xi32, #tpu.memory_space<vmem>>
    %dma_start3A_87 = arith.constant 0 : i32
    %dma_start3A_88 = arith.constant 0 : i32
    %dma_start3A_89 = tpu.memref_slice %arg4[%dma_start3A_87, %dma_start3A_88] : memref<10000x128xf32, #tpu.memory_space<hbm>> -> memref<10000x128xf32, #tpu.memory_space<hbm>>
    tpu.enqueue_indirect_dma source(%dma_start3A_89 : memref<10000x128xf32, #tpu.memory_space<hbm>>) target(%arg18 : memref<40x128xf32, #tpu.memory_space<vmem>>) offsets(%dma_start3A_86 : memref<40xi32, #tpu.memory_space<vmem>>) semaphore(%arg21 : memref<!tpu.dma_semaphore, #tpu.memory_space<semaphore_mem>>)
    %add3A_90 = arith.constant 9920 : i32
    %add3A_91 = arith.addi %mul3A_36, %add3A_90 : i32
    %dma_wait3A = arith.constant 0 : i32
    %dma_wait3A_92 = arith.constant 0 : i32
    %dma_wait3A_93 = tpu.memref_slice %arg11[%dma_wait3A, %dma_wait3A_92] : memref<2x40xi32, #tpu.memory_space<vmem>> -> memref<1x40xi32, #tpu.memory_space<vmem>>
    %dma_wait3A_94 = tpu.memref_squeeze %dma_wait3A_93 : memref<1x40xi32, #tpu.memory_space<vmem>> -> memref<40xi32, #tpu.memory_space<vmem>>
    %dma_wait3A_95 = arith.constant 0 : i32
    %dma_wait3A_96 = arith.constant 0 : i32
    %dma_wait3A_97 = tpu.memref_slice %arg2[%dma_wait3A_95, %dma_wait3A_96] : memref<10000x128xf32, #tpu.memory_space<hbm>> -> memref<10000x128xf32, #tpu.memory_space<hbm>>
    tpu.wait_indirect_dma semaphore(%arg20 : memref<!tpu.dma_semaphore, #tpu.memory_space<semaphore_mem>>) src(%dma_wait3A_97 : memref<10000x128xf32, #tpu.memory_space<hbm>>) dst(%arg13 : memref<40x128xf32, #tpu.memory_space<vmem>>)
    %dma_wait3A_98 = arith.constant 0 : i32
    %dma_wait3A_99 = arith.constant 0 : i32
    %dma_wait3A_100 = tpu.memref_slice %arg12[%dma_wait3A_98, %dma_wait3A_99] : memref<2x40xi32, #tpu.memory_space<vmem>> -> memref<1x40xi32, #tpu.memory_space<vmem>>
    %dma_wait3A_101 = tpu.memref_squeeze %dma_wait3A_100 : memref<1x40xi32, #tpu.memory_space<vmem>> -> memref<40xi32, #tpu.memory_space<vmem>>
    %dma_wait3A_102 = arith.constant 0 : i32
    %dma_wait3A_103 = arith.constant 0 : i32
    %dma_wait3A_104 = tpu.memref_slice %arg3[%dma_wait3A_102, %dma_wait3A_103] : memref<10000x128xf32, #tpu.memory_space<hbm>> -> memref<10000x128xf32, #tpu.memory_space<hbm>>
    tpu.wait_indirect_dma semaphore(%arg20 : memref<!tpu.dma_semaphore, #tpu.memory_space<semaphore_mem>>) src(%dma_wait3A_104 : memref<10000x128xf32, #tpu.memory_space<hbm>>) dst(%arg14 : memref<40x128xf32, #tpu.memory_space<vmem>>)
    %dma_wait3A_105 = arith.constant 0 : i32
    %dma_wait3A_106 = arith.constant 0 : i32
    %dma_wait3A_107 = tpu.memref_slice %arg12[%dma_wait3A_105, %dma_wait3A_106] : memref<2x40xi32, #tpu.memory_space<vmem>> -> memref<1x40xi32, #tpu.memory_space<vmem>>
    %dma_wait3A_108 = tpu.memref_squeeze %dma_wait3A_107 : memref<1x40xi32, #tpu.memory_space<vmem>> -> memref<40xi32, #tpu.memory_space<vmem>>
    %dma_wait3A_109 = arith.constant 0 : i32
    %dma_wait3A_110 = arith.constant 0 : i32
    %dma_wait3A_111 = tpu.memref_slice %arg4[%dma_wait3A_109, %dma_wait3A_110] : memref<10000x128xf32, #tpu.memory_space<hbm>> -> memref<10000x128xf32, #tpu.memory_space<hbm>>
    tpu.wait_indirect_dma semaphore(%arg20 : memref<!tpu.dma_semaphore, #tpu.memory_space<semaphore_mem>>) src(%dma_wait3A_111 : memref<10000x128xf32, #tpu.memory_space<hbm>>) dst(%arg15 : memref<40x128xf32, #tpu.memory_space<vmem>>)
    "tpu.region"() ({
      %run_scoped3A_218 = tpu.sem_alloc : memref<!tpu.dma_semaphore, #tpu.memory_space<semaphore_mem>>
      %dma_start3A_219 = arith.constant 0 : i32
      %dma_start3A_220 = tpu.memref_slice %arg8[%add3A_91, %dma_start3A_219] : memref<320000x128xf32, #tpu.memory_space<hbm>> -> memref<40x128xf32, #tpu.memory_space<hbm>>
      %dma_start3A_221 = arith.constant 0 : i32
      %dma_start3A_222 = tpu.memref_slice %arg8[%add3A_91, %dma_start3A_221] : memref<320000x128xf32, #tpu.memory_space<hbm>> -> memref<40x128xf32, #tpu.memory_space<hbm>>
      tpu.enqueue_dma source(%arg13 : memref<40x128xf32, #tpu.memory_space<vmem>>) target(%dma_start3A_222 : memref<40x128xf32, #tpu.memory_space<hbm>>) target_semaphore(%run_scoped3A_218 : memref<!tpu.dma_semaphore, #tpu.memory_space<semaphore_mem>>)
      %dma_wait3A_223 = arith.constant 0 : i32
      %dma_wait3A_224 = tpu.memref_slice %arg8[%add3A_91, %dma_wait3A_223] : memref<320000x128xf32, #tpu.memory_space<hbm>> -> memref<40x128xf32, #tpu.memory_space<hbm>>
      %dma_wait3A_225 = arith.constant 0 : i32
      %dma_wait3A_226 = tpu.memref_slice %arg8[%add3A_91, %dma_wait3A_225] : memref<320000x128xf32, #tpu.memory_space<hbm>> -> memref<40x128xf32, #tpu.memory_space<hbm>>
      tpu.wait_dma2 semaphore(%run_scoped3A_218 : memref<!tpu.dma_semaphore, #tpu.memory_space<semaphore_mem>>) src(%arg13 : memref<40x128xf32, #tpu.memory_space<vmem>>) dst(%dma_wait3A_226 : memref<40x128xf32, #tpu.memory_space<hbm>>)
      tpu.yield
    }) : () -> ()
    "tpu.region"() ({
      %run_scoped3A_218 = tpu.sem_alloc : memref<!tpu.dma_semaphore, #tpu.memory_space<semaphore_mem>>
      %dma_start3A_219 = arith.constant 0 : i32
      %dma_start3A_220 = tpu.memref_slice %arg9[%add3A_91, %dma_start3A_219] : memref<320000x128xf32, #tpu.memory_space<hbm>> -> memref<40x128xf32, #tpu.memory_space<hbm>>
      %dma_start3A_221 = arith.constant 0 : i32
      %dma_start3A_222 = tpu.memref_slice %arg9[%add3A_91, %dma_start3A_221] : memref<320000x128xf32, #tpu.memory_space<hbm>> -> memref<40x128xf32, #tpu.memory_space<hbm>>
      tpu.enqueue_dma source(%arg14 : memref<40x128xf32, #tpu.memory_space<vmem>>) target(%dma_start3A_222 : memref<40x128xf32, #tpu.memory_space<hbm>>) target_semaphore(%run_scoped3A_218 : memref<!tpu.dma_semaphore, #tpu.memory_space<semaphore_mem>>)
      %dma_wait3A_223 = arith.constant 0 : i32
      %dma_wait3A_224 = tpu.memref_slice %arg9[%add3A_91, %dma_wait3A_223] : memref<320000x128xf32, #tpu.memory_space<hbm>> -> memref<40x128xf32, #tpu.memory_space<hbm>>
      %dma_wait3A_225 = arith.constant 0 : i32
      %dma_wait3A_226 = tpu.memref_slice %arg9[%add3A_91, %dma_wait3A_225] : memref<320000x128xf32, #tpu.memory_space<hbm>> -> memref<40x128xf32, #tpu.memory_space<hbm>>
      tpu.wait_dma2 semaphore(%run_scoped3A_218 : memref<!tpu.dma_semaphore, #tpu.memory_space<semaphore_mem>>) src(%arg14 : memref<40x128xf32, #tpu.memory_space<vmem>>) dst(%dma_wait3A_226 : memref<40x128xf32, #tpu.memory_space<hbm>>)
      tpu.yield
    }) : () -> ()
    %run_scoped3A_112 = arith.constant 0 : i32
    "tpu.region"() ({
      %run_scoped3A_218 = tpu.sem_alloc : memref<!tpu.dma_semaphore, #tpu.memory_space<semaphore_mem>>
      %dma_start3A_219 = arith.constant 0 : i32
      %dma_start3A_220 = tpu.memref_slice %arg11[%run_scoped3A_112, %dma_start3A_219] : memref<2x40xi32, #tpu.memory_space<vmem>> -> memref<1x40xi32, #tpu.memory_space<vmem>>
      %dma_start3A_221 = tpu.memref_squeeze %dma_start3A_220 : memref<1x40xi32, #tpu.memory_space<vmem>> -> memref<40xi32, #tpu.memory_space<vmem>>
      %dma_start3A_222 = arith.constant 0 : i32
      %dma_start3A_223 = arith.constant 0 : i32
      %dma_start3A_224 = tpu.memref_slice %arg19[%dma_start3A_222, %dma_start3A_223] : memref<10240x128xf32, #tpu.memory_space<vmem_shared>> -> memref<10240x128xf32, #tpu.memory_space<vmem_shared>>
      tpu.enqueue_indirect_dma source(%arg15 : memref<40x128xf32, #tpu.memory_space<vmem>>) target(%dma_start3A_224 : memref<10240x128xf32, #tpu.memory_space<vmem_shared>>) offsets(%dma_start3A_221 : memref<40xi32, #tpu.memory_space<vmem>>) semaphore(%run_scoped3A_218 : memref<!tpu.dma_semaphore, #tpu.memory_space<semaphore_mem>>) {add = true}
      %dma_wait3A_225 = arith.constant 0 : i32
      %dma_wait3A_226 = tpu.memref_slice %arg11[%run_scoped3A_112, %dma_wait3A_225] : memref<2x40xi32, #tpu.memory_space<vmem>> -> memref<1x40xi32, #tpu.memory_space<vmem>>
      %dma_wait3A_227 = tpu.memref_squeeze %dma_wait3A_226 : memref<1x40xi32, #tpu.memory_space<vmem>> -> memref<40xi32, #tpu.memory_space<vmem>>
      %dma_wait3A_228 = arith.constant 0 : i32
      %dma_wait3A_229 = arith.constant 0 : i32
      %dma_wait3A_230 = tpu.memref_slice %arg19[%dma_wait3A_228, %dma_wait3A_229] : memref<10240x128xf32, #tpu.memory_space<vmem_shared>> -> memref<10240x128xf32, #tpu.memory_space<vmem_shared>>
      tpu.wait_indirect_dma semaphore(%run_scoped3A_218 : memref<!tpu.dma_semaphore, #tpu.memory_space<semaphore_mem>>) src(%arg15 : memref<40x128xf32, #tpu.memory_space<vmem>>) dst(%dma_wait3A_230 : memref<10240x128xf32, #tpu.memory_space<vmem_shared>>)
      tpu.yield
    }) : () -> ()
    %add3A_113 = arith.constant 9960 : i32
    %add3A_114 = arith.addi %mul3A_36, %add3A_113 : i32
    %dma_wait3A_115 = arith.constant 1 : i32
    %dma_wait3A_116 = arith.constant 0 : i32
    %dma_wait3A_117 = tpu.memref_slice %arg11[%dma_wait3A_115, %dma_wait3A_116] : memref<2x40xi32, #tpu.memory_space<vmem>> -> memref<1x40xi32, #tpu.memory_space<vmem>>
    %dma_wait3A_118 = tpu.memref_squeeze %dma_wait3A_117 : memref<1x40xi32, #tpu.memory_space<vmem>> -> memref<40xi32, #tpu.memory_space<vmem>>
    %dma_wait3A_119 = arith.constant 0 : i32
    %dma_wait3A_120 = arith.constant 0 : i32
    %dma_wait3A_121 = tpu.memref_slice %arg2[%dma_wait3A_119, %dma_wait3A_120] : memref<10000x128xf32, #tpu.memory_space<hbm>> -> memref<10000x128xf32, #tpu.memory_space<hbm>>
    tpu.wait_indirect_dma semaphore(%arg21 : memref<!tpu.dma_semaphore, #tpu.memory_space<semaphore_mem>>) src(%dma_wait3A_121 : memref<10000x128xf32, #tpu.memory_space<hbm>>) dst(%arg16 : memref<40x128xf32, #tpu.memory_space<vmem>>)
    %dma_wait3A_122 = arith.constant 1 : i32
    %dma_wait3A_123 = arith.constant 0 : i32
    %dma_wait3A_124 = tpu.memref_slice %arg12[%dma_wait3A_122, %dma_wait3A_123] : memref<2x40xi32, #tpu.memory_space<vmem>> -> memref<1x40xi32, #tpu.memory_space<vmem>>
    %dma_wait3A_125 = tpu.memref_squeeze %dma_wait3A_124 : memref<1x40xi32, #tpu.memory_space<vmem>> -> memref<40xi32, #tpu.memory_space<vmem>>
    %dma_wait3A_126 = arith.constant 0 : i32
    %dma_wait3A_127 = arith.constant 0 : i32
    %dma_wait3A_128 = tpu.memref_slice %arg3[%dma_wait3A_126, %dma_wait3A_127] : memref<10000x128xf32, #tpu.memory_space<hbm>> -> memref<10000x128xf32, #tpu.memory_space<hbm>>
    tpu.wait_indirect_dma semaphore(%arg21 : memref<!tpu.dma_semaphore, #tpu.memory_space<semaphore_mem>>) src(%dma_wait3A_128 : memref<10000x128xf32, #tpu.memory_space<hbm>>) dst(%arg17 : memref<40x128xf32, #tpu.memory_space<vmem>>)
    %dma_wait3A_129 = arith.constant 1 : i32
    %dma_wait3A_130 = arith.constant 0 : i32
    %dma_wait3A_131 = tpu.memref_slice %arg12[%dma_wait3A_129, %dma_wait3A_130] : memref<2x40xi32, #tpu.memory_space<vmem>> -> memref<1x40xi32, #tpu.memory_space<vmem>>
    %dma_wait3A_132 = tpu.memref_squeeze %dma_wait3A_131 : memref<1x40xi32, #tpu.memory_space<vmem>> -> memref<40xi32, #tpu.memory_space<vmem>>
    %dma_wait3A_133 = arith.constant 0 : i32
    %dma_wait3A_134 = arith.constant 0 : i32
    %dma_wait3A_135 = tpu.memref_slice %arg4[%dma_wait3A_133, %dma_wait3A_134] : memref<10000x128xf32, #tpu.memory_space<hbm>> -> memref<10000x128xf32, #tpu.memory_space<hbm>>
    tpu.wait_indirect_dma semaphore(%arg21 : memref<!tpu.dma_semaphore, #tpu.memory_space<semaphore_mem>>) src(%dma_wait3A_135 : memref<10000x128xf32, #tpu.memory_space<hbm>>) dst(%arg18 : memref<40x128xf32, #tpu.memory_space<vmem>>)
    "tpu.region"() ({
      %run_scoped3A_218 = tpu.sem_alloc : memref<!tpu.dma_semaphore, #tpu.memory_space<semaphore_mem>>
      %dma_start3A_219 = arith.constant 0 : i32
      %dma_start3A_220 = tpu.memref_slice %arg8[%add3A_114, %dma_start3A_219] : memref<320000x128xf32, #tpu.memory_space<hbm>> -> memref<40x128xf32, #tpu.memory_space<hbm>>
      %dma_start3A_221 = arith.constant 0 : i32
      %dma_start3A_222 = tpu.memref_slice %arg8[%add3A_114, %dma_start3A_221] : memref<320000x128xf32, #tpu.memory_space<hbm>> -> memref<40x128xf32, #tpu.memory_space<hbm>>
      tpu.enqueue_dma source(%arg16 : memref<40x128xf32, #tpu.memory_space<vmem>>) target(%dma_start3A_222 : memref<40x128xf32, #tpu.memory_space<hbm>>) target_semaphore(%run_scoped3A_218 : memref<!tpu.dma_semaphore, #tpu.memory_space<semaphore_mem>>)
      %dma_wait3A_223 = arith.constant 0 : i32
      %dma_wait3A_224 = tpu.memref_slice %arg8[%add3A_114, %dma_wait3A_223] : memref<320000x128xf32, #tpu.memory_space<hbm>> -> memref<40x128xf32, #tpu.memory_space<hbm>>
      %dma_wait3A_225 = arith.constant 0 : i32
      %dma_wait3A_226 = tpu.memref_slice %arg8[%add3A_114, %dma_wait3A_225] : memref<320000x128xf32, #tpu.memory_space<hbm>> -> memref<40x128xf32, #tpu.memory_space<hbm>>
      tpu.wait_dma2 semaphore(%run_scoped3A_218 : memref<!tpu.dma_semaphore, #tpu.memory_space<semaphore_mem>>) src(%arg16 : memref<40x128xf32, #tpu.memory_space<vmem>>) dst(%dma_wait3A_226 : memref<40x128xf32, #tpu.memory_space<hbm>>)
      tpu.yield
    }) : () -> ()
    "tpu.region"() ({
      %run_scoped3A_218 = tpu.sem_alloc : memref<!tpu.dma_semaphore, #tpu.memory_space<semaphore_mem>>
      %dma_start3A_219 = arith.constant 0 : i32
      %dma_start3A_220 = tpu.memref_slice %arg9[%add3A_114, %dma_start3A_219] : memref<320000x128xf32, #tpu.memory_space<hbm>> -> memref<40x128xf32, #tpu.memory_space<hbm>>
      %dma_start3A_221 = arith.constant 0 : i32
      %dma_start3A_222 = tpu.memref_slice %arg9[%add3A_114, %dma_start3A_221] : memref<320000x128xf32, #tpu.memory_space<hbm>> -> memref<40x128xf32, #tpu.memory_space<hbm>>
      tpu.enqueue_dma source(%arg17 : memref<40x128xf32, #tpu.memory_space<vmem>>) target(%dma_start3A_222 : memref<40x128xf32, #tpu.memory_space<hbm>>) target_semaphore(%run_scoped3A_218 : memref<!tpu.dma_semaphore, #tpu.memory_space<semaphore_mem>>)
      %dma_wait3A_223 = arith.constant 0 : i32
      %dma_wait3A_224 = tpu.memref_slice %arg9[%add3A_114, %dma_wait3A_223] : memref<320000x128xf32, #tpu.memory_space<hbm>> -> memref<40x128xf32, #tpu.memory_space<hbm>>
      %dma_wait3A_225 = arith.constant 0 : i32
      %dma_wait3A_226 = tpu.memref_slice %arg9[%add3A_114, %dma_wait3A_225] : memref<320000x128xf32, #tpu.memory_space<hbm>> -> memref<40x128xf32, #tpu.memory_space<hbm>>
      tpu.wait_dma2 semaphore(%run_scoped3A_218 : memref<!tpu.dma_semaphore, #tpu.memory_space<semaphore_mem>>) src(%arg17 : memref<40x128xf32, #tpu.memory_space<vmem>>) dst(%dma_wait3A_226 : memref<40x128xf32, #tpu.memory_space<hbm>>)
      tpu.yield
    }) : () -> ()
    %run_scoped3A_136 = arith.constant 1 : i32
    "tpu.region"() ({
      %run_scoped3A_218 = tpu.sem_alloc : memref<!tpu.dma_semaphore, #tpu.memory_space<semaphore_mem>>
      %dma_start3A_219 = arith.constant 0 : i32
      %dma_start3A_220 = tpu.memref_slice %arg11[%run_scoped3A_136, %dma_start3A_219] : memref<2x40xi32, #tpu.memory_space<vmem>> -> memref<1x40xi32, #tpu.memory_space<vmem>>
      %dma_start3A_221 = tpu.memref_squeeze %dma_start3A_220 : memref<1x40xi32, #tpu.memory_space<vmem>> -> memref<40xi32, #tpu.memory_space<vmem>>
      %dma_start3A_222 = arith.constant 0 : i32
      %dma_start3A_223 = arith.constant 0 : i32
      %dma_start3A_224 = tpu.memref_slice %arg19[%dma_start3A_222, %dma_start3A_223] : memref<10240x128xf32, #tpu.memory_space<vmem_shared>> -> memref<10240x128xf32, #tpu.memory_space<vmem_shared>>
      tpu.enqueue_indirect_dma source(%arg18 : memref<40x128xf32, #tpu.memory_space<vmem>>) target(%dma_start3A_224 : memref<10240x128xf32, #tpu.memory_space<vmem_shared>>) offsets(%dma_start3A_221 : memref<40xi32, #tpu.memory_space<vmem>>) semaphore(%run_scoped3A_218 : memref<!tpu.dma_semaphore, #tpu.memory_space<semaphore_mem>>) {add = true}
      %dma_wait3A_225 = arith.constant 0 : i32
      %dma_wait3A_226 = tpu.memref_slice %arg11[%run_scoped3A_136, %dma_wait3A_225] : memref<2x40xi32, #tpu.memory_space<vmem>> -> memref<1x40xi32, #tpu.memory_space<vmem>>
      %dma_wait3A_227 = tpu.memref_squeeze %dma_wait3A_226 : memref<1x40xi32, #tpu.memory_space<vmem>> -> memref<40xi32, #tpu.memory_space<vmem>>
      %dma_wait3A_228 = arith.constant 0 : i32
      %dma_wait3A_229 = arith.constant 0 : i32
      %dma_wait3A_230 = tpu.memref_slice %arg19[%dma_wait3A_228, %dma_wait3A_229] : memref<10240x128xf32, #tpu.memory_space<vmem_shared>> -> memref<10240x128xf32, #tpu.memory_space<vmem_shared>>
      tpu.wait_indirect_dma semaphore(%run_scoped3A_218 : memref<!tpu.dma_semaphore, #tpu.memory_space<semaphore_mem>>) src(%arg18 : memref<40x128xf32, #tpu.memory_space<vmem>>) dst(%dma_wait3A_230 : memref<10240x128xf32, #tpu.memory_space<vmem_shared>>)
      tpu.yield
    }) : () -> ()
    %barrier3A_137 = arith.constant 0 : index
    tpu.barrier barrier_id(%barrier3A_137)
    %add3A_138 = arith.constant 0 : i32
    %add3A_139 = arith.addi %mul3A_2, %add3A_138 : i32
    "tpu.region"() ({
      %run_scoped3A_218 = tpu.sem_alloc : memref<!tpu.dma_semaphore, #tpu.memory_space<semaphore_mem>>
      %dma_start3A_219 = arith.constant 0 : i32
      %dma_start3A_220 = tpu.memref_slice %arg19[%add3A_139, %dma_start3A_219] : memref<10240x128xf32, #tpu.memory_space<vmem_shared>> -> memref<40x128xf32, #tpu.memory_space<vmem_shared>>
      %dma_start3A_221 = arith.constant 0 : i32
      %dma_start3A_222 = tpu.memref_slice %arg19[%add3A_139, %dma_start3A_221] : memref<10240x128xf32, #tpu.memory_space<vmem_shared>> -> memref<40x128xf32, #tpu.memory_space<vmem_shared>>
      tpu.enqueue_dma source(%dma_start3A_222 : memref<40x128xf32, #tpu.memory_space<vmem_shared>>) target(%arg13 : memref<40x128xf32, #tpu.memory_space<vmem>>) target_semaphore(%run_scoped3A_218 : memref<!tpu.dma_semaphore, #tpu.memory_space<semaphore_mem>>)
      %dma_wait3A_223 = arith.constant 0 : i32
      %dma_wait3A_224 = tpu.memref_slice %arg19[%add3A_139, %dma_wait3A_223] : memref<10240x128xf32, #tpu.memory_space<vmem_shared>> -> memref<40x128xf32, #tpu.memory_space<vmem_shared>>
      %dma_wait3A_225 = arith.constant 0 : i32
      %dma_wait3A_226 = tpu.memref_slice %arg19[%add3A_139, %dma_wait3A_225] : memref<10240x128xf32, #tpu.memory_space<vmem_shared>> -> memref<40x128xf32, #tpu.memory_space<vmem_shared>>
      tpu.wait_dma2 semaphore(%run_scoped3A_218 : memref<!tpu.dma_semaphore, #tpu.memory_space<semaphore_mem>>) src(%dma_wait3A_226 : memref<40x128xf32, #tpu.memory_space<vmem_shared>>) dst(%arg13 : memref<40x128xf32, #tpu.memory_space<vmem>>)
      tpu.yield
    }) : () -> ()
    %mul3A_140 = arith.constant 10240 : i32
    %mul3A_141 = arith.muli %arg0, %mul3A_140 : i32
    %add3A_142 = arith.addi %mul3A_141, %add3A_139 : i32
    "tpu.region"() ({
      %run_scoped3A_218 = tpu.sem_alloc : memref<!tpu.dma_semaphore, #tpu.memory_space<semaphore_mem>>
      %dma_start3A_219 = arith.constant 0 : i32
      %dma_start3A_220 = tpu.memref_slice %arg10[%add3A_142, %dma_start3A_219] : memref<20480x128xf32, #tpu.memory_space<hbm>> -> memref<40x128xf32, #tpu.memory_space<hbm>>
      %dma_start3A_221 = arith.constant 0 : i32
      %dma_start3A_222 = tpu.memref_slice %arg10[%add3A_142, %dma_start3A_221] : memref<20480x128xf32, #tpu.memory_space<hbm>> -> memref<40x128xf32, #tpu.memory_space<hbm>>
      tpu.enqueue_dma source(%arg13 : memref<40x128xf32, #tpu.memory_space<vmem>>) target(%dma_start3A_222 : memref<40x128xf32, #tpu.memory_space<hbm>>) target_semaphore(%run_scoped3A_218 : memref<!tpu.dma_semaphore, #tpu.memory_space<semaphore_mem>>)
      %dma_wait3A_223 = arith.constant 0 : i32
      %dma_wait3A_224 = tpu.memref_slice %arg10[%add3A_142, %dma_wait3A_223] : memref<20480x128xf32, #tpu.memory_space<hbm>> -> memref<40x128xf32, #tpu.memory_space<hbm>>
      %dma_wait3A_225 = arith.constant 0 : i32
      %dma_wait3A_226 = tpu.memref_slice %arg10[%add3A_142, %dma_wait3A_225] : memref<20480x128xf32, #tpu.memory_space<hbm>> -> memref<40x128xf32, #tpu.memory_space<hbm>>
      tpu.wait_dma2 semaphore(%run_scoped3A_218 : memref<!tpu.dma_semaphore, #tpu.memory_space<semaphore_mem>>) src(%arg13 : memref<40x128xf32, #tpu.memory_space<vmem>>) dst(%dma_wait3A_226 : memref<40x128xf32, #tpu.memory_space<hbm>>)
      tpu.yield
    }) : () -> ()
    %add3A_143 = arith.constant 40 : i32
    %add3A_144 = arith.addi %mul3A_2, %add3A_143 : i32
    "tpu.region"() ({
      %run_scoped3A_218 = tpu.sem_alloc : memref<!tpu.dma_semaphore, #tpu.memory_space<semaphore_mem>>
      %dma_start3A_219 = arith.constant 0 : i32
      %dma_start3A_220 = tpu.memref_slice %arg19[%add3A_144, %dma_start3A_219] : memref<10240x128xf32, #tpu.memory_space<vmem_shared>> -> memref<40x128xf32, #tpu.memory_space<vmem_shared>>
      %dma_start3A_221 = arith.constant 0 : i32
      %dma_start3A_222 = tpu.memref_slice %arg19[%add3A_144, %dma_start3A_221] : memref<10240x128xf32, #tpu.memory_space<vmem_shared>> -> memref<40x128xf32, #tpu.memory_space<vmem_shared>>
      tpu.enqueue_dma source(%dma_start3A_222 : memref<40x128xf32, #tpu.memory_space<vmem_shared>>) target(%arg13 : memref<40x128xf32, #tpu.memory_space<vmem>>) target_semaphore(%run_scoped3A_218 : memref<!tpu.dma_semaphore, #tpu.memory_space<semaphore_mem>>)
      %dma_wait3A_223 = arith.constant 0 : i32
      %dma_wait3A_224 = tpu.memref_slice %arg19[%add3A_144, %dma_wait3A_223] : memref<10240x128xf32, #tpu.memory_space<vmem_shared>> -> memref<40x128xf32, #tpu.memory_space<vmem_shared>>
      %dma_wait3A_225 = arith.constant 0 : i32
      %dma_wait3A_226 = tpu.memref_slice %arg19[%add3A_144, %dma_wait3A_225] : memref<10240x128xf32, #tpu.memory_space<vmem_shared>> -> memref<40x128xf32, #tpu.memory_space<vmem_shared>>
      tpu.wait_dma2 semaphore(%run_scoped3A_218 : memref<!tpu.dma_semaphore, #tpu.memory_space<semaphore_mem>>) src(%dma_wait3A_226 : memref<40x128xf32, #tpu.memory_space<vmem_shared>>) dst(%arg13 : memref<40x128xf32, #tpu.memory_space<vmem>>)
      tpu.yield
    }) : () -> ()
    %mul3A_145 = arith.constant 10240 : i32
    %mul3A_146 = arith.muli %arg0, %mul3A_145 : i32
    %add3A_147 = arith.addi %mul3A_146, %add3A_144 : i32
    "tpu.region"() ({
      %run_scoped3A_218 = tpu.sem_alloc : memref<!tpu.dma_semaphore, #tpu.memory_space<semaphore_mem>>
      %dma_start3A_219 = arith.constant 0 : i32
      %dma_start3A_220 = tpu.memref_slice %arg10[%add3A_147, %dma_start3A_219] : memref<20480x128xf32, #tpu.memory_space<hbm>> -> memref<40x128xf32, #tpu.memory_space<hbm>>
      %dma_start3A_221 = arith.constant 0 : i32
      %dma_start3A_222 = tpu.memref_slice %arg10[%add3A_147, %dma_start3A_221] : memref<20480x128xf32, #tpu.memory_space<hbm>> -> memref<40x128xf32, #tpu.memory_space<hbm>>
      tpu.enqueue_dma source(%arg13 : memref<40x128xf32, #tpu.memory_space<vmem>>) target(%dma_start3A_222 : memref<40x128xf32, #tpu.memory_space<hbm>>) target_semaphore(%run_scoped3A_218 : memref<!tpu.dma_semaphore, #tpu.memory_space<semaphore_mem>>)
      %dma_wait3A_223 = arith.constant 0 : i32
      %dma_wait3A_224 = tpu.memref_slice %arg10[%add3A_147, %dma_wait3A_223] : memref<20480x128xf32, #tpu.memory_space<hbm>> -> memref<40x128xf32, #tpu.memory_space<hbm>>
      %dma_wait3A_225 = arith.constant 0 : i32
      %dma_wait3A_226 = tpu.memref_slice %arg10[%add3A_147, %dma_wait3A_225] : memref<20480x128xf32, #tpu.memory_space<hbm>> -> memref<40x128xf32, #tpu.memory_space<hbm>>
      tpu.wait_dma2 semaphore(%run_scoped3A_218 : memref<!tpu.dma_semaphore, #tpu.memory_space<semaphore_mem>>) src(%arg13 : memref<40x128xf32, #tpu.memory_space<vmem>>) dst(%dma_wait3A_226 : memref<40x128xf32, #tpu.memory_space<hbm>>)
      tpu.yield
    }) : () -> ()
    %add3A_148 = arith.constant 80 : i32
    %add3A_149 = arith.addi %mul3A_2, %add3A_148 : i32
    "tpu.region"() ({
      %run_scoped3A_218 = tpu.sem_alloc : memref<!tpu.dma_semaphore, #tpu.memory_space<semaphore_mem>>
      %dma_start3A_219 = arith.constant 0 : i32
      %dma_start3A_220 = tpu.memref_slice %arg19[%add3A_149, %dma_start3A_219] : memref<10240x128xf32, #tpu.memory_space<vmem_shared>> -> memref<40x128xf32, #tpu.memory_space<vmem_shared>>
      %dma_start3A_221 = arith.constant 0 : i32
      %dma_start3A_222 = tpu.memref_slice %arg19[%add3A_149, %dma_start3A_221] : memref<10240x128xf32, #tpu.memory_space<vmem_shared>> -> memref<40x128xf32, #tpu.memory_space<vmem_shared>>
      tpu.enqueue_dma source(%dma_start3A_222 : memref<40x128xf32, #tpu.memory_space<vmem_shared>>) target(%arg13 : memref<40x128xf32, #tpu.memory_space<vmem>>) target_semaphore(%run_scoped3A_218 : memref<!tpu.dma_semaphore, #tpu.memory_space<semaphore_mem>>)
      %dma_wait3A_223 = arith.constant 0 : i32
      %dma_wait3A_224 = tpu.memref_slice %arg19[%add3A_149, %dma_wait3A_223] : memref<10240x128xf32, #tpu.memory_space<vmem_shared>> -> memref<40x128xf32, #tpu.memory_space<vmem_shared>>
      %dma_wait3A_225 = arith.constant 0 : i32
      %dma_wait3A_226 = tpu.memref_slice %arg19[%add3A_149, %dma_wait3A_225] : memref<10240x128xf32, #tpu.memory_space<vmem_shared>> -> memref<40x128xf32, #tpu.memory_space<vmem_shared>>
      tpu.wait_dma2 semaphore(%run_scoped3A_218 : memref<!tpu.dma_semaphore, #tpu.memory_space<semaphore_mem>>) src(%dma_wait3A_226 : memref<40x128xf32, #tpu.memory_space<vmem_shared>>) dst(%arg13 : memref<40x128xf32, #tpu.memory_space<vmem>>)
      tpu.yield
    }) : () -> ()
    %mul3A_150 = arith.constant 10240 : i32
    %mul3A_151 = arith.muli %arg0, %mul3A_150 : i32
    %add3A_152 = arith.addi %mul3A_151, %add3A_149 : i32
    "tpu.region"() ({
      %run_scoped3A_218 = tpu.sem_alloc : memref<!tpu.dma_semaphore, #tpu.memory_space<semaphore_mem>>
      %dma_start3A_219 = arith.constant 0 : i32
      %dma_start3A_220 = tpu.memref_slice %arg10[%add3A_152, %dma_start3A_219] : memref<20480x128xf32, #tpu.memory_space<hbm>> -> memref<40x128xf32, #tpu.memory_space<hbm>>
      %dma_start3A_221 = arith.constant 0 : i32
      %dma_start3A_222 = tpu.memref_slice %arg10[%add3A_152, %dma_start3A_221] : memref<20480x128xf32, #tpu.memory_space<hbm>> -> memref<40x128xf32, #tpu.memory_space<hbm>>
      tpu.enqueue_dma source(%arg13 : memref<40x128xf32, #tpu.memory_space<vmem>>) target(%dma_start3A_222 : memref<40x128xf32, #tpu.memory_space<hbm>>) target_semaphore(%run_scoped3A_218 : memref<!tpu.dma_semaphore, #tpu.memory_space<semaphore_mem>>)
      %dma_wait3A_223 = arith.constant 0 : i32
      %dma_wait3A_224 = tpu.memref_slice %arg10[%add3A_152, %dma_wait3A_223] : memref<20480x128xf32, #tpu.memory_space<hbm>> -> memref<40x128xf32, #tpu.memory_space<hbm>>
      %dma_wait3A_225 = arith.constant 0 : i32
      %dma_wait3A_226 = tpu.memref_slice %arg10[%add3A_152, %dma_wait3A_225] : memref<20480x128xf32, #tpu.memory_space<hbm>> -> memref<40x128xf32, #tpu.memory_space<hbm>>
      tpu.wait_dma2 semaphore(%run_scoped3A_218 : memref<!tpu.dma_semaphore, #tpu.memory_space<semaphore_mem>>) src(%arg13 : memref<40x128xf32, #tpu.memory_space<vmem>>) dst(%dma_wait3A_226 : memref<40x128xf32, #tpu.memory_space<hbm>>)
      tpu.yield
    }) : () -> ()
    %add3A_153 = arith.constant 120 : i32
    %add3A_154 = arith.addi %mul3A_2, %add3A_153 : i32
    "tpu.region"() ({
      %run_scoped3A_218 = tpu.sem_alloc : memref<!tpu.dma_semaphore, #tpu.memory_space<semaphore_mem>>
      %dma_start3A_219 = arith.constant 0 : i32
      %dma_start3A_220 = tpu.memref_slice %arg19[%add3A_154, %dma_start3A_219] : memref<10240x128xf32, #tpu.memory_space<vmem_shared>> -> memref<40x128xf32, #tpu.memory_space<vmem_shared>>
      %dma_start3A_221 = arith.constant 0 : i32
      %dma_start3A_222 = tpu.memref_slice %arg19[%add3A_154, %dma_start3A_221] : memref<10240x128xf32, #tpu.memory_space<vmem_shared>> -> memref<40x128xf32, #tpu.memory_space<vmem_shared>>
      tpu.enqueue_dma source(%dma_start3A_222 : memref<40x128xf32, #tpu.memory_space<vmem_shared>>) target(%arg13 : memref<40x128xf32, #tpu.memory_space<vmem>>) target_semaphore(%run_scoped3A_218 : memref<!tpu.dma_semaphore, #tpu.memory_space<semaphore_mem>>)
      %dma_wait3A_223 = arith.constant 0 : i32
      %dma_wait3A_224 = tpu.memref_slice %arg19[%add3A_154, %dma_wait3A_223] : memref<10240x128xf32, #tpu.memory_space<vmem_shared>> -> memref<40x128xf32, #tpu.memory_space<vmem_shared>>
      %dma_wait3A_225 = arith.constant 0 : i32
      %dma_wait3A_226 = tpu.memref_slice %arg19[%add3A_154, %dma_wait3A_225] : memref<10240x128xf32, #tpu.memory_space<vmem_shared>> -> memref<40x128xf32, #tpu.memory_space<vmem_shared>>
      tpu.wait_dma2 semaphore(%run_scoped3A_218 : memref<!tpu.dma_semaphore, #tpu.memory_space<semaphore_mem>>) src(%dma_wait3A_226 : memref<40x128xf32, #tpu.memory_space<vmem_shared>>) dst(%arg13 : memref<40x128xf32, #tpu.memory_space<vmem>>)
      tpu.yield
    }) : () -> ()
    %mul3A_155 = arith.constant 10240 : i32
    %mul3A_156 = arith.muli %arg0, %mul3A_155 : i32
    %add3A_157 = arith.addi %mul3A_156, %add3A_154 : i32
    "tpu.region"() ({
      %run_scoped3A_218 = tpu.sem_alloc : memref<!tpu.dma_semaphore, #tpu.memory_space<semaphore_mem>>
      %dma_start3A_219 = arith.constant 0 : i32
      %dma_start3A_220 = tpu.memref_slice %arg10[%add3A_157, %dma_start3A_219] : memref<20480x128xf32, #tpu.memory_space<hbm>> -> memref<40x128xf32, #tpu.memory_space<hbm>>
      %dma_start3A_221 = arith.constant 0 : i32
      %dma_start3A_222 = tpu.memref_slice %arg10[%add3A_157, %dma_start3A_221] : memref<20480x128xf32, #tpu.memory_space<hbm>> -> memref<40x128xf32, #tpu.memory_space<hbm>>
      tpu.enqueue_dma source(%arg13 : memref<40x128xf32, #tpu.memory_space<vmem>>) target(%dma_start3A_222 : memref<40x128xf32, #tpu.memory_space<hbm>>) target_semaphore(%run_scoped3A_218 : memref<!tpu.dma_semaphore, #tpu.memory_space<semaphore_mem>>)
      %dma_wait3A_223 = arith.constant 0 : i32
      %dma_wait3A_224 = tpu.memref_slice %arg10[%add3A_157, %dma_wait3A_223] : memref<20480x128xf32, #tpu.memory_space<hbm>> -> memref<40x128xf32, #tpu.memory_space<hbm>>
      %dma_wait3A_225 = arith.constant 0 : i32
      %dma_wait3A_226 = tpu.memref_slice %arg10[%add3A_157, %dma_wait3A_225] : memref<20480x128xf32, #tpu.memory_space<hbm>> -> memref<40x128xf32, #tpu.memory_space<hbm>>
      tpu.wait_dma2 semaphore(%run_scoped3A_218 : memref<!tpu.dma_semaphore, #tpu.memory_space<semaphore_mem>>) src(%arg13 : memref<40x128xf32, #tpu.memory_space<vmem>>) dst(%dma_wait3A_226 : memref<40x128xf32, #tpu.memory_space<hbm>>)
      tpu.yield
    }) : () -> ()
    %add3A_158 = arith.constant 160 : i32
    %add3A_159 = arith.addi %mul3A_2, %add3A_158 : i32
    "tpu.region"() ({
      %run_scoped3A_218 = tpu.sem_alloc : memref<!tpu.dma_semaphore, #tpu.memory_space<semaphore_mem>>
      %dma_start3A_219 = arith.constant 0 : i32
      %dma_start3A_220 = tpu.memref_slice %arg19[%add3A_159, %dma_start3A_219] : memref<10240x128xf32, #tpu.memory_space<vmem_shared>> -> memref<40x128xf32, #tpu.memory_space<vmem_shared>>
      %dma_start3A_221 = arith.constant 0 : i32
      %dma_start3A_222 = tpu.memref_slice %arg19[%add3A_159, %dma_start3A_221] : memref<10240x128xf32, #tpu.memory_space<vmem_shared>> -> memref<40x128xf32, #tpu.memory_space<vmem_shared>>
      tpu.enqueue_dma source(%dma_start3A_222 : memref<40x128xf32, #tpu.memory_space<vmem_shared>>) target(%arg13 : memref<40x128xf32, #tpu.memory_space<vmem>>) target_semaphore(%run_scoped3A_218 : memref<!tpu.dma_semaphore, #tpu.memory_space<semaphore_mem>>)
      %dma_wait3A_223 = arith.constant 0 : i32
      %dma_wait3A_224 = tpu.memref_slice %arg19[%add3A_159, %dma_wait3A_223] : memref<10240x128xf32, #tpu.memory_space<vmem_shared>> -> memref<40x128xf32, #tpu.memory_space<vmem_shared>>
      %dma_wait3A_225 = arith.constant 0 : i32
      %dma_wait3A_226 = tpu.memref_slice %arg19[%add3A_159, %dma_wait3A_225] : memref<10240x128xf32, #tpu.memory_space<vmem_shared>> -> memref<40x128xf32, #tpu.memory_space<vmem_shared>>
      tpu.wait_dma2 semaphore(%run_scoped3A_218 : memref<!tpu.dma_semaphore, #tpu.memory_space<semaphore_mem>>) src(%dma_wait3A_226 : memref<40x128xf32, #tpu.memory_space<vmem_shared>>) dst(%arg13 : memref<40x128xf32, #tpu.memory_space<vmem>>)
      tpu.yield
    }) : () -> ()
    %mul3A_160 = arith.constant 10240 : i32
    %mul3A_161 = arith.muli %arg0, %mul3A_160 : i32
    %add3A_162 = arith.addi %mul3A_161, %add3A_159 : i32
    "tpu.region"() ({
      %run_scoped3A_218 = tpu.sem_alloc : memref<!tpu.dma_semaphore, #tpu.memory_space<semaphore_mem>>
      %dma_start3A_219 = arith.constant 0 : i32
      %dma_start3A_220 = tpu.memref_slice %arg10[%add3A_162, %dma_start3A_219] : memref<20480x128xf32, #tpu.memory_space<hbm>> -> memref<40x128xf32, #tpu.memory_space<hbm>>
      %dma_start3A_221 = arith.constant 0 : i32
      %dma_start3A_222 = tpu.memref_slice %arg10[%add3A_162, %dma_start3A_221] : memref<20480x128xf32, #tpu.memory_space<hbm>> -> memref<40x128xf32, #tpu.memory_space<hbm>>
      tpu.enqueue_dma source(%arg13 : memref<40x128xf32, #tpu.memory_space<vmem>>) target(%dma_start3A_222 : memref<40x128xf32, #tpu.memory_space<hbm>>) target_semaphore(%run_scoped3A_218 : memref<!tpu.dma_semaphore, #tpu.memory_space<semaphore_mem>>)
      %dma_wait3A_223 = arith.constant 0 : i32
      %dma_wait3A_224 = tpu.memref_slice %arg10[%add3A_162, %dma_wait3A_223] : memref<20480x128xf32, #tpu.memory_space<hbm>> -> memref<40x128xf32, #tpu.memory_space<hbm>>
      %dma_wait3A_225 = arith.constant 0 : i32
      %dma_wait3A_226 = tpu.memref_slice %arg10[%add3A_162, %dma_wait3A_225] : memref<20480x128xf32, #tpu.memory_space<hbm>> -> memref<40x128xf32, #tpu.memory_space<hbm>>
      tpu.wait_dma2 semaphore(%run_scoped3A_218 : memref<!tpu.dma_semaphore, #tpu.memory_space<semaphore_mem>>) src(%arg13 : memref<40x128xf32, #tpu.memory_space<vmem>>) dst(%dma_wait3A_226 : memref<40x128xf32, #tpu.memory_space<hbm>>)
      tpu.yield
    }) : () -> ()
    %add3A_163 = arith.constant 200 : i32
    %add3A_164 = arith.addi %mul3A_2, %add3A_163 : i32
    "tpu.region"() ({
      %run_scoped3A_218 = tpu.sem_alloc : memref<!tpu.dma_semaphore, #tpu.memory_space<semaphore_mem>>
      %dma_start3A_219 = arith.constant 0 : i32
      %dma_start3A_220 = tpu.memref_slice %arg19[%add3A_164, %dma_start3A_219] : memref<10240x128xf32, #tpu.memory_space<vmem_shared>> -> memref<40x128xf32, #tpu.memory_space<vmem_shared>>
      %dma_start3A_221 = arith.constant 0 : i32
      %dma_start3A_222 = tpu.memref_slice %arg19[%add3A_164, %dma_start3A_221] : memref<10240x128xf32, #tpu.memory_space<vmem_shared>> -> memref<40x128xf32, #tpu.memory_space<vmem_shared>>
      tpu.enqueue_dma source(%dma_start3A_222 : memref<40x128xf32, #tpu.memory_space<vmem_shared>>) target(%arg13 : memref<40x128xf32, #tpu.memory_space<vmem>>) target_semaphore(%run_scoped3A_218 : memref<!tpu.dma_semaphore, #tpu.memory_space<semaphore_mem>>)
      %dma_wait3A_223 = arith.constant 0 : i32
      %dma_wait3A_224 = tpu.memref_slice %arg19[%add3A_164, %dma_wait3A_223] : memref<10240x128xf32, #tpu.memory_space<vmem_shared>> -> memref<40x128xf32, #tpu.memory_space<vmem_shared>>
      %dma_wait3A_225 = arith.constant 0 : i32
      %dma_wait3A_226 = tpu.memref_slice %arg19[%add3A_164, %dma_wait3A_225] : memref<10240x128xf32, #tpu.memory_space<vmem_shared>> -> memref<40x128xf32, #tpu.memory_space<vmem_shared>>
      tpu.wait_dma2 semaphore(%run_scoped3A_218 : memref<!tpu.dma_semaphore, #tpu.memory_space<semaphore_mem>>) src(%dma_wait3A_226 : memref<40x128xf32, #tpu.memory_space<vmem_shared>>) dst(%arg13 : memref<40x128xf32, #tpu.memory_space<vmem>>)
      tpu.yield
    }) : () -> ()
    %mul3A_165 = arith.constant 10240 : i32
    %mul3A_166 = arith.muli %arg0, %mul3A_165 : i32
    %add3A_167 = arith.addi %mul3A_166, %add3A_164 : i32
    "tpu.region"() ({
      %run_scoped3A_218 = tpu.sem_alloc : memref<!tpu.dma_semaphore, #tpu.memory_space<semaphore_mem>>
      %dma_start3A_219 = arith.constant 0 : i32
      %dma_start3A_220 = tpu.memref_slice %arg10[%add3A_167, %dma_start3A_219] : memref<20480x128xf32, #tpu.memory_space<hbm>> -> memref<40x128xf32, #tpu.memory_space<hbm>>
      %dma_start3A_221 = arith.constant 0 : i32
      %dma_start3A_222 = tpu.memref_slice %arg10[%add3A_167, %dma_start3A_221] : memref<20480x128xf32, #tpu.memory_space<hbm>> -> memref<40x128xf32, #tpu.memory_space<hbm>>
      tpu.enqueue_dma source(%arg13 : memref<40x128xf32, #tpu.memory_space<vmem>>) target(%dma_start3A_222 : memref<40x128xf32, #tpu.memory_space<hbm>>) target_semaphore(%run_scoped3A_218 : memref<!tpu.dma_semaphore, #tpu.memory_space<semaphore_mem>>)
      %dma_wait3A_223 = arith.constant 0 : i32
      %dma_wait3A_224 = tpu.memref_slice %arg10[%add3A_167, %dma_wait3A_223] : memref<20480x128xf32, #tpu.memory_space<hbm>> -> memref<40x128xf32, #tpu.memory_space<hbm>>
      %dma_wait3A_225 = arith.constant 0 : i32
      %dma_wait3A_226 = tpu.memref_slice %arg10[%add3A_167, %dma_wait3A_225] : memref<20480x128xf32, #tpu.memory_space<hbm>> -> memref<40x128xf32, #tpu.memory_space<hbm>>
      tpu.wait_dma2 semaphore(%run_scoped3A_218 : memref<!tpu.dma_semaphore, #tpu.memory_space<semaphore_mem>>) src(%arg13 : memref<40x128xf32, #tpu.memory_space<vmem>>) dst(%dma_wait3A_226 : memref<40x128xf32, #tpu.memory_space<hbm>>)
      tpu.yield
    }) : () -> ()
    %add3A_168 = arith.constant 240 : i32
    %add3A_169 = arith.addi %mul3A_2, %add3A_168 : i32
    "tpu.region"() ({
      %run_scoped3A_218 = tpu.sem_alloc : memref<!tpu.dma_semaphore, #tpu.memory_space<semaphore_mem>>
      %dma_start3A_219 = arith.constant 0 : i32
      %dma_start3A_220 = tpu.memref_slice %arg19[%add3A_169, %dma_start3A_219] : memref<10240x128xf32, #tpu.memory_space<vmem_shared>> -> memref<40x128xf32, #tpu.memory_space<vmem_shared>>
      %dma_start3A_221 = arith.constant 0 : i32
      %dma_start3A_222 = tpu.memref_slice %arg19[%add3A_169, %dma_start3A_221] : memref<10240x128xf32, #tpu.memory_space<vmem_shared>> -> memref<40x128xf32, #tpu.memory_space<vmem_shared>>
      tpu.enqueue_dma source(%dma_start3A_222 : memref<40x128xf32, #tpu.memory_space<vmem_shared>>) target(%arg13 : memref<40x128xf32, #tpu.memory_space<vmem>>) target_semaphore(%run_scoped3A_218 : memref<!tpu.dma_semaphore, #tpu.memory_space<semaphore_mem>>)
      %dma_wait3A_223 = arith.constant 0 : i32
      %dma_wait3A_224 = tpu.memref_slice %arg19[%add3A_169, %dma_wait3A_223] : memref<10240x128xf32, #tpu.memory_space<vmem_shared>> -> memref<40x128xf32, #tpu.memory_space<vmem_shared>>
      %dma_wait3A_225 = arith.constant 0 : i32
      %dma_wait3A_226 = tpu.memref_slice %arg19[%add3A_169, %dma_wait3A_225] : memref<10240x128xf32, #tpu.memory_space<vmem_shared>> -> memref<40x128xf32, #tpu.memory_space<vmem_shared>>
      tpu.wait_dma2 semaphore(%run_scoped3A_218 : memref<!tpu.dma_semaphore, #tpu.memory_space<semaphore_mem>>) src(%dma_wait3A_226 : memref<40x128xf32, #tpu.memory_space<vmem_shared>>) dst(%arg13 : memref<40x128xf32, #tpu.memory_space<vmem>>)
      tpu.yield
    }) : () -> ()
    %mul3A_170 = arith.constant 10240 : i32
    %mul3A_171 = arith.muli %arg0, %mul3A_170 : i32
    %add3A_172 = arith.addi %mul3A_171, %add3A_169 : i32
    "tpu.region"() ({
      %run_scoped3A_218 = tpu.sem_alloc : memref<!tpu.dma_semaphore, #tpu.memory_space<semaphore_mem>>
      %dma_start3A_219 = arith.constant 0 : i32
      %dma_start3A_220 = tpu.memref_slice %arg10[%add3A_172, %dma_start3A_219] : memref<20480x128xf32, #tpu.memory_space<hbm>> -> memref<40x128xf32, #tpu.memory_space<hbm>>
      %dma_start3A_221 = arith.constant 0 : i32
      %dma_start3A_222 = tpu.memref_slice %arg10[%add3A_172, %dma_start3A_221] : memref<20480x128xf32, #tpu.memory_space<hbm>> -> memref<40x128xf32, #tpu.memory_space<hbm>>
      tpu.enqueue_dma source(%arg13 : memref<40x128xf32, #tpu.memory_space<vmem>>) target(%dma_start3A_222 : memref<40x128xf32, #tpu.memory_space<hbm>>) target_semaphore(%run_scoped3A_218 : memref<!tpu.dma_semaphore, #tpu.memory_space<semaphore_mem>>)
      %dma_wait3A_223 = arith.constant 0 : i32
      %dma_wait3A_224 = tpu.memref_slice %arg10[%add3A_172, %dma_wait3A_223] : memref<20480x128xf32, #tpu.memory_space<hbm>> -> memref<40x128xf32, #tpu.memory_space<hbm>>
      %dma_wait3A_225 = arith.constant 0 : i32
      %dma_wait3A_226 = tpu.memref_slice %arg10[%add3A_172, %dma_wait3A_225] : memref<20480x128xf32, #tpu.memory_space<hbm>> -> memref<40x128xf32, #tpu.memory_space<hbm>>
      tpu.wait_dma2 semaphore(%run_scoped3A_218 : memref<!tpu.dma_semaphore, #tpu.memory_space<semaphore_mem>>) src(%arg13 : memref<40x128xf32, #tpu.memory_space<vmem>>) dst(%dma_wait3A_226 : memref<40x128xf32, #tpu.memory_space<hbm>>)
      tpu.yield
    }) : () -> ()
    %add3A_173 = arith.constant 280 : i32
    %add3A_174 = arith.addi %mul3A_2, %add3A_173 : i32
    "tpu.region"() ({
      %run_scoped3A_218 = tpu.sem_alloc : memref<!tpu.dma_semaphore, #tpu.memory_space<semaphore_mem>>
      %dma_start3A_219 = arith.constant 0 : i32
      %dma_start3A_220 = tpu.memref_slice %arg19[%add3A_174, %dma_start3A_219] : memref<10240x128xf32, #tpu.memory_space<vmem_shared>> -> memref<40x128xf32, #tpu.memory_space<vmem_shared>>
      %dma_start3A_221 = arith.constant 0 : i32
      %dma_start3A_222 = tpu.memref_slice %arg19[%add3A_174, %dma_start3A_221] : memref<10240x128xf32, #tpu.memory_space<vmem_shared>> -> memref<40x128xf32, #tpu.memory_space<vmem_shared>>
      tpu.enqueue_dma source(%dma_start3A_222 : memref<40x128xf32, #tpu.memory_space<vmem_shared>>) target(%arg13 : memref<40x128xf32, #tpu.memory_space<vmem>>) target_semaphore(%run_scoped3A_218 : memref<!tpu.dma_semaphore, #tpu.memory_space<semaphore_mem>>)
      %dma_wait3A_223 = arith.constant 0 : i32
      %dma_wait3A_224 = tpu.memref_slice %arg19[%add3A_174, %dma_wait3A_223] : memref<10240x128xf32, #tpu.memory_space<vmem_shared>> -> memref<40x128xf32, #tpu.memory_space<vmem_shared>>
      %dma_wait3A_225 = arith.constant 0 : i32
      %dma_wait3A_226 = tpu.memref_slice %arg19[%add3A_174, %dma_wait3A_225] : memref<10240x128xf32, #tpu.memory_space<vmem_shared>> -> memref<40x128xf32, #tpu.memory_space<vmem_shared>>
      tpu.wait_dma2 semaphore(%run_scoped3A_218 : memref<!tpu.dma_semaphore, #tpu.memory_space<semaphore_mem>>) src(%dma_wait3A_226 : memref<40x128xf32, #tpu.memory_space<vmem_shared>>) dst(%arg13 : memref<40x128xf32, #tpu.memory_space<vmem>>)
      tpu.yield
    }) : () -> ()
    %mul3A_175 = arith.constant 10240 : i32
    %mul3A_176 = arith.muli %arg0, %mul3A_175 : i32
    %add3A_177 = arith.addi %mul3A_176, %add3A_174 : i32
    "tpu.region"() ({
      %run_scoped3A_218 = tpu.sem_alloc : memref<!tpu.dma_semaphore, #tpu.memory_space<semaphore_mem>>
      %dma_start3A_219 = arith.constant 0 : i32
      %dma_start3A_220 = tpu.memref_slice %arg10[%add3A_177, %dma_start3A_219] : memref<20480x128xf32, #tpu.memory_space<hbm>> -> memref<40x128xf32, #tpu.memory_space<hbm>>
      %dma_start3A_221 = arith.constant 0 : i32
      %dma_start3A_222 = tpu.memref_slice %arg10[%add3A_177, %dma_start3A_221] : memref<20480x128xf32, #tpu.memory_space<hbm>> -> memref<40x128xf32, #tpu.memory_space<hbm>>
      tpu.enqueue_dma source(%arg13 : memref<40x128xf32, #tpu.memory_space<vmem>>) target(%dma_start3A_222 : memref<40x128xf32, #tpu.memory_space<hbm>>) target_semaphore(%run_scoped3A_218 : memref<!tpu.dma_semaphore, #tpu.memory_space<semaphore_mem>>)
      %dma_wait3A_223 = arith.constant 0 : i32
      %dma_wait3A_224 = tpu.memref_slice %arg10[%add3A_177, %dma_wait3A_223] : memref<20480x128xf32, #tpu.memory_space<hbm>> -> memref<40x128xf32, #tpu.memory_space<hbm>>
      %dma_wait3A_225 = arith.constant 0 : i32
      %dma_wait3A_226 = tpu.memref_slice %arg10[%add3A_177, %dma_wait3A_225] : memref<20480x128xf32, #tpu.memory_space<hbm>> -> memref<40x128xf32, #tpu.memory_space<hbm>>
      tpu.wait_dma2 semaphore(%run_scoped3A_218 : memref<!tpu.dma_semaphore, #tpu.memory_space<semaphore_mem>>) src(%arg13 : memref<40x128xf32, #tpu.memory_space<vmem>>) dst(%dma_wait3A_226 : memref<40x128xf32, #tpu.memory_space<hbm>>)
      tpu.yield
    }) : () -> ()
    %add3A_178 = arith.constant 320 : i32
    %add3A_179 = arith.addi %mul3A_2, %add3A_178 : i32
    "tpu.region"() ({
      %run_scoped3A_218 = tpu.sem_alloc : memref<!tpu.dma_semaphore, #tpu.memory_space<semaphore_mem>>
      %dma_start3A_219 = arith.constant 0 : i32
      %dma_start3A_220 = tpu.memref_slice %arg19[%add3A_179, %dma_start3A_219] : memref<10240x128xf32, #tpu.memory_space<vmem_shared>> -> memref<40x128xf32, #tpu.memory_space<vmem_shared>>
      %dma_start3A_221 = arith.constant 0 : i32
      %dma_start3A_222 = tpu.memref_slice %arg19[%add3A_179, %dma_start3A_221] : memref<10240x128xf32, #tpu.memory_space<vmem_shared>> -> memref<40x128xf32, #tpu.memory_space<vmem_shared>>
      tpu.enqueue_dma source(%dma_start3A_222 : memref<40x128xf32, #tpu.memory_space<vmem_shared>>) target(%arg13 : memref<40x128xf32, #tpu.memory_space<vmem>>) target_semaphore(%run_scoped3A_218 : memref<!tpu.dma_semaphore, #tpu.memory_space<semaphore_mem>>)
      %dma_wait3A_223 = arith.constant 0 : i32
      %dma_wait3A_224 = tpu.memref_slice %arg19[%add3A_179, %dma_wait3A_223] : memref<10240x128xf32, #tpu.memory_space<vmem_shared>> -> memref<40x128xf32, #tpu.memory_space<vmem_shared>>
      %dma_wait3A_225 = arith.constant 0 : i32
      %dma_wait3A_226 = tpu.memref_slice %arg19[%add3A_179, %dma_wait3A_225] : memref<10240x128xf32, #tpu.memory_space<vmem_shared>> -> memref<40x128xf32, #tpu.memory_space<vmem_shared>>
      tpu.wait_dma2 semaphore(%run_scoped3A_218 : memref<!tpu.dma_semaphore, #tpu.memory_space<semaphore_mem>>) src(%dma_wait3A_226 : memref<40x128xf32, #tpu.memory_space<vmem_shared>>) dst(%arg13 : memref<40x128xf32, #tpu.memory_space<vmem>>)
      tpu.yield
    }) : () -> ()
    %mul3A_180 = arith.constant 10240 : i32
    %mul3A_181 = arith.muli %arg0, %mul3A_180 : i32
    %add3A_182 = arith.addi %mul3A_181, %add3A_179 : i32
    "tpu.region"() ({
      %run_scoped3A_218 = tpu.sem_alloc : memref<!tpu.dma_semaphore, #tpu.memory_space<semaphore_mem>>
      %dma_start3A_219 = arith.constant 0 : i32
      %dma_start3A_220 = tpu.memref_slice %arg10[%add3A_182, %dma_start3A_219] : memref<20480x128xf32, #tpu.memory_space<hbm>> -> memref<40x128xf32, #tpu.memory_space<hbm>>
      %dma_start3A_221 = arith.constant 0 : i32
      %dma_start3A_222 = tpu.memref_slice %arg10[%add3A_182, %dma_start3A_221] : memref<20480x128xf32, #tpu.memory_space<hbm>> -> memref<40x128xf32, #tpu.memory_space<hbm>>
      tpu.enqueue_dma source(%arg13 : memref<40x128xf32, #tpu.memory_space<vmem>>) target(%dma_start3A_222 : memref<40x128xf32, #tpu.memory_space<hbm>>) target_semaphore(%run_scoped3A_218 : memref<!tpu.dma_semaphore, #tpu.memory_space<semaphore_mem>>)
      %dma_wait3A_223 = arith.constant 0 : i32
      %dma_wait3A_224 = tpu.memref_slice %arg10[%add3A_182, %dma_wait3A_223] : memref<20480x128xf32, #tpu.memory_space<hbm>> -> memref<40x128xf32, #tpu.memory_space<hbm>>
      %dma_wait3A_225 = arith.constant 0 : i32
      %dma_wait3A_226 = tpu.memref_slice %arg10[%add3A_182, %dma_wait3A_225] : memref<20480x128xf32, #tpu.memory_space<hbm>> -> memref<40x128xf32, #tpu.memory_space<hbm>>
      tpu.wait_dma2 semaphore(%run_scoped3A_218 : memref<!tpu.dma_semaphore, #tpu.memory_space<semaphore_mem>>) src(%arg13 : memref<40x128xf32, #tpu.memory_space<vmem>>) dst(%dma_wait3A_226 : memref<40x128xf32, #tpu.memory_space<hbm>>)
      tpu.yield
    }) : () -> ()
    %add3A_183 = arith.constant 360 : i32
    %add3A_184 = arith.addi %mul3A_2, %add3A_183 : i32
    "tpu.region"() ({
      %run_scoped3A_218 = tpu.sem_alloc : memref<!tpu.dma_semaphore, #tpu.memory_space<semaphore_mem>>
      %dma_start3A_219 = arith.constant 0 : i32
      %dma_start3A_220 = tpu.memref_slice %arg19[%add3A_184, %dma_start3A_219] : memref<10240x128xf32, #tpu.memory_space<vmem_shared>> -> memref<40x128xf32, #tpu.memory_space<vmem_shared>>
      %dma_start3A_221 = arith.constant 0 : i32
      %dma_start3A_222 = tpu.memref_slice %arg19[%add3A_184, %dma_start3A_221] : memref<10240x128xf32, #tpu.memory_space<vmem_shared>> -> memref<40x128xf32, #tpu.memory_space<vmem_shared>>
      tpu.enqueue_dma source(%dma_start3A_222 : memref<40x128xf32, #tpu.memory_space<vmem_shared>>) target(%arg13 : memref<40x128xf32, #tpu.memory_space<vmem>>) target_semaphore(%run_scoped3A_218 : memref<!tpu.dma_semaphore, #tpu.memory_space<semaphore_mem>>)
      %dma_wait3A_223 = arith.constant 0 : i32
      %dma_wait3A_224 = tpu.memref_slice %arg19[%add3A_184, %dma_wait3A_223] : memref<10240x128xf32, #tpu.memory_space<vmem_shared>> -> memref<40x128xf32, #tpu.memory_space<vmem_shared>>
      %dma_wait3A_225 = arith.constant 0 : i32
      %dma_wait3A_226 = tpu.memref_slice %arg19[%add3A_184, %dma_wait3A_225] : memref<10240x128xf32, #tpu.memory_space<vmem_shared>> -> memref<40x128xf32, #tpu.memory_space<vmem_shared>>
      tpu.wait_dma2 semaphore(%run_scoped3A_218 : memref<!tpu.dma_semaphore, #tpu.memory_space<semaphore_mem>>) src(%dma_wait3A_226 : memref<40x128xf32, #tpu.memory_space<vmem_shared>>) dst(%arg13 : memref<40x128xf32, #tpu.memory_space<vmem>>)
      tpu.yield
    }) : () -> ()
    %mul3A_185 = arith.constant 10240 : i32
    %mul3A_186 = arith.muli %arg0, %mul3A_185 : i32
    %add3A_187 = arith.addi %mul3A_186, %add3A_184 : i32
    "tpu.region"() ({
      %run_scoped3A_218 = tpu.sem_alloc : memref<!tpu.dma_semaphore, #tpu.memory_space<semaphore_mem>>
      %dma_start3A_219 = arith.constant 0 : i32
      %dma_start3A_220 = tpu.memref_slice %arg10[%add3A_187, %dma_start3A_219] : memref<20480x128xf32, #tpu.memory_space<hbm>> -> memref<40x128xf32, #tpu.memory_space<hbm>>
      %dma_start3A_221 = arith.constant 0 : i32
      %dma_start3A_222 = tpu.memref_slice %arg10[%add3A_187, %dma_start3A_221] : memref<20480x128xf32, #tpu.memory_space<hbm>> -> memref<40x128xf32, #tpu.memory_space<hbm>>
      tpu.enqueue_dma source(%arg13 : memref<40x128xf32, #tpu.memory_space<vmem>>) target(%dma_start3A_222 : memref<40x128xf32, #tpu.memory_space<hbm>>) target_semaphore(%run_scoped3A_218 : memref<!tpu.dma_semaphore, #tpu.memory_space<semaphore_mem>>)
      %dma_wait3A_223 = arith.constant 0 : i32
      %dma_wait3A_224 = tpu.memref_slice %arg10[%add3A_187, %dma_wait3A_223] : memref<20480x128xf32, #tpu.memory_space<hbm>> -> memref<40x128xf32, #tpu.memory_space<hbm>>
      %dma_wait3A_225 = arith.constant 0 : i32
      %dma_wait3A_226 = tpu.memref_slice %arg10[%add3A_187, %dma_wait3A_225] : memref<20480x128xf32, #tpu.memory_space<hbm>> -> memref<40x128xf32, #tpu.memory_space<hbm>>
      tpu.wait_dma2 semaphore(%run_scoped3A_218 : memref<!tpu.dma_semaphore, #tpu.memory_space<semaphore_mem>>) src(%arg13 : memref<40x128xf32, #tpu.memory_space<vmem>>) dst(%dma_wait3A_226 : memref<40x128xf32, #tpu.memory_space<hbm>>)
      tpu.yield
    }) : () -> ()
    %add3A_188 = arith.constant 400 : i32
    %add3A_189 = arith.addi %mul3A_2, %add3A_188 : i32
    "tpu.region"() ({
      %run_scoped3A_218 = tpu.sem_alloc : memref<!tpu.dma_semaphore, #tpu.memory_space<semaphore_mem>>
      %dma_start3A_219 = arith.constant 0 : i32
      %dma_start3A_220 = tpu.memref_slice %arg19[%add3A_189, %dma_start3A_219] : memref<10240x128xf32, #tpu.memory_space<vmem_shared>> -> memref<40x128xf32, #tpu.memory_space<vmem_shared>>
      %dma_start3A_221 = arith.constant 0 : i32
      %dma_start3A_222 = tpu.memref_slice %arg19[%add3A_189, %dma_start3A_221] : memref<10240x128xf32, #tpu.memory_space<vmem_shared>> -> memref<40x128xf32, #tpu.memory_space<vmem_shared>>
      tpu.enqueue_dma source(%dma_start3A_222 : memref<40x128xf32, #tpu.memory_space<vmem_shared>>) target(%arg13 : memref<40x128xf32, #tpu.memory_space<vmem>>) target_semaphore(%run_scoped3A_218 : memref<!tpu.dma_semaphore, #tpu.memory_space<semaphore_mem>>)
      %dma_wait3A_223 = arith.constant 0 : i32
      %dma_wait3A_224 = tpu.memref_slice %arg19[%add3A_189, %dma_wait3A_223] : memref<10240x128xf32, #tpu.memory_space<vmem_shared>> -> memref<40x128xf32, #tpu.memory_space<vmem_shared>>
      %dma_wait3A_225 = arith.constant 0 : i32
      %dma_wait3A_226 = tpu.memref_slice %arg19[%add3A_189, %dma_wait3A_225] : memref<10240x128xf32, #tpu.memory_space<vmem_shared>> -> memref<40x128xf32, #tpu.memory_space<vmem_shared>>
      tpu.wait_dma2 semaphore(%run_scoped3A_218 : memref<!tpu.dma_semaphore, #tpu.memory_space<semaphore_mem>>) src(%dma_wait3A_226 : memref<40x128xf32, #tpu.memory_space<vmem_shared>>) dst(%arg13 : memref<40x128xf32, #tpu.memory_space<vmem>>)
      tpu.yield
    }) : () -> ()
    %mul3A_190 = arith.constant 10240 : i32
    %mul3A_191 = arith.muli %arg0, %mul3A_190 : i32
    %add3A_192 = arith.addi %mul3A_191, %add3A_189 : i32
    "tpu.region"() ({
      %run_scoped3A_218 = tpu.sem_alloc : memref<!tpu.dma_semaphore, #tpu.memory_space<semaphore_mem>>
      %dma_start3A_219 = arith.constant 0 : i32
      %dma_start3A_220 = tpu.memref_slice %arg10[%add3A_192, %dma_start3A_219] : memref<20480x128xf32, #tpu.memory_space<hbm>> -> memref<40x128xf32, #tpu.memory_space<hbm>>
      %dma_start3A_221 = arith.constant 0 : i32
      %dma_start3A_222 = tpu.memref_slice %arg10[%add3A_192, %dma_start3A_221] : memref<20480x128xf32, #tpu.memory_space<hbm>> -> memref<40x128xf32, #tpu.memory_space<hbm>>
      tpu.enqueue_dma source(%arg13 : memref<40x128xf32, #tpu.memory_space<vmem>>) target(%dma_start3A_222 : memref<40x128xf32, #tpu.memory_space<hbm>>) target_semaphore(%run_scoped3A_218 : memref<!tpu.dma_semaphore, #tpu.memory_space<semaphore_mem>>)
      %dma_wait3A_223 = arith.constant 0 : i32
      %dma_wait3A_224 = tpu.memref_slice %arg10[%add3A_192, %dma_wait3A_223] : memref<20480x128xf32, #tpu.memory_space<hbm>> -> memref<40x128xf32, #tpu.memory_space<hbm>>
      %dma_wait3A_225 = arith.constant 0 : i32
      %dma_wait3A_226 = tpu.memref_slice %arg10[%add3A_192, %dma_wait3A_225] : memref<20480x128xf32, #tpu.memory_space<hbm>> -> memref<40x128xf32, #tpu.memory_space<hbm>>
      tpu.wait_dma2 semaphore(%run_scoped3A_218 : memref<!tpu.dma_semaphore, #tpu.memory_space<semaphore_mem>>) src(%arg13 : memref<40x128xf32, #tpu.memory_space<vmem>>) dst(%dma_wait3A_226 : memref<40x128xf32, #tpu.memory_space<hbm>>)
      tpu.yield
    }) : () -> ()
    %add3A_193 = arith.constant 440 : i32
    %add3A_194 = arith.addi %mul3A_2, %add3A_193 : i32
    "tpu.region"() ({
      %run_scoped3A_218 = tpu.sem_alloc : memref<!tpu.dma_semaphore, #tpu.memory_space<semaphore_mem>>
      %dma_start3A_219 = arith.constant 0 : i32
      %dma_start3A_220 = tpu.memref_slice %arg19[%add3A_194, %dma_start3A_219] : memref<10240x128xf32, #tpu.memory_space<vmem_shared>> -> memref<40x128xf32, #tpu.memory_space<vmem_shared>>
      %dma_start3A_221 = arith.constant 0 : i32
      %dma_start3A_222 = tpu.memref_slice %arg19[%add3A_194, %dma_start3A_221] : memref<10240x128xf32, #tpu.memory_space<vmem_shared>> -> memref<40x128xf32, #tpu.memory_space<vmem_shared>>
      tpu.enqueue_dma source(%dma_start3A_222 : memref<40x128xf32, #tpu.memory_space<vmem_shared>>) target(%arg13 : memref<40x128xf32, #tpu.memory_space<vmem>>) target_semaphore(%run_scoped3A_218 : memref<!tpu.dma_semaphore, #tpu.memory_space<semaphore_mem>>)
      %dma_wait3A_223 = arith.constant 0 : i32
      %dma_wait3A_224 = tpu.memref_slice %arg19[%add3A_194, %dma_wait3A_223] : memref<10240x128xf32, #tpu.memory_space<vmem_shared>> -> memref<40x128xf32, #tpu.memory_space<vmem_shared>>
      %dma_wait3A_225 = arith.constant 0 : i32
      %dma_wait3A_226 = tpu.memref_slice %arg19[%add3A_194, %dma_wait3A_225] : memref<10240x128xf32, #tpu.memory_space<vmem_shared>> -> memref<40x128xf32, #tpu.memory_space<vmem_shared>>
      tpu.wait_dma2 semaphore(%run_scoped3A_218 : memref<!tpu.dma_semaphore, #tpu.memory_space<semaphore_mem>>) src(%dma_wait3A_226 : memref<40x128xf32, #tpu.memory_space<vmem_shared>>) dst(%arg13 : memref<40x128xf32, #tpu.memory_space<vmem>>)
      tpu.yield
    }) : () -> ()
    %mul3A_195 = arith.constant 10240 : i32
    %mul3A_196 = arith.muli %arg0, %mul3A_195 : i32
    %add3A_197 = arith.addi %mul3A_196, %add3A_194 : i32
    "tpu.region"() ({
      %run_scoped3A_218 = tpu.sem_alloc : memref<!tpu.dma_semaphore, #tpu.memory_space<semaphore_mem>>
      %dma_start3A_219 = arith.constant 0 : i32
      %dma_start3A_220 = tpu.memref_slice %arg10[%add3A_197, %dma_start3A_219] : memref<20480x128xf32, #tpu.memory_space<hbm>> -> memref<40x128xf32, #tpu.memory_space<hbm>>
      %dma_start3A_221 = arith.constant 0 : i32
      %dma_start3A_222 = tpu.memref_slice %arg10[%add3A_197, %dma_start3A_221] : memref<20480x128xf32, #tpu.memory_space<hbm>> -> memref<40x128xf32, #tpu.memory_space<hbm>>
      tpu.enqueue_dma source(%arg13 : memref<40x128xf32, #tpu.memory_space<vmem>>) target(%dma_start3A_222 : memref<40x128xf32, #tpu.memory_space<hbm>>) target_semaphore(%run_scoped3A_218 : memref<!tpu.dma_semaphore, #tpu.memory_space<semaphore_mem>>)
      %dma_wait3A_223 = arith.constant 0 : i32
      %dma_wait3A_224 = tpu.memref_slice %arg10[%add3A_197, %dma_wait3A_223] : memref<20480x128xf32, #tpu.memory_space<hbm>> -> memref<40x128xf32, #tpu.memory_space<hbm>>
      %dma_wait3A_225 = arith.constant 0 : i32
      %dma_wait3A_226 = tpu.memref_slice %arg10[%add3A_197, %dma_wait3A_225] : memref<20480x128xf32, #tpu.memory_space<hbm>> -> memref<40x128xf32, #tpu.memory_space<hbm>>
      tpu.wait_dma2 semaphore(%run_scoped3A_218 : memref<!tpu.dma_semaphore, #tpu.memory_space<semaphore_mem>>) src(%arg13 : memref<40x128xf32, #tpu.memory_space<vmem>>) dst(%dma_wait3A_226 : memref<40x128xf32, #tpu.memory_space<hbm>>)
      tpu.yield
    }) : () -> ()
    %add3A_198 = arith.constant 480 : i32
    %add3A_199 = arith.addi %mul3A_2, %add3A_198 : i32
    "tpu.region"() ({
      %run_scoped3A_218 = tpu.sem_alloc : memref<!tpu.dma_semaphore, #tpu.memory_space<semaphore_mem>>
      %dma_start3A_219 = arith.constant 0 : i32
      %dma_start3A_220 = tpu.memref_slice %arg19[%add3A_199, %dma_start3A_219] : memref<10240x128xf32, #tpu.memory_space<vmem_shared>> -> memref<40x128xf32, #tpu.memory_space<vmem_shared>>
      %dma_start3A_221 = arith.constant 0 : i32
      %dma_start3A_222 = tpu.memref_slice %arg19[%add3A_199, %dma_start3A_221] : memref<10240x128xf32, #tpu.memory_space<vmem_shared>> -> memref<40x128xf32, #tpu.memory_space<vmem_shared>>
      tpu.enqueue_dma source(%dma_start3A_222 : memref<40x128xf32, #tpu.memory_space<vmem_shared>>) target(%arg13 : memref<40x128xf32, #tpu.memory_space<vmem>>) target_semaphore(%run_scoped3A_218 : memref<!tpu.dma_semaphore, #tpu.memory_space<semaphore_mem>>)
      %dma_wait3A_223 = arith.constant 0 : i32
      %dma_wait3A_224 = tpu.memref_slice %arg19[%add3A_199, %dma_wait3A_223] : memref<10240x128xf32, #tpu.memory_space<vmem_shared>> -> memref<40x128xf32, #tpu.memory_space<vmem_shared>>
      %dma_wait3A_225 = arith.constant 0 : i32
      %dma_wait3A_226 = tpu.memref_slice %arg19[%add3A_199, %dma_wait3A_225] : memref<10240x128xf32, #tpu.memory_space<vmem_shared>> -> memref<40x128xf32, #tpu.memory_space<vmem_shared>>
      tpu.wait_dma2 semaphore(%run_scoped3A_218 : memref<!tpu.dma_semaphore, #tpu.memory_space<semaphore_mem>>) src(%dma_wait3A_226 : memref<40x128xf32, #tpu.memory_space<vmem_shared>>) dst(%arg13 : memref<40x128xf32, #tpu.memory_space<vmem>>)
      tpu.yield
    }) : () -> ()
    %mul3A_200 = arith.constant 10240 : i32
    %mul3A_201 = arith.muli %arg0, %mul3A_200 : i32
    %add3A_202 = arith.addi %mul3A_201, %add3A_199 : i32
    "tpu.region"() ({
      %run_scoped3A_218 = tpu.sem_alloc : memref<!tpu.dma_semaphore, #tpu.memory_space<semaphore_mem>>
      %dma_start3A_219 = arith.constant 0 : i32
      %dma_start3A_220 = tpu.memref_slice %arg10[%add3A_202, %dma_start3A_219] : memref<20480x128xf32, #tpu.memory_space<hbm>> -> memref<40x128xf32, #tpu.memory_space<hbm>>
      %dma_start3A_221 = arith.constant 0 : i32
      %dma_start3A_222 = tpu.memref_slice %arg10[%add3A_202, %dma_start3A_221] : memref<20480x128xf32, #tpu.memory_space<hbm>> -> memref<40x128xf32, #tpu.memory_space<hbm>>
      tpu.enqueue_dma source(%arg13 : memref<40x128xf32, #tpu.memory_space<vmem>>) target(%dma_start3A_222 : memref<40x128xf32, #tpu.memory_space<hbm>>) target_semaphore(%run_scoped3A_218 : memref<!tpu.dma_semaphore, #tpu.memory_space<semaphore_mem>>)
      %dma_wait3A_223 = arith.constant 0 : i32
      %dma_wait3A_224 = tpu.memref_slice %arg10[%add3A_202, %dma_wait3A_223] : memref<20480x128xf32, #tpu.memory_space<hbm>> -> memref<40x128xf32, #tpu.memory_space<hbm>>
      %dma_wait3A_225 = arith.constant 0 : i32
      %dma_wait3A_226 = tpu.memref_slice %arg10[%add3A_202, %dma_wait3A_225] : memref<20480x128xf32, #tpu.memory_space<hbm>> -> memref<40x128xf32, #tpu.memory_space<hbm>>
      tpu.wait_dma2 semaphore(%run_scoped3A_218 : memref<!tpu.dma_semaphore, #tpu.memory_space<semaphore_mem>>) src(%arg13 : memref<40x128xf32, #tpu.memory_space<vmem>>) dst(%dma_wait3A_226 : memref<40x128xf32, #tpu.memory_space<hbm>>)
      tpu.yield
    }) : () -> ()
    %add3A_203 = arith.constant 520 : i32
    %add3A_204 = arith.addi %mul3A_2, %add3A_203 : i32
    "tpu.region"() ({
      %run_scoped3A_218 = tpu.sem_alloc : memref<!tpu.dma_semaphore, #tpu.memory_space<semaphore_mem>>
      %dma_start3A_219 = arith.constant 0 : i32
      %dma_start3A_220 = tpu.memref_slice %arg19[%add3A_204, %dma_start3A_219] : memref<10240x128xf32, #tpu.memory_space<vmem_shared>> -> memref<40x128xf32, #tpu.memory_space<vmem_shared>>
      %dma_start3A_221 = arith.constant 0 : i32
      %dma_start3A_222 = tpu.memref_slice %arg19[%add3A_204, %dma_start3A_221] : memref<10240x128xf32, #tpu.memory_space<vmem_shared>> -> memref<40x128xf32, #tpu.memory_space<vmem_shared>>
      tpu.enqueue_dma source(%dma_start3A_222 : memref<40x128xf32, #tpu.memory_space<vmem_shared>>) target(%arg13 : memref<40x128xf32, #tpu.memory_space<vmem>>) target_semaphore(%run_scoped3A_218 : memref<!tpu.dma_semaphore, #tpu.memory_space<semaphore_mem>>)
      %dma_wait3A_223 = arith.constant 0 : i32
      %dma_wait3A_224 = tpu.memref_slice %arg19[%add3A_204, %dma_wait3A_223] : memref<10240x128xf32, #tpu.memory_space<vmem_shared>> -> memref<40x128xf32, #tpu.memory_space<vmem_shared>>
      %dma_wait3A_225 = arith.constant 0 : i32
      %dma_wait3A_226 = tpu.memref_slice %arg19[%add3A_204, %dma_wait3A_225] : memref<10240x128xf32, #tpu.memory_space<vmem_shared>> -> memref<40x128xf32, #tpu.memory_space<vmem_shared>>
      tpu.wait_dma2 semaphore(%run_scoped3A_218 : memref<!tpu.dma_semaphore, #tpu.memory_space<semaphore_mem>>) src(%dma_wait3A_226 : memref<40x128xf32, #tpu.memory_space<vmem_shared>>) dst(%arg13 : memref<40x128xf32, #tpu.memory_space<vmem>>)
      tpu.yield
    }) : () -> ()
    %mul3A_205 = arith.constant 10240 : i32
    %mul3A_206 = arith.muli %arg0, %mul3A_205 : i32
    %add3A_207 = arith.addi %mul3A_206, %add3A_204 : i32
    "tpu.region"() ({
      %run_scoped3A_218 = tpu.sem_alloc : memref<!tpu.dma_semaphore, #tpu.memory_space<semaphore_mem>>
      %dma_start3A_219 = arith.constant 0 : i32
      %dma_start3A_220 = tpu.memref_slice %arg10[%add3A_207, %dma_start3A_219] : memref<20480x128xf32, #tpu.memory_space<hbm>> -> memref<40x128xf32, #tpu.memory_space<hbm>>
      %dma_start3A_221 = arith.constant 0 : i32
      %dma_start3A_222 = tpu.memref_slice %arg10[%add3A_207, %dma_start3A_221] : memref<20480x128xf32, #tpu.memory_space<hbm>> -> memref<40x128xf32, #tpu.memory_space<hbm>>
      tpu.enqueue_dma source(%arg13 : memref<40x128xf32, #tpu.memory_space<vmem>>) target(%dma_start3A_222 : memref<40x128xf32, #tpu.memory_space<hbm>>) target_semaphore(%run_scoped3A_218 : memref<!tpu.dma_semaphore, #tpu.memory_space<semaphore_mem>>)
      %dma_wait3A_223 = arith.constant 0 : i32
      %dma_wait3A_224 = tpu.memref_slice %arg10[%add3A_207, %dma_wait3A_223] : memref<20480x128xf32, #tpu.memory_space<hbm>> -> memref<40x128xf32, #tpu.memory_space<hbm>>
      %dma_wait3A_225 = arith.constant 0 : i32
      %dma_wait3A_226 = tpu.memref_slice %arg10[%add3A_207, %dma_wait3A_225] : memref<20480x128xf32, #tpu.memory_space<hbm>> -> memref<40x128xf32, #tpu.memory_space<hbm>>
      tpu.wait_dma2 semaphore(%run_scoped3A_218 : memref<!tpu.dma_semaphore, #tpu.memory_space<semaphore_mem>>) src(%arg13 : memref<40x128xf32, #tpu.memory_space<vmem>>) dst(%dma_wait3A_226 : memref<40x128xf32, #tpu.memory_space<hbm>>)
      tpu.yield
    }) : () -> ()
    %add3A_208 = arith.constant 560 : i32
    %add3A_209 = arith.addi %mul3A_2, %add3A_208 : i32
    "tpu.region"() ({
      %run_scoped3A_218 = tpu.sem_alloc : memref<!tpu.dma_semaphore, #tpu.memory_space<semaphore_mem>>
      %dma_start3A_219 = arith.constant 0 : i32
      %dma_start3A_220 = tpu.memref_slice %arg19[%add3A_209, %dma_start3A_219] : memref<10240x128xf32, #tpu.memory_space<vmem_shared>> -> memref<40x128xf32, #tpu.memory_space<vmem_shared>>
      %dma_start3A_221 = arith.constant 0 : i32
      %dma_start3A_222 = tpu.memref_slice %arg19[%add3A_209, %dma_start3A_221] : memref<10240x128xf32, #tpu.memory_space<vmem_shared>> -> memref<40x128xf32, #tpu.memory_space<vmem_shared>>
      tpu.enqueue_dma source(%dma_start3A_222 : memref<40x128xf32, #tpu.memory_space<vmem_shared>>) target(%arg13 : memref<40x128xf32, #tpu.memory_space<vmem>>) target_semaphore(%run_scoped3A_218 : memref<!tpu.dma_semaphore, #tpu.memory_space<semaphore_mem>>)
      %dma_wait3A_223 = arith.constant 0 : i32
      %dma_wait3A_224 = tpu.memref_slice %arg19[%add3A_209, %dma_wait3A_223] : memref<10240x128xf32, #tpu.memory_space<vmem_shared>> -> memref<40x128xf32, #tpu.memory_space<vmem_shared>>
      %dma_wait3A_225 = arith.constant 0 : i32
      %dma_wait3A_226 = tpu.memref_slice %arg19[%add3A_209, %dma_wait3A_225] : memref<10240x128xf32, #tpu.memory_space<vmem_shared>> -> memref<40x128xf32, #tpu.memory_space<vmem_shared>>
      tpu.wait_dma2 semaphore(%run_scoped3A_218 : memref<!tpu.dma_semaphore, #tpu.memory_space<semaphore_mem>>) src(%dma_wait3A_226 : memref<40x128xf32, #tpu.memory_space<vmem_shared>>) dst(%arg13 : memref<40x128xf32, #tpu.memory_space<vmem>>)
      tpu.yield
    }) : () -> ()
    %mul3A_210 = arith.constant 10240 : i32
    %mul3A_211 = arith.muli %arg0, %mul3A_210 : i32
    %add3A_212 = arith.addi %mul3A_211, %add3A_209 : i32
    "tpu.region"() ({
      %run_scoped3A_218 = tpu.sem_alloc : memref<!tpu.dma_semaphore, #tpu.memory_space<semaphore_mem>>
      %dma_start3A_219 = arith.constant 0 : i32
      %dma_start3A_220 = tpu.memref_slice %arg10[%add3A_212, %dma_start3A_219] : memref<20480x128xf32, #tpu.memory_space<hbm>> -> memref<40x128xf32, #tpu.memory_space<hbm>>
      %dma_start3A_221 = arith.constant 0 : i32
      %dma_start3A_222 = tpu.memref_slice %arg10[%add3A_212, %dma_start3A_221] : memref<20480x128xf32, #tpu.memory_space<hbm>> -> memref<40x128xf32, #tpu.memory_space<hbm>>
      tpu.enqueue_dma source(%arg13 : memref<40x128xf32, #tpu.memory_space<vmem>>) target(%dma_start3A_222 : memref<40x128xf32, #tpu.memory_space<hbm>>) target_semaphore(%run_scoped3A_218 : memref<!tpu.dma_semaphore, #tpu.memory_space<semaphore_mem>>)
      %dma_wait3A_223 = arith.constant 0 : i32
      %dma_wait3A_224 = tpu.memref_slice %arg10[%add3A_212, %dma_wait3A_223] : memref<20480x128xf32, #tpu.memory_space<hbm>> -> memref<40x128xf32, #tpu.memory_space<hbm>>
      %dma_wait3A_225 = arith.constant 0 : i32
      %dma_wait3A_226 = tpu.memref_slice %arg10[%add3A_212, %dma_wait3A_225] : memref<20480x128xf32, #tpu.memory_space<hbm>> -> memref<40x128xf32, #tpu.memory_space<hbm>>
      tpu.wait_dma2 semaphore(%run_scoped3A_218 : memref<!tpu.dma_semaphore, #tpu.memory_space<semaphore_mem>>) src(%arg13 : memref<40x128xf32, #tpu.memory_space<vmem>>) dst(%dma_wait3A_226 : memref<40x128xf32, #tpu.memory_space<hbm>>)
      tpu.yield
    }) : () -> ()
    %add3A_213 = arith.constant 600 : i32
    %add3A_214 = arith.addi %mul3A_2, %add3A_213 : i32
    "tpu.region"() ({
      %run_scoped3A_218 = tpu.sem_alloc : memref<!tpu.dma_semaphore, #tpu.memory_space<semaphore_mem>>
      %dma_start3A_219 = arith.constant 0 : i32
      %dma_start3A_220 = tpu.memref_slice %arg19[%add3A_214, %dma_start3A_219] : memref<10240x128xf32, #tpu.memory_space<vmem_shared>> -> memref<40x128xf32, #tpu.memory_space<vmem_shared>>
      %dma_start3A_221 = arith.constant 0 : i32
      %dma_start3A_222 = tpu.memref_slice %arg19[%add3A_214, %dma_start3A_221] : memref<10240x128xf32, #tpu.memory_space<vmem_shared>> -> memref<40x128xf32, #tpu.memory_space<vmem_shared>>
      tpu.enqueue_dma source(%dma_start3A_222 : memref<40x128xf32, #tpu.memory_space<vmem_shared>>) target(%arg13 : memref<40x128xf32, #tpu.memory_space<vmem>>) target_semaphore(%run_scoped3A_218 : memref<!tpu.dma_semaphore, #tpu.memory_space<semaphore_mem>>)
      %dma_wait3A_223 = arith.constant 0 : i32
      %dma_wait3A_224 = tpu.memref_slice %arg19[%add3A_214, %dma_wait3A_223] : memref<10240x128xf32, #tpu.memory_space<vmem_shared>> -> memref<40x128xf32, #tpu.memory_space<vmem_shared>>
      %dma_wait3A_225 = arith.constant 0 : i32
      %dma_wait3A_226 = tpu.memref_slice %arg19[%add3A_214, %dma_wait3A_225] : memref<10240x128xf32, #tpu.memory_space<vmem_shared>> -> memref<40x128xf32, #tpu.memory_space<vmem_shared>>
      tpu.wait_dma2 semaphore(%run_scoped3A_218 : memref<!tpu.dma_semaphore, #tpu.memory_space<semaphore_mem>>) src(%dma_wait3A_226 : memref<40x128xf32, #tpu.memory_space<vmem_shared>>) dst(%arg13 : memref<40x128xf32, #tpu.memory_space<vmem>>)
      tpu.yield
    }) : () -> ()
    %mul3A_215 = arith.constant 10240 : i32
    %mul3A_216 = arith.muli %arg0, %mul3A_215 : i32
    %add3A_217 = arith.addi %mul3A_216, %add3A_214 : i32
    "tpu.region"() ({
      %run_scoped3A_218 = tpu.sem_alloc : memref<!tpu.dma_semaphore, #tpu.memory_space<semaphore_mem>>
      %dma_start3A_219 = arith.constant 0 : i32
      %dma_start3A_220 = tpu.memref_slice %arg10[%add3A_217, %dma_start3A_219] : memref<20480x128xf32, #tpu.memory_space<hbm>> -> memref<40x128xf32, #tpu.memory_space<hbm>>
      %dma_start3A_221 = arith.constant 0 : i32
      %dma_start3A_222 = tpu.memref_slice %arg10[%add3A_217, %dma_start3A_221] : memref<20480x128xf32, #tpu.memory_space<hbm>> -> memref<40x128xf32, #tpu.memory_space<hbm>>
      tpu.enqueue_dma source(%arg13 : memref<40x128xf32, #tpu.memory_space<vmem>>) target(%dma_start3A_222 : memref<40x128xf32, #tpu.memory_space<hbm>>) target_semaphore(%run_scoped3A_218 : memref<!tpu.dma_semaphore, #tpu.memory_space<semaphore_mem>>)
      %dma_wait3A_223 = arith.constant 0 : i32
      %dma_wait3A_224 = tpu.memref_slice %arg10[%add3A_217, %dma_wait3A_223] : memref<20480x128xf32, #tpu.memory_space<hbm>> -> memref<40x128xf32, #tpu.memory_space<hbm>>
      %dma_wait3A_225 = arith.constant 0 : i32
      %dma_wait3A_226 = tpu.memref_slice %arg10[%add3A_217, %dma_wait3A_225] : memref<20480x128xf32, #tpu.memory_space<hbm>> -> memref<40x128xf32, #tpu.memory_space<hbm>>
      tpu.wait_dma2 semaphore(%run_scoped3A_218 : memref<!tpu.dma_semaphore, #tpu.memory_space<semaphore_mem>>) src(%arg13 : memref<40x128xf32, #tpu.memory_space<vmem>>) dst(%dma_wait3A_226 : memref<40x128xf32, #tpu.memory_space<hbm>>)
      tpu.yield
    }) : () -> ()
    return
  }
}

module attributes {stable_mosaic.version = 14 : i64} {
  func.func @_p1_body(%arg0: i32, %arg1: memref<1000x128xf32, #tpu.memory_space<vmem>>, %arg2: memref<1x128xf32, #tpu.memory_space<vmem>>, %arg3: memref<1x128xf32, #tpu.memory_space<vmem>>, %arg4: memref<128x128xf32, #tpu.memory_space<vmem>>, %arg5: memref<1x128xf32, #tpu.memory_space<vmem>>, %arg6: memref<128x128xf32, #tpu.memory_space<vmem>>, %arg7: memref<1x128xf32, #tpu.memory_space<vmem>>, %arg8: memref<128x128xf32, #tpu.memory_space<vmem>>, %arg9: memref<1x128xf32, #tpu.memory_space<vmem>>, %arg10: memref<1000x128xf32, #tpu.memory_space<vmem>>, %arg11: memref<1000x128xf32, #tpu.memory_space<vmem>>, %arg12: memref<1000x128xf32, #tpu.memory_space<vmem>>, %arg13: memref<1x128xf32, #tpu.memory_space<vmem>>) attributes {dimension_semantics = [#tpu.dimension_semantics<arbitrary>], iteration_bounds = array<i64: 10>, scalar_prefetch = 0 : i64, scratch_operands = 0 : i64, tpu.core_type = #tpu.core_type<tc>, window_params = [{transform_indices = @transform_0, window_bounds = array<i64: 1000, 128>}, {pipeline_mode = #tpu.pipeline_mode<synchronous>, transform_indices = @transform_1, window_bounds = array<i64: 1, 128>}, {pipeline_mode = #tpu.pipeline_mode<synchronous>, transform_indices = @transform_2, window_bounds = array<i64: 1, 128>}, {pipeline_mode = #tpu.pipeline_mode<synchronous>, transform_indices = @transform_3, window_bounds = array<i64: 128, 128>}, {pipeline_mode = #tpu.pipeline_mode<synchronous>, transform_indices = @transform_4, window_bounds = array<i64: 1, 128>}, {pipeline_mode = #tpu.pipeline_mode<synchronous>, transform_indices = @transform_5, window_bounds = array<i64: 128, 128>}, {pipeline_mode = #tpu.pipeline_mode<synchronous>, transform_indices = @transform_6, window_bounds = array<i64: 1, 128>}, {pipeline_mode = #tpu.pipeline_mode<synchronous>, transform_indices = @transform_7, window_bounds = array<i64: 128, 128>}, {pipeline_mode = #tpu.pipeline_mode<synchronous>, transform_indices = @transform_8, window_bounds = array<i64: 1, 128>}, {transform_indices = @transform_9, window_bounds = array<i64: 1000, 128>}, {transform_indices = @transform_10, window_bounds = array<i64: 1000, 128>}, {transform_indices = @transform_11, window_bounds = array<i64: 1000, 128>}, {pipeline_mode = #tpu.pipeline_mode<synchronous>, transform_indices = @transform_12, window_bounds = array<i64: 1, 128>}]} {
    %get3A = arith.constant 0 : index
    %get3A_0 = arith.constant 0 : index
    %get3A_1 = vector.load %arg1[%get3A, %get3A_0] : memref<1000x128xf32, #tpu.memory_space<vmem>>, vector<1000x128xf32>
    %get3A_2 = arith.constant 0 : index
    %get3A_3 = arith.constant 0 : index
    %get3A_4 = vector.load %arg2[%get3A_2, %get3A_3] : memref<1x128xf32, #tpu.memory_space<vmem>>, vector<1x128xf32>
    %get3A_5 = arith.constant 0 : index
    %get3A_6 = arith.constant 0 : index
    %get3A_7 = vector.load %arg3[%get3A_5, %get3A_6] : memref<1x128xf32, #tpu.memory_space<vmem>>, vector<1x128xf32>
    %slice3A = vector.extract_strided_slice %get3A_1 {offsets = [0, 0], sizes = [1000, 8], strides = [1, 1]} : vector<1000x128xf32> to vector<1000x8xf32>
    %slice3A_8 = vector.extract_strided_slice %get3A_1 {offsets = [0, 8], sizes = [1000, 8], strides = [1, 1]} : vector<1000x128xf32> to vector<1000x8xf32>
    %add3A = arith.addf %slice3A, %slice3A_8 : vector<1000x8xf32>
    %slice3A_9 = vector.extract_strided_slice %get3A_1 {offsets = [0, 16], sizes = [1000, 8], strides = [1, 1]} : vector<1000x128xf32> to vector<1000x8xf32>
    %add3A_10 = arith.addf %add3A, %slice3A_9 : vector<1000x8xf32>
    %slice3A_11 = vector.extract_strided_slice %get3A_1 {offsets = [0, 24], sizes = [1000, 8], strides = [1, 1]} : vector<1000x128xf32> to vector<1000x8xf32>
    %add3A_12 = arith.addf %add3A_10, %slice3A_11 : vector<1000x8xf32>
    %slice3A_13 = vector.extract_strided_slice %get3A_1 {offsets = [0, 32], sizes = [1000, 8], strides = [1, 1]} : vector<1000x128xf32> to vector<1000x8xf32>
    %add3A_14 = arith.addf %add3A_12, %slice3A_13 : vector<1000x8xf32>
    %slice3A_15 = vector.extract_strided_slice %get3A_1 {offsets = [0, 40], sizes = [1000, 8], strides = [1, 1]} : vector<1000x128xf32> to vector<1000x8xf32>
    %add3A_16 = arith.addf %add3A_14, %slice3A_15 : vector<1000x8xf32>
    %slice3A_17 = vector.extract_strided_slice %get3A_1 {offsets = [0, 48], sizes = [1000, 8], strides = [1, 1]} : vector<1000x128xf32> to vector<1000x8xf32>
    %add3A_18 = arith.addf %add3A_16, %slice3A_17 : vector<1000x8xf32>
    %slice3A_19 = vector.extract_strided_slice %get3A_1 {offsets = [0, 56], sizes = [1000, 8], strides = [1, 1]} : vector<1000x128xf32> to vector<1000x8xf32>
    %add3A_20 = arith.addf %add3A_18, %slice3A_19 : vector<1000x8xf32>
    %slice3A_21 = vector.extract_strided_slice %get3A_1 {offsets = [0, 64], sizes = [1000, 8], strides = [1, 1]} : vector<1000x128xf32> to vector<1000x8xf32>
    %add3A_22 = arith.addf %add3A_20, %slice3A_21 : vector<1000x8xf32>
    %slice3A_23 = vector.extract_strided_slice %get3A_1 {offsets = [0, 72], sizes = [1000, 8], strides = [1, 1]} : vector<1000x128xf32> to vector<1000x8xf32>
    %add3A_24 = arith.addf %add3A_22, %slice3A_23 : vector<1000x8xf32>
    %slice3A_25 = vector.extract_strided_slice %get3A_1 {offsets = [0, 80], sizes = [1000, 8], strides = [1, 1]} : vector<1000x128xf32> to vector<1000x8xf32>
    %add3A_26 = arith.addf %add3A_24, %slice3A_25 : vector<1000x8xf32>
    %slice3A_27 = vector.extract_strided_slice %get3A_1 {offsets = [0, 88], sizes = [1000, 8], strides = [1, 1]} : vector<1000x128xf32> to vector<1000x8xf32>
    %add3A_28 = arith.addf %add3A_26, %slice3A_27 : vector<1000x8xf32>
    %slice3A_29 = vector.extract_strided_slice %get3A_1 {offsets = [0, 96], sizes = [1000, 8], strides = [1, 1]} : vector<1000x128xf32> to vector<1000x8xf32>
    %add3A_30 = arith.addf %add3A_28, %slice3A_29 : vector<1000x8xf32>
    %slice3A_31 = vector.extract_strided_slice %get3A_1 {offsets = [0, 104], sizes = [1000, 8], strides = [1, 1]} : vector<1000x128xf32> to vector<1000x8xf32>
    %add3A_32 = arith.addf %add3A_30, %slice3A_31 : vector<1000x8xf32>
    %slice3A_33 = vector.extract_strided_slice %get3A_1 {offsets = [0, 112], sizes = [1000, 8], strides = [1, 1]} : vector<1000x128xf32> to vector<1000x8xf32>
    %add3A_34 = arith.addf %add3A_32, %slice3A_33 : vector<1000x8xf32>
    %slice3A_35 = vector.extract_strided_slice %get3A_1 {offsets = [0, 120], sizes = [1000, 8], strides = [1, 1]} : vector<1000x128xf32> to vector<1000x8xf32>
    %add3A_36 = arith.addf %add3A_34, %slice3A_35 : vector<1000x8xf32>
    %slice3A_37 = vector.extract_strided_slice %add3A_36 {offsets = [0, 0], sizes = [1000, 4], strides = [1, 1]} : vector<1000x8xf32> to vector<1000x4xf32>
    %slice3A_38 = vector.extract_strided_slice %add3A_36 {offsets = [0, 4], sizes = [1000, 4], strides = [1, 1]} : vector<1000x8xf32> to vector<1000x4xf32>
    %add3A_39 = arith.addf %slice3A_37, %slice3A_38 : vector<1000x4xf32>
    %slice3A_40 = vector.extract_strided_slice %add3A_39 {offsets = [0, 0], sizes = [1000, 2], strides = [1, 1]} : vector<1000x4xf32> to vector<1000x2xf32>
    %slice3A_41 = vector.extract_strided_slice %add3A_39 {offsets = [0, 2], sizes = [1000, 2], strides = [1, 1]} : vector<1000x4xf32> to vector<1000x2xf32>
    %add3A_42 = arith.addf %slice3A_40, %slice3A_41 : vector<1000x2xf32>
    %slice3A_43 = vector.extract_strided_slice %add3A_42 {offsets = [0, 0], sizes = [1000, 1], strides = [1, 1]} : vector<1000x2xf32> to vector<1000x1xf32>
    %slice3A_44 = vector.extract_strided_slice %add3A_42 {offsets = [0, 1], sizes = [1000, 1], strides = [1, 1]} : vector<1000x2xf32> to vector<1000x1xf32>
    %add3A_45 = arith.addf %slice3A_43, %slice3A_44 : vector<1000x1xf32>
    %mul3A = arith.constant 7.812500e-03 : f32
    %mul3A_46 = vector.broadcast %mul3A : f32 to vector<1000x1xf32>
    %mul3A_47 = arith.mulf %add3A_45, %mul3A_46 : vector<1000x1xf32>
    %sub3A = vector.broadcast %mul3A_47 : vector<1000x1xf32> to vector<1000x128xf32>
    %sub3A_48 = arith.subf %get3A_1, %sub3A : vector<1000x128xf32>
    %mul3A_49 = arith.mulf %sub3A_48, %sub3A_48 : vector<1000x128xf32>
    %slice3A_50 = vector.extract_strided_slice %mul3A_49 {offsets = [0, 0], sizes = [1000, 8], strides = [1, 1]} : vector<1000x128xf32> to vector<1000x8xf32>
    %slice3A_51 = vector.extract_strided_slice %mul3A_49 {offsets = [0, 8], sizes = [1000, 8], strides = [1, 1]} : vector<1000x128xf32> to vector<1000x8xf32>
    %add3A_52 = arith.addf %slice3A_50, %slice3A_51 : vector<1000x8xf32>
    %slice3A_53 = vector.extract_strided_slice %mul3A_49 {offsets = [0, 16], sizes = [1000, 8], strides = [1, 1]} : vector<1000x128xf32> to vector<1000x8xf32>
    %add3A_54 = arith.addf %add3A_52, %slice3A_53 : vector<1000x8xf32>
    %slice3A_55 = vector.extract_strided_slice %mul3A_49 {offsets = [0, 24], sizes = [1000, 8], strides = [1, 1]} : vector<1000x128xf32> to vector<1000x8xf32>
    %add3A_56 = arith.addf %add3A_54, %slice3A_55 : vector<1000x8xf32>
    %slice3A_57 = vector.extract_strided_slice %mul3A_49 {offsets = [0, 32], sizes = [1000, 8], strides = [1, 1]} : vector<1000x128xf32> to vector<1000x8xf32>
    %add3A_58 = arith.addf %add3A_56, %slice3A_57 : vector<1000x8xf32>
    %slice3A_59 = vector.extract_strided_slice %mul3A_49 {offsets = [0, 40], sizes = [1000, 8], strides = [1, 1]} : vector<1000x128xf32> to vector<1000x8xf32>
    %add3A_60 = arith.addf %add3A_58, %slice3A_59 : vector<1000x8xf32>
    %slice3A_61 = vector.extract_strided_slice %mul3A_49 {offsets = [0, 48], sizes = [1000, 8], strides = [1, 1]} : vector<1000x128xf32> to vector<1000x8xf32>
    %add3A_62 = arith.addf %add3A_60, %slice3A_61 : vector<1000x8xf32>
    %slice3A_63 = vector.extract_strided_slice %mul3A_49 {offsets = [0, 56], sizes = [1000, 8], strides = [1, 1]} : vector<1000x128xf32> to vector<1000x8xf32>
    %add3A_64 = arith.addf %add3A_62, %slice3A_63 : vector<1000x8xf32>
    %slice3A_65 = vector.extract_strided_slice %mul3A_49 {offsets = [0, 64], sizes = [1000, 8], strides = [1, 1]} : vector<1000x128xf32> to vector<1000x8xf32>
    %add3A_66 = arith.addf %add3A_64, %slice3A_65 : vector<1000x8xf32>
    %slice3A_67 = vector.extract_strided_slice %mul3A_49 {offsets = [0, 72], sizes = [1000, 8], strides = [1, 1]} : vector<1000x128xf32> to vector<1000x8xf32>
    %add3A_68 = arith.addf %add3A_66, %slice3A_67 : vector<1000x8xf32>
    %slice3A_69 = vector.extract_strided_slice %mul3A_49 {offsets = [0, 80], sizes = [1000, 8], strides = [1, 1]} : vector<1000x128xf32> to vector<1000x8xf32>
    %add3A_70 = arith.addf %add3A_68, %slice3A_69 : vector<1000x8xf32>
    %slice3A_71 = vector.extract_strided_slice %mul3A_49 {offsets = [0, 88], sizes = [1000, 8], strides = [1, 1]} : vector<1000x128xf32> to vector<1000x8xf32>
    %add3A_72 = arith.addf %add3A_70, %slice3A_71 : vector<1000x8xf32>
    %slice3A_73 = vector.extract_strided_slice %mul3A_49 {offsets = [0, 96], sizes = [1000, 8], strides = [1, 1]} : vector<1000x128xf32> to vector<1000x8xf32>
    %add3A_74 = arith.addf %add3A_72, %slice3A_73 : vector<1000x8xf32>
    %slice3A_75 = vector.extract_strided_slice %mul3A_49 {offsets = [0, 104], sizes = [1000, 8], strides = [1, 1]} : vector<1000x128xf32> to vector<1000x8xf32>
    %add3A_76 = arith.addf %add3A_74, %slice3A_75 : vector<1000x8xf32>
    %slice3A_77 = vector.extract_strided_slice %mul3A_49 {offsets = [0, 112], sizes = [1000, 8], strides = [1, 1]} : vector<1000x128xf32> to vector<1000x8xf32>
    %add3A_78 = arith.addf %add3A_76, %slice3A_77 : vector<1000x8xf32>
    %slice3A_79 = vector.extract_strided_slice %mul3A_49 {offsets = [0, 120], sizes = [1000, 8], strides = [1, 1]} : vector<1000x128xf32> to vector<1000x8xf32>
    %add3A_80 = arith.addf %add3A_78, %slice3A_79 : vector<1000x8xf32>
    %slice3A_81 = vector.extract_strided_slice %add3A_80 {offsets = [0, 0], sizes = [1000, 4], strides = [1, 1]} : vector<1000x8xf32> to vector<1000x4xf32>
    %slice3A_82 = vector.extract_strided_slice %add3A_80 {offsets = [0, 4], sizes = [1000, 4], strides = [1, 1]} : vector<1000x8xf32> to vector<1000x4xf32>
    %add3A_83 = arith.addf %slice3A_81, %slice3A_82 : vector<1000x4xf32>
    %slice3A_84 = vector.extract_strided_slice %add3A_83 {offsets = [0, 0], sizes = [1000, 2], strides = [1, 1]} : vector<1000x4xf32> to vector<1000x2xf32>
    %slice3A_85 = vector.extract_strided_slice %add3A_83 {offsets = [0, 2], sizes = [1000, 2], strides = [1, 1]} : vector<1000x4xf32> to vector<1000x2xf32>
    %add3A_86 = arith.addf %slice3A_84, %slice3A_85 : vector<1000x2xf32>
    %slice3A_87 = vector.extract_strided_slice %add3A_86 {offsets = [0, 0], sizes = [1000, 1], strides = [1, 1]} : vector<1000x2xf32> to vector<1000x1xf32>
    %slice3A_88 = vector.extract_strided_slice %add3A_86 {offsets = [0, 1], sizes = [1000, 1], strides = [1, 1]} : vector<1000x2xf32> to vector<1000x1xf32>
    %add3A_89 = arith.addf %slice3A_87, %slice3A_88 : vector<1000x1xf32>
    %mul3A_90 = arith.constant 7.812500e-03 : f32
    %mul3A_91 = vector.broadcast %mul3A_90 : f32 to vector<1000x1xf32>
    %mul3A_92 = arith.mulf %add3A_89, %mul3A_91 : vector<1000x1xf32>
    %add3A_93 = arith.constant 9.99999997E-7 : f32
    %add3A_94 = vector.broadcast %add3A_93 : f32 to vector<1000x1xf32>
    %add3A_95 = arith.addf %mul3A_92, %add3A_94 : vector<1000x1xf32>
    %sqrt3A = math.sqrt %add3A_95 : vector<1000x1xf32>
    %div3A = vector.broadcast %sqrt3A : vector<1000x1xf32> to vector<1000x128xf32>
    %div3A_96 = arith.divf %sub3A_48, %div3A : vector<1000x128xf32>
    %mul3A_97 = vector.broadcast %get3A_4 : vector<1x128xf32> to vector<1000x128xf32>
    %mul3A_98 = arith.mulf %div3A_96, %mul3A_97 : vector<1000x128xf32>
    %add3A_99 = vector.broadcast %get3A_7 : vector<1x128xf32> to vector<1000x128xf32>
    %add3A_100 = arith.addf %mul3A_98, %add3A_99 : vector<1000x128xf32>
    %get3A_101 = arith.constant 0 : index
    %get3A_102 = arith.constant 0 : index
    %get3A_103 = vector.load %arg4[%get3A_101, %get3A_102] : memref<128x128xf32, #tpu.memory_space<vmem>>, vector<128x128xf32>
    %dot_general3A = arith.constant dense<0.000000e+00> : vector<1000x128xf32>
    %dot_general3A_104 = tpu.matmul %add3A_100, %get3A_103, %dot_general3A {dimension_numbers = #tpu.dot_dimension_numbers<[1], [0], [0], [1], [0, 0, 1, 1], [], []>, transpose_lhs_hint = false} : vector<1000x128xf32>, vector<128x128xf32>, vector<1000x128xf32> -> vector<1000x128xf32>
    %get3A_105 = arith.constant 0 : index
    %get3A_106 = arith.constant 0 : index
    %get3A_107 = vector.load %arg5[%get3A_105, %get3A_106] : memref<1x128xf32, #tpu.memory_space<vmem>>, vector<1x128xf32>
    %add3A_108 = vector.broadcast %get3A_107 : vector<1x128xf32> to vector<1000x128xf32>
    %add3A_109 = arith.addf %dot_general3A_104, %add3A_108 : vector<1000x128xf32>
    %get3A_110 = arith.constant 0 : index
    %get3A_111 = arith.constant 0 : index
    %get3A_112 = vector.load %arg6[%get3A_110, %get3A_111] : memref<128x128xf32, #tpu.memory_space<vmem>>, vector<128x128xf32>
    %dot_general3A_113 = arith.constant dense<0.000000e+00> : vector<1000x128xf32>
    %dot_general3A_114 = tpu.matmul %add3A_100, %get3A_112, %dot_general3A_113 {dimension_numbers = #tpu.dot_dimension_numbers<[1], [0], [0], [1], [0, 0, 1, 1], [], []>, transpose_lhs_hint = false} : vector<1000x128xf32>, vector<128x128xf32>, vector<1000x128xf32> -> vector<1000x128xf32>
    %get3A_115 = arith.constant 0 : index
    %get3A_116 = arith.constant 0 : index
    %get3A_117 = vector.load %arg7[%get3A_115, %get3A_116] : memref<1x128xf32, #tpu.memory_space<vmem>>, vector<1x128xf32>
    %add3A_118 = vector.broadcast %get3A_117 : vector<1x128xf32> to vector<1000x128xf32>
    %add3A_119 = arith.addf %dot_general3A_114, %add3A_118 : vector<1000x128xf32>
    %get3A_120 = arith.constant 0 : index
    %get3A_121 = arith.constant 0 : index
    %get3A_122 = vector.load %arg8[%get3A_120, %get3A_121] : memref<128x128xf32, #tpu.memory_space<vmem>>, vector<128x128xf32>
    %dot_general3A_123 = arith.constant dense<0.000000e+00> : vector<1000x128xf32>
    %dot_general3A_124 = tpu.matmul %add3A_100, %get3A_122, %dot_general3A_123 {dimension_numbers = #tpu.dot_dimension_numbers<[1], [0], [0], [1], [0, 0, 1, 1], [], []>, transpose_lhs_hint = false} : vector<1000x128xf32>, vector<128x128xf32>, vector<1000x128xf32> -> vector<1000x128xf32>
    %get3A_125 = arith.constant 0 : index
    %get3A_126 = arith.constant 0 : index
    %get3A_127 = vector.load %arg9[%get3A_125, %get3A_126] : memref<1x128xf32, #tpu.memory_space<vmem>>, vector<1x128xf32>
    %add3A_128 = vector.broadcast %get3A_127 : vector<1x128xf32> to vector<1000x128xf32>
    %add3A_129 = arith.addf %dot_general3A_124, %add3A_128 : vector<1000x128xf32>
    %swap3A = arith.constant 0 : index
    %swap3A_130 = arith.constant 0 : index
    %swap3A_131 = vector.load %arg10[%swap3A, %swap3A_130] : memref<1000x128xf32, #tpu.memory_space<vmem>>, vector<1000x128xf32>
    tpu.vector_store %arg10[%swap3A, %swap3A_130], %add3A_109 {strides = array<i32>} : memref<1000x128xf32, #tpu.memory_space<vmem>>, vector<1000x128xf32>,
    %swap3A_132 = arith.constant 0 : index
    %swap3A_133 = arith.constant 0 : index
    %swap3A_134 = vector.load %arg11[%swap3A_132, %swap3A_133] : memref<1000x128xf32, #tpu.memory_space<vmem>>, vector<1000x128xf32>
    tpu.vector_store %arg11[%swap3A_132, %swap3A_133], %add3A_119 {strides = array<i32>} : memref<1000x128xf32, #tpu.memory_space<vmem>>, vector<1000x128xf32>,
    %swap3A_135 = arith.constant 0 : index
    %swap3A_136 = arith.constant 0 : index
    %swap3A_137 = vector.load %arg12[%swap3A_135, %swap3A_136] : memref<1000x128xf32, #tpu.memory_space<vmem>>, vector<1000x128xf32>
    tpu.vector_store %arg12[%swap3A_135, %swap3A_136], %add3A_129 {strides = array<i32>} : memref<1000x128xf32, #tpu.memory_space<vmem>>, vector<1000x128xf32>,
    %reduce_sum3A = arith.constant dense<0.000000e+00> : vector<128xf32>
    %reduce_sum3A_138 = vector.multi_reduction <add>, %add3A_119, %reduce_sum3A [0] : vector<1000x128xf32> to vector<128xf32>
    %broadcast_in_dim3A = vector.shape_cast %reduce_sum3A_138 : vector<128xf32> to vector<1x128xf32>
    %eq3A = arith.constant 0 : i32
    %eq3A_139 = arith.cmpi eq, %arg0, %eq3A : i32
    %convert_element_type3A = arith.extui %eq3A_139 : i1 to i32
    %cond3A = arith.constant 0 : i32
    %cond3A_140 = arith.cmpi ne, %convert_element_type3A, %cond3A : i32
    scf.if %cond3A_140 {
      %swap3A_145 = arith.constant 0 : index
      %swap3A_146 = arith.constant 0 : index
      %swap3A_147 = vector.load %arg13[%swap3A_145, %swap3A_146] : memref<1x128xf32, #tpu.memory_space<vmem>>, vector<1x128xf32>
      tpu.vector_store %arg13[%swap3A_145, %swap3A_146], %broadcast_in_dim3A {strides = array<i32>} : memref<1x128xf32, #tpu.memory_space<vmem>>, vector<1x128xf32>,
    } else {
    }
    %gt3A = arith.constant 0 : i32
    %gt3A_141 = arith.cmpi sgt, %arg0, %gt3A : i32
    %convert_element_type3A_142 = arith.extui %gt3A_141 : i1 to i32
    %cond3A_143 = arith.constant 0 : i32
    %cond3A_144 = arith.cmpi ne, %convert_element_type3A_142, %cond3A_143 : i32
    scf.if %cond3A_144 {
      %get3A_145 = arith.constant 0 : index
      %get3A_146 = arith.constant 0 : index
      %get3A_147 = vector.load %arg13[%get3A_145, %get3A_146] : memref<1x128xf32, #tpu.memory_space<vmem>>, vector<1x128xf32>
      %add3A_148 = arith.addf %get3A_147, %broadcast_in_dim3A : vector<1x128xf32>
      %swap3A_149 = arith.constant 0 : index
      %swap3A_150 = arith.constant 0 : index
      %swap3A_151 = vector.load %arg13[%swap3A_149, %swap3A_150] : memref<1x128xf32, #tpu.memory_space<vmem>>, vector<1x128xf32>
      tpu.vector_store %arg13[%swap3A_149, %swap3A_150], %add3A_148 {strides = array<i32>} : memref<1x128xf32, #tpu.memory_space<vmem>>, vector<1x128xf32>,
    } else {
    }
    return
  }
  func.func @transform_0(%arg0: i32) -> (i32, i32) {
    %c0_i32 = arith.constant 0 : i32
    %c0_i32_0 = arith.constant 0 : i32
    return %arg0, %c0_i32 : i32, i32
  }
  func.func @transform_1(%arg0: i32) -> (i32, i32) {
    %c0_i32 = arith.constant 0 : i32
    %c0_i32_0 = arith.constant 0 : i32
    %c0_i32_1 = arith.constant 0 : i32
    return %c0_i32, %c0_i32_0 : i32, i32
  }
  func.func @transform_2(%arg0: i32) -> (i32, i32) {
    %c0_i32 = arith.constant 0 : i32
    %c0_i32_0 = arith.constant 0 : i32
    %c0_i32_1 = arith.constant 0 : i32
    return %c0_i32, %c0_i32_0 : i32, i32
  }
  func.func @transform_3(%arg0: i32) -> (i32, i32) {
    %c0_i32 = arith.constant 0 : i32
    %c0_i32_0 = arith.constant 0 : i32
    %c0_i32_1 = arith.constant 0 : i32
    return %c0_i32, %c0_i32_0 : i32, i32
  }
  func.func @transform_4(%arg0: i32) -> (i32, i32) {
    %c0_i32 = arith.constant 0 : i32
    %c0_i32_0 = arith.constant 0 : i32
    %c0_i32_1 = arith.constant 0 : i32
    return %c0_i32, %c0_i32_0 : i32, i32
  }
  func.func @transform_5(%arg0: i32) -> (i32, i32) {
    %c0_i32 = arith.constant 0 : i32
    %c0_i32_0 = arith.constant 0 : i32
    %c0_i32_1 = arith.constant 0 : i32
    return %c0_i32, %c0_i32_0 : i32, i32
  }
  func.func @transform_6(%arg0: i32) -> (i32, i32) {
    %c0_i32 = arith.constant 0 : i32
    %c0_i32_0 = arith.constant 0 : i32
    %c0_i32_1 = arith.constant 0 : i32
    return %c0_i32, %c0_i32_0 : i32, i32
  }
  func.func @transform_7(%arg0: i32) -> (i32, i32) {
    %c0_i32 = arith.constant 0 : i32
    %c0_i32_0 = arith.constant 0 : i32
    %c0_i32_1 = arith.constant 0 : i32
    return %c0_i32, %c0_i32_0 : i32, i32
  }
  func.func @transform_8(%arg0: i32) -> (i32, i32) {
    %c0_i32 = arith.constant 0 : i32
    %c0_i32_0 = arith.constant 0 : i32
    %c0_i32_1 = arith.constant 0 : i32
    return %c0_i32, %c0_i32_0 : i32, i32
  }
  func.func @transform_9(%arg0: i32) -> (i32, i32) {
    %c0_i32 = arith.constant 0 : i32
    %c0_i32_0 = arith.constant 0 : i32
    return %arg0, %c0_i32 : i32, i32
  }
  func.func @transform_10(%arg0: i32) -> (i32, i32) {
    %c0_i32 = arith.constant 0 : i32
    %c0_i32_0 = arith.constant 0 : i32
    return %arg0, %c0_i32 : i32, i32
  }
  func.func @transform_11(%arg0: i32) -> (i32, i32) {
    %c0_i32 = arith.constant 0 : i32
    %c0_i32_0 = arith.constant 0 : i32
    return %arg0, %c0_i32 : i32, i32
  }
  func.func @transform_12(%arg0: i32) -> (i32, i32) {
    %c0_i32 = arith.constant 0 : i32
    %c0_i32_0 = arith.constant 0 : i32
    %c0_i32_1 = arith.constant 0 : i32
    return %c0_i32, %c0_i32_0 : i32, i32
  }
}

module attributes {stable_mosaic.version = 14 : i64} {
  func.func @_p3_body(%arg0: i32, %arg1: memref<3200x128xf32, #tpu.memory_space<vmem>>, %arg2: memref<3200x128xf32, #tpu.memory_space<vmem>>, %arg3: memref<3200x16xf32, #tpu.memory_space<vmem>>, %arg4: memref<3200x1xf32, #tpu.memory_space<vmem>>, %arg5: memref<1x128xf32, #tpu.memory_space<vmem>>, %arg6: memref<16x128xf32, #tpu.memory_space<vmem>>, %arg7: memref<1x128xf32, #tpu.memory_space<vmem>>, %arg8: memref<1x8xf32, #tpu.memory_space<vmem>>, %arg9: memref<1x8xf32, #tpu.memory_space<vmem>>, %arg10: memref<3200x8xf32, #tpu.memory_space<vmem>>) attributes {dimension_semantics = [#tpu.dimension_semantics<arbitrary>], iteration_bounds = array<i64: 100>, scalar_prefetch = 0 : i64, scratch_operands = 0 : i64, tpu.core_type = #tpu.core_type<tc>, window_params = [{transform_indices = @transform_0, window_bounds = array<i64: 3200, 128>}, {transform_indices = @transform_1, window_bounds = array<i64: 3200, 128>}, {transform_indices = @transform_2, window_bounds = array<i64: 3200, 16>}, {transform_indices = @transform_3, window_bounds = array<i64: 3200, 1>}, {pipeline_mode = #tpu.pipeline_mode<synchronous>, transform_indices = @transform_4, window_bounds = array<i64: 1, 128>}, {pipeline_mode = #tpu.pipeline_mode<synchronous>, transform_indices = @transform_5, window_bounds = array<i64: 16, 128>}, {pipeline_mode = #tpu.pipeline_mode<synchronous>, transform_indices = @transform_6, window_bounds = array<i64: 1, 128>}, {pipeline_mode = #tpu.pipeline_mode<synchronous>, transform_indices = @transform_7, window_bounds = array<i64: 1, 8>}, {pipeline_mode = #tpu.pipeline_mode<synchronous>, transform_indices = @transform_8, window_bounds = array<i64: 1, 8>}, {transform_indices = @transform_9, window_bounds = array<i64: 3200, 8>}]} {
    %get3A = arith.constant 0 : index
    %get3A_0 = arith.constant 0 : index
    %get3A_1 = vector.load %arg3[%get3A, %get3A_0] : memref<3200x16xf32, #tpu.memory_space<vmem>>, vector<3200x16xf32>
    %get3A_2 = arith.constant 0 : index
    %get3A_3 = arith.constant 0 : index
    %get3A_4 = vector.load %arg6[%get3A_2, %get3A_3] : memref<16x128xf32, #tpu.memory_space<vmem>>, vector<16x128xf32>
    %dot_general3A = arith.constant dense<0.000000e+00> : vector<3200x128xf32>
    %dot_general3A_5 = tpu.matmul %get3A_1, %get3A_4, %dot_general3A {dimension_numbers = #tpu.dot_dimension_numbers<[1], [0], [0], [1], [0, 0, 1, 1], [], []>, transpose_lhs_hint = false} : vector<3200x16xf32>, vector<16x128xf32>, vector<3200x128xf32> -> vector<3200x128xf32>
    %get3A_6 = arith.constant 0 : index
    %get3A_7 = arith.constant 0 : index
    %get3A_8 = vector.load %arg7[%get3A_6, %get3A_7] : memref<1x128xf32, #tpu.memory_space<vmem>>, vector<1x128xf32>
    %add3A = vector.broadcast %get3A_8 : vector<1x128xf32> to vector<3200x128xf32>
    %add3A_9 = arith.addf %dot_general3A_5, %add3A : vector<3200x128xf32>
    %get3A_10 = arith.constant 0 : index
    %get3A_11 = arith.constant 0 : index
    %get3A_12 = vector.load %arg1[%get3A_10, %get3A_11] : memref<3200x128xf32, #tpu.memory_space<vmem>>, vector<3200x128xf32>
    %add3A_13 = arith.addf %get3A_12, %add3A_9 : vector<3200x128xf32>
    %get3A_14 = arith.constant 0 : index
    %get3A_15 = arith.constant 0 : index
    %get3A_16 = vector.load %arg2[%get3A_14, %get3A_15] : memref<3200x128xf32, #tpu.memory_space<vmem>>, vector<3200x128xf32>
    %add3A_17 = arith.addf %get3A_16, %add3A_9 : vector<3200x128xf32>
    %iota3A = tpu.iota {dimensions = array<i32: 0>} : vector<128x8xi32>
    %jit3A = arith.constant 16 : i32
    %div3A = vector.broadcast %jit3A : i32 to vector<128x8xi32>
    %div3A_18 = arith.divsi %iota3A, %div3A : vector<128x8xi32>
    %sign3A = arith.constant 0 : i32
    %sign3A_19 = vector.broadcast %sign3A : i32 to vector<128x8xi32>
    %sign3A_20 = arith.cmpi sgt, %iota3A, %sign3A_19 : vector<128x8xi32>
    %sign3A_21 = arith.extui %sign3A_20 : vector<128x8xi1> to vector<128x8xi32>
    %sign3A_22 = arith.constant 0 : i32
    %sign3A_23 = vector.broadcast %sign3A_22 : i32 to vector<128x8xi32>
    %sign3A_24 = arith.cmpi slt, %iota3A, %sign3A_23 : vector<128x8xi32>
    %sign3A_25 = arith.extui %sign3A_24 : vector<128x8xi1> to vector<128x8xi32>
    %sign3A_26 = arith.subi %sign3A_21, %sign3A_25 : vector<128x8xi32>
    %sign3A_27 = arith.constant 0 : i32
    %sign3A_28 = arith.cmpi sgt, %jit3A, %sign3A_27 : i32
    %sign3A_29 = arith.extui %sign3A_28 : i1 to i32
    %sign3A_30 = arith.constant 0 : i32
    %sign3A_31 = arith.cmpi slt, %jit3A, %sign3A_30 : i32
    %sign3A_32 = arith.extui %sign3A_31 : i1 to i32
    %sign3A_33 = arith.subi %sign3A_29, %sign3A_32 : i32
    %ne3A = vector.broadcast %sign3A_33 : i32 to vector<128x8xi32>
    %ne3A_34 = arith.cmpi ne, %sign3A_26, %ne3A : vector<128x8xi32>
    %rem3A = vector.broadcast %jit3A : i32 to vector<128x8xi32>
    %rem3A_35 = arith.remsi %iota3A, %rem3A : vector<128x8xi32>
    %ne3A_36 = arith.constant 0 : i32
    %ne3A_37 = vector.broadcast %ne3A_36 : i32 to vector<128x8xi32>
    %ne3A_38 = arith.cmpi ne, %rem3A_35, %ne3A_37 : vector<128x8xi32>
    %and3A = arith.andi %ne3A_34, %ne3A_38 : vector<128x8xi1>
    %sub3A = arith.constant 1 : i32
    %sub3A_39 = vector.broadcast %sub3A : i32 to vector<128x8xi32>
    %sub3A_40 = arith.subi %div3A_18, %sub3A_39 : vector<128x8xi32>
    %select_n3A = arith.select %and3A, %sub3A_40, %div3A_18 : vector<128x8xi1>, vector<128x8xi32>
    %iota3A_41 = tpu.iota {dimensions = array<i32: 1>} : vector<128x8xi32>
    %eq3A = arith.cmpi eq, %select_n3A, %iota3A_41 : vector<128x8xi32>
    %convert_element_type3A = arith.extui %eq3A : vector<128x8xi1> to vector<128x8xi32>
    %convert_element_type3A_42 = arith.sitofp %convert_element_type3A : vector<128x8xi32> to vector<128x8xf32>
    %mul3A = arith.mulf %add3A_13, %add3A_17 : vector<3200x128xf32>
    %convert_element_type3A_43 = arith.truncf %mul3A : vector<3200x128xf32> to vector<3200x128xbf16>
    %convert_element_type3A_44 = arith.extf %convert_element_type3A_43 : vector<3200x128xbf16> to vector<3200x128xf32>
    %sub3A_45 = arith.subf %mul3A, %convert_element_type3A_44 : vector<3200x128xf32>
    %concatenate3A = tpu.concatenate %convert_element_type3A_44, %sub3A_45 in 1 : vector<3200x128xf32>, vector<3200x128xf32> -> vector<3200x256xf32>
    %concatenate3A_46 = tpu.concatenate %convert_element_type3A_42, %convert_element_type3A_42 in 0 : vector<128x8xf32>, vector<128x8xf32> -> vector<256x8xf32>
    %dot_general3A_47 = arith.constant dense<0.000000e+00> : vector<3200x8xf32>
    %dot_general3A_48 = tpu.matmul %concatenate3A, %concatenate3A_46, %dot_general3A_47 {dimension_numbers = #tpu.dot_dimension_numbers<[1], [0], [0], [1], [0, 0, 1, 1], [], []>, transpose_lhs_hint = false} : vector<3200x256xf32>, vector<256x8xf32>, vector<3200x8xf32> -> vector<3200x8xf32>
    %mul3A_49 = arith.constant 0.594603539 : f32
    %mul3A_50 = vector.broadcast %mul3A_49 : f32 to vector<3200x8xf32>
    %mul3A_51 = arith.mulf %dot_general3A_48, %mul3A_50 : vector<3200x8xf32>
    %get3A_52 = arith.constant 0 : index
    %get3A_53 = arith.constant 0 : index
    %get3A_54 = vector.load %arg4[%get3A_52, %get3A_53] : memref<3200x1xf32, #tpu.memory_space<vmem>>, vector<3200x1xf32>
    %get3A_55 = arith.constant 0 : index
    %get3A_56 = arith.constant 0 : index
    %get3A_57 = vector.load %arg8[%get3A_55, %get3A_56] : memref<1x8xf32, #tpu.memory_space<vmem>>, vector<1x8xf32>
    %mul3A_58 = vector.broadcast %get3A_54 : vector<3200x1xf32> to vector<3200x8xf32>
    %mul3A_59 = vector.broadcast %get3A_57 : vector<1x8xf32> to vector<3200x8xf32>
    %mul3A_60 = arith.mulf %mul3A_58, %mul3A_59 : vector<3200x8xf32>
    %add3A_61 = arith.addf %mul3A_51, %mul3A_60 : vector<3200x8xf32>
    %get3A_62 = arith.constant 0 : index
    %get3A_63 = arith.constant 0 : index
    %get3A_64 = vector.load %arg9[%get3A_62, %get3A_63] : memref<1x8xf32, #tpu.memory_space<vmem>>, vector<1x8xf32>
    %add3A_65 = vector.broadcast %get3A_64 : vector<1x8xf32> to vector<3200x8xf32>
    %add3A_66 = arith.addf %add3A_61, %add3A_65 : vector<3200x8xf32>
    %get3A_67 = arith.constant 0 : index
    %get3A_68 = arith.constant 0 : index
    %get3A_69 = vector.load %arg1[%get3A_67, %get3A_68] : memref<3200x128xf32, #tpu.memory_space<vmem>>, vector<3200x128xf32>
    %convert_element_type3A_70 = arith.truncf %get3A_69 : vector<3200x128xf32> to vector<3200x128xbf16>
    %convert_element_type3A_71 = arith.extf %convert_element_type3A_70 : vector<3200x128xbf16> to vector<3200x128xf32>
    %get3A_72 = arith.constant 0 : index
    %get3A_73 = arith.constant 0 : index
    %get3A_74 = vector.load %arg5[%get3A_72, %get3A_73] : memref<1x128xf32, #tpu.memory_space<vmem>>, vector<1x128xf32>
    %convert_element_type3A_75 = arith.truncf %get3A_74 : vector<1x128xf32> to vector<1x128xbf16>
    %convert_element_type3A_76 = arith.extf %convert_element_type3A_75 : vector<1x128xbf16> to vector<1x128xf32>
    %mul3A_77 = vector.broadcast %convert_element_type3A_76 : vector<1x128xf32> to vector<3200x128xf32>
    %mul3A_78 = arith.mulf %convert_element_type3A_71, %mul3A_77 : vector<3200x128xf32>
    %convert_element_type3A_79 = arith.truncf %mul3A_78 : vector<3200x128xf32> to vector<3200x128xbf16>
    %convert_element_type3A_80 = arith.extf %convert_element_type3A_79 : vector<3200x128xbf16> to vector<3200x128xf32>
    %sub3A_81 = arith.subf %mul3A_78, %convert_element_type3A_80 : vector<3200x128xf32>
    %concatenate3A_82 = tpu.concatenate %convert_element_type3A_80, %sub3A_81 in 1 : vector<3200x128xf32>, vector<3200x128xf32> -> vector<3200x256xf32>
    %concatenate3A_83 = tpu.concatenate %convert_element_type3A_42, %convert_element_type3A_42 in 0 : vector<128x8xf32>, vector<128x8xf32> -> vector<256x8xf32>
    %dot_general3A_84 = arith.constant dense<0.000000e+00> : vector<3200x8xf32>
    %dot_general3A_85 = tpu.matmul %concatenate3A_82, %concatenate3A_83, %dot_general3A_84 {dimension_numbers = #tpu.dot_dimension_numbers<[1], [0], [0], [1], [0, 0, 1, 1], [], []>, transpose_lhs_hint = false} : vector<3200x256xf32>, vector<256x8xf32>, vector<3200x8xf32> -> vector<3200x8xf32>
    %div3A_86 = arith.divf %add3A_66, %dot_general3A_85 : vector<3200x8xf32>
    %swap3A = arith.constant 0 : index
    %swap3A_87 = arith.constant 0 : index
    %swap3A_88 = vector.load %arg10[%swap3A, %swap3A_87] : memref<3200x8xf32, #tpu.memory_space<vmem>>, vector<3200x8xf32>
    tpu.vector_store %arg10[%swap3A, %swap3A_87], %div3A_86 {strides = array<i32>} : memref<3200x8xf32, #tpu.memory_space<vmem>>, vector<3200x8xf32>,
    return
  }
  func.func @transform_0(%arg0: i32) -> (i32, i32) {
    %c0_i32 = arith.constant 0 : i32
    %c0_i32_0 = arith.constant 0 : i32
    return %arg0, %c0_i32 : i32, i32
  }
  func.func @transform_1(%arg0: i32) -> (i32, i32) {
    %c0_i32 = arith.constant 0 : i32
    %c0_i32_0 = arith.constant 0 : i32
    return %arg0, %c0_i32 : i32, i32
  }
  func.func @transform_2(%arg0: i32) -> (i32, i32) {
    %c0_i32 = arith.constant 0 : i32
    %c0_i32_0 = arith.constant 0 : i32
    return %arg0, %c0_i32 : i32, i32
  }
  func.func @transform_3(%arg0: i32) -> (i32, i32) {
    %c0_i32 = arith.constant 0 : i32
    %c0_i32_0 = arith.constant 0 : i32
    return %arg0, %c0_i32 : i32, i32
  }
  func.func @transform_4(%arg0: i32) -> (i32, i32) {
    %c0_i32 = arith.constant 0 : i32
    %c0_i32_0 = arith.constant 0 : i32
    %c0_i32_1 = arith.constant 0 : i32
    return %c0_i32, %c0_i32_0 : i32, i32
  }
  func.func @transform_5(%arg0: i32) -> (i32, i32) {
    %c0_i32 = arith.constant 0 : i32
    %c0_i32_0 = arith.constant 0 : i32
    %c0_i32_1 = arith.constant 0 : i32
    return %c0_i32, %c0_i32_0 : i32, i32
  }
  func.func @transform_6(%arg0: i32) -> (i32, i32) {
    %c0_i32 = arith.constant 0 : i32
    %c0_i32_0 = arith.constant 0 : i32
    %c0_i32_1 = arith.constant 0 : i32
    return %c0_i32, %c0_i32_0 : i32, i32
  }
  func.func @transform_7(%arg0: i32) -> (i32, i32) {
    %c0_i32 = arith.constant 0 : i32
    %c0_i32_0 = arith.constant 0 : i32
    %c0_i32_1 = arith.constant 0 : i32
    return %c0_i32, %c0_i32_0 : i32, i32
  }
  func.func @transform_8(%arg0: i32) -> (i32, i32) {
    %c0_i32 = arith.constant 0 : i32
    %c0_i32_0 = arith.constant 0 : i32
    %c0_i32_1 = arith.constant 0 : i32
    return %c0_i32, %c0_i32_0 : i32, i32
  }
  func.func @transform_9(%arg0: i32) -> (i32, i32) {
    %c0_i32 = arith.constant 0 : i32
    %c0_i32_0 = arith.constant 0 : i32
    return %arg0, %c0_i32 : i32, i32
  }
}

module attributes {stable_mosaic.version = 14 : i64} {
  func.func @_p4_body(%arg0: i32, %arg1: memref<2x1000x128xf32, #tpu.memory_space<vmem>>, %arg2: memref<1000x128xf32, #tpu.memory_space<vmem>>, %arg3: memref<128x128xf32, #tpu.memory_space<vmem>>, %arg4: memref<1x128xf32, #tpu.memory_space<vmem>>, %arg5: memref<1x128xf32, #tpu.memory_space<vmem>>, %arg6: memref<1x128xf32, #tpu.memory_space<vmem>>, %arg7: memref<128x512xf32, #tpu.memory_space<vmem>>, %arg8: memref<1x512xf32, #tpu.memory_space<vmem>>, %arg9: memref<512x128xf32, #tpu.memory_space<vmem>>, %arg10: memref<1x128xf32, #tpu.memory_space<vmem>>, %arg11: memref<1000x128xf32, #tpu.memory_space<vmem>>) attributes {dimension_semantics = [#tpu.dimension_semantics<arbitrary>], iteration_bounds = array<i64: 10>, scalar_prefetch = 0 : i64, scratch_operands = 0 : i64, tpu.core_type = #tpu.core_type<tc>, window_params = [{transform_indices = @transform_0, window_bounds = array<i64: 2, 1000, 128>}, {transform_indices = @transform_1, window_bounds = array<i64: 1000, 128>}, {pipeline_mode = #tpu.pipeline_mode<synchronous>, transform_indices = @transform_2, window_bounds = array<i64: 128, 128>}, {pipeline_mode = #tpu.pipeline_mode<synchronous>, transform_indices = @transform_3, window_bounds = array<i64: 1, 128>}, {pipeline_mode = #tpu.pipeline_mode<synchronous>, transform_indices = @transform_4, window_bounds = array<i64: 1, 128>}, {pipeline_mode = #tpu.pipeline_mode<synchronous>, transform_indices = @transform_5, window_bounds = array<i64: 1, 128>}, {pipeline_mode = #tpu.pipeline_mode<synchronous>, transform_indices = @transform_6, window_bounds = array<i64: 128, 512>}, {pipeline_mode = #tpu.pipeline_mode<synchronous>, transform_indices = @transform_7, window_bounds = array<i64: 1, 512>}, {pipeline_mode = #tpu.pipeline_mode<synchronous>, transform_indices = @transform_8, window_bounds = array<i64: 512, 128>}, {pipeline_mode = #tpu.pipeline_mode<synchronous>, transform_indices = @transform_9, window_bounds = array<i64: 1, 128>}, {transform_indices = @transform_10, window_bounds = array<i64: 1000, 128>}]} {
    %get3A = arith.constant 0 : index
    %get3A_0 = arith.constant 0 : index
    %get3A_1 = arith.constant 0 : index
    %get3A_2 = vector.load %arg1[%get3A, %get3A_0, %get3A_1] : memref<2x1000x128xf32, #tpu.memory_space<vmem>>, vector<1x1000x128xf32>
    %get3A_3 = vector.shape_cast %get3A_2 : vector<1x1000x128xf32> to vector<1000x128xf32>
    %get3A_4 = arith.constant 1 : index
    %get3A_5 = arith.constant 0 : index
    %get3A_6 = arith.constant 0 : index
    %get3A_7 = vector.load %arg1[%get3A_4, %get3A_5, %get3A_6] : memref<2x1000x128xf32, #tpu.memory_space<vmem>>, vector<1x1000x128xf32>
    %get3A_8 = vector.shape_cast %get3A_7 : vector<1x1000x128xf32> to vector<1000x128xf32>
    %add3A = arith.addf %get3A_3, %get3A_8 : vector<1000x128xf32>
    %get3A_9 = arith.constant 0 : index
    %get3A_10 = arith.constant 0 : index
    %get3A_11 = vector.load %arg3[%get3A_9, %get3A_10] : memref<128x128xf32, #tpu.memory_space<vmem>>, vector<128x128xf32>
    %dot_general3A = arith.constant dense<0.000000e+00> : vector<1000x128xf32>
    %dot_general3A_12 = tpu.matmul %add3A, %get3A_11, %dot_general3A {dimension_numbers = #tpu.dot_dimension_numbers<[1], [0], [0], [1], [0, 0, 1, 1], [], []>, transpose_lhs_hint = false} : vector<1000x128xf32>, vector<128x128xf32>, vector<1000x128xf32> -> vector<1000x128xf32>
    %get3A_13 = arith.constant 0 : index
    %get3A_14 = arith.constant 0 : index
    %get3A_15 = vector.load %arg4[%get3A_13, %get3A_14] : memref<1x128xf32, #tpu.memory_space<vmem>>, vector<1x128xf32>
    %add3A_16 = vector.broadcast %get3A_15 : vector<1x128xf32> to vector<1000x128xf32>
    %add3A_17 = arith.addf %dot_general3A_12, %add3A_16 : vector<1000x128xf32>
    %get3A_18 = arith.constant 0 : index
    %get3A_19 = arith.constant 0 : index
    %get3A_20 = vector.load %arg2[%get3A_18, %get3A_19] : memref<1000x128xf32, #tpu.memory_space<vmem>>, vector<1000x128xf32>
    %add3A_21 = arith.addf %add3A_17, %get3A_20 : vector<1000x128xf32>
    %reduce_sum3A = arith.constant dense<0.000000e+00> : vector<1000xf32>
    %reduce_sum3A_22 = vector.multi_reduction <add>, %add3A_21, %reduce_sum3A [1] : vector<1000x128xf32> to vector<1000xf32>
    %broadcast_in_dim3A = vector.shape_cast %reduce_sum3A_22 : vector<1000xf32> to vector<1000x1xf32>
    %div3A = arith.constant 1.280000e+02 : f32
    %div3A_23 = vector.broadcast %div3A : f32 to vector<1000x1xf32>
    %div3A_24 = arith.divf %broadcast_in_dim3A, %div3A_23 : vector<1000x1xf32>
    %sub3A = vector.broadcast %div3A_24 : vector<1000x1xf32> to vector<1000x128xf32>
    %sub3A_25 = arith.subf %add3A_21, %sub3A : vector<1000x128xf32>
    %square3A = arith.mulf %sub3A_25, %sub3A_25 : vector<1000x128xf32>
    %reduce_sum3A_26 = arith.constant dense<0.000000e+00> : vector<1000xf32>
    %reduce_sum3A_27 = vector.multi_reduction <add>, %square3A, %reduce_sum3A_26 [1] : vector<1000x128xf32> to vector<1000xf32>
    %broadcast_in_dim3A_28 = vector.shape_cast %reduce_sum3A_27 : vector<1000xf32> to vector<1000x1xf32>
    %div3A_29 = arith.constant 1.280000e+02 : f32
    %div3A_30 = vector.broadcast %div3A_29 : f32 to vector<1000x1xf32>
    %div3A_31 = arith.divf %broadcast_in_dim3A_28, %div3A_30 : vector<1000x1xf32>
    %sub3A_32 = vector.broadcast %div3A_24 : vector<1000x1xf32> to vector<1000x128xf32>
    %sub3A_33 = arith.subf %add3A_21, %sub3A_32 : vector<1000x128xf32>
    %add3A_34 = arith.constant 9.99999997E-7 : f32
    %add3A_35 = vector.broadcast %add3A_34 : f32 to vector<1000x1xf32>
    %add3A_36 = arith.addf %div3A_31, %add3A_35 : vector<1000x1xf32>
    %sqrt3A = math.sqrt %add3A_36 : vector<1000x1xf32>
    %div3A_37 = vector.broadcast %sqrt3A : vector<1000x1xf32> to vector<1000x128xf32>
    %div3A_38 = arith.divf %sub3A_33, %div3A_37 : vector<1000x128xf32>
    %get3A_39 = arith.constant 0 : index
    %get3A_40 = arith.constant 0 : index
    %get3A_41 = vector.load %arg5[%get3A_39, %get3A_40] : memref<1x128xf32, #tpu.memory_space<vmem>>, vector<1x128xf32>
    %mul3A = vector.broadcast %get3A_41 : vector<1x128xf32> to vector<1000x128xf32>
    %mul3A_42 = arith.mulf %div3A_38, %mul3A : vector<1000x128xf32>
    %get3A_43 = arith.constant 0 : index
    %get3A_44 = arith.constant 0 : index
    %get3A_45 = vector.load %arg6[%get3A_43, %get3A_44] : memref<1x128xf32, #tpu.memory_space<vmem>>, vector<1x128xf32>
    %add3A_46 = vector.broadcast %get3A_45 : vector<1x128xf32> to vector<1000x128xf32>
    %add3A_47 = arith.addf %mul3A_42, %add3A_46 : vector<1000x128xf32>
    %get3A_48 = arith.constant 0 : index
    %get3A_49 = arith.constant 0 : index
    %get3A_50 = vector.load %arg7[%get3A_48, %get3A_49] : memref<128x512xf32, #tpu.memory_space<vmem>>, vector<128x512xf32>
    %dot_general3A_51 = arith.constant dense<0.000000e+00> : vector<1000x512xf32>
    %dot_general3A_52 = tpu.matmul %add3A_47, %get3A_50, %dot_general3A_51 {dimension_numbers = #tpu.dot_dimension_numbers<[1], [0], [0], [1], [0, 0, 1, 1], [], []>, transpose_lhs_hint = false} : vector<1000x128xf32>, vector<128x512xf32>, vector<1000x512xf32> -> vector<1000x512xf32>
    %get3A_53 = arith.constant 0 : index
    %get3A_54 = arith.constant 0 : index
    %get3A_55 = vector.load %arg8[%get3A_53, %get3A_54] : memref<1x512xf32, #tpu.memory_space<vmem>>, vector<1x512xf32>
    %add3A_56 = vector.broadcast %get3A_55 : vector<1x512xf32> to vector<1000x512xf32>
    %add3A_57 = arith.addf %dot_general3A_52, %add3A_56 : vector<1000x512xf32>
    %max3A = arith.constant 0.000000e+00 : f32
    %max3A_58 = vector.broadcast %max3A : f32 to vector<1000x512xf32>
    %max3A_59 = arith.maximumf %add3A_57, %max3A_58 : vector<1000x512xf32>
    %get3A_60 = arith.constant 0 : index
    %get3A_61 = arith.constant 0 : index
    %get3A_62 = vector.load %arg9[%get3A_60, %get3A_61] : memref<512x128xf32, #tpu.memory_space<vmem>>, vector<512x128xf32>
    %dot_general3A_63 = arith.constant dense<0.000000e+00> : vector<1000x128xf32>
    %dot_general3A_64 = tpu.matmul %max3A_59, %get3A_62, %dot_general3A_63 {dimension_numbers = #tpu.dot_dimension_numbers<[1], [0], [0], [1], [0, 0, 1, 1], [], []>, transpose_lhs_hint = false} : vector<1000x512xf32>, vector<512x128xf32>, vector<1000x128xf32> -> vector<1000x128xf32>
    %get3A_65 = arith.constant 0 : index
    %get3A_66 = arith.constant 0 : index
    %get3A_67 = vector.load %arg10[%get3A_65, %get3A_66] : memref<1x128xf32, #tpu.memory_space<vmem>>, vector<1x128xf32>
    %add3A_68 = vector.broadcast %get3A_67 : vector<1x128xf32> to vector<1000x128xf32>
    %add3A_69 = arith.addf %dot_general3A_64, %add3A_68 : vector<1000x128xf32>
    %add3A_70 = arith.addf %add3A_21, %add3A_69 : vector<1000x128xf32>
    %swap3A = arith.constant 0 : index
    %swap3A_71 = arith.constant 0 : index
    %swap3A_72 = vector.load %arg11[%swap3A, %swap3A_71] : memref<1000x128xf32, #tpu.memory_space<vmem>>, vector<1000x128xf32>
    tpu.vector_store %arg11[%swap3A, %swap3A_71], %add3A_70 {strides = array<i32>} : memref<1000x128xf32, #tpu.memory_space<vmem>>, vector<1000x128xf32>,
    return
  }
  func.func @transform_0(%arg0: i32) -> (i32, i32, i32) {
    %c0_i32 = arith.constant 0 : i32
    %c0_i32_0 = arith.constant 0 : i32
    %c0_i32_1 = arith.constant 0 : i32
    return %c0_i32, %arg0, %c0_i32_0 : i32, i32, i32
  }
  func.func @transform_1(%arg0: i32) -> (i32, i32) {
    %c0_i32 = arith.constant 0 : i32
    %c0_i32_0 = arith.constant 0 : i32
    return %arg0, %c0_i32 : i32, i32
  }
  func.func @transform_2(%arg0: i32) -> (i32, i32) {
    %c0_i32 = arith.constant 0 : i32
    %c0_i32_0 = arith.constant 0 : i32
    %c0_i32_1 = arith.constant 0 : i32
    return %c0_i32, %c0_i32_0 : i32, i32
  }
  func.func @transform_3(%arg0: i32) -> (i32, i32) {
    %c0_i32 = arith.constant 0 : i32
    %c0_i32_0 = arith.constant 0 : i32
    %c0_i32_1 = arith.constant 0 : i32
    return %c0_i32, %c0_i32_0 : i32, i32
  }
  func.func @transform_4(%arg0: i32) -> (i32, i32) {
    %c0_i32 = arith.constant 0 : i32
    %c0_i32_0 = arith.constant 0 : i32
    %c0_i32_1 = arith.constant 0 : i32
    return %c0_i32, %c0_i32_0 : i32, i32
  }
  func.func @transform_5(%arg0: i32) -> (i32, i32) {
    %c0_i32 = arith.constant 0 : i32
    %c0_i32_0 = arith.constant 0 : i32
    %c0_i32_1 = arith.constant 0 : i32
    return %c0_i32, %c0_i32_0 : i32, i32
  }
  func.func @transform_6(%arg0: i32) -> (i32, i32) {
    %c0_i32 = arith.constant 0 : i32
    %c0_i32_0 = arith.constant 0 : i32
    %c0_i32_1 = arith.constant 0 : i32
    return %c0_i32, %c0_i32_0 : i32, i32
  }
  func.func @transform_7(%arg0: i32) -> (i32, i32) {
    %c0_i32 = arith.constant 0 : i32
    %c0_i32_0 = arith.constant 0 : i32
    %c0_i32_1 = arith.constant 0 : i32
    return %c0_i32, %c0_i32_0 : i32, i32
  }
  func.func @transform_8(%arg0: i32) -> (i32, i32) {
    %c0_i32 = arith.constant 0 : i32
    %c0_i32_0 = arith.constant 0 : i32
    %c0_i32_1 = arith.constant 0 : i32
    return %c0_i32, %c0_i32_0 : i32, i32
  }
  func.func @transform_9(%arg0: i32) -> (i32, i32) {
    %c0_i32 = arith.constant 0 : i32
    %c0_i32_0 = arith.constant 0 : i32
    %c0_i32_1 = arith.constant 0 : i32
    return %c0_i32, %c0_i32_0 : i32, i32
  }
  func.func @transform_10(%arg0: i32) -> (i32, i32) {
    %c0_i32 = arith.constant 0 : i32
    %c0_i32_0 = arith.constant 0 : i32
    return %arg0, %c0_i32 : i32, i32
  }
}

</mosaic_0001>

<sc_bundles>
// kernel: kernel.6.cloned.1.call-start
scs
__scs_entry_jumppad:
0x0: {  	(pc) =	sbr.rel $0x88, $3  }
0x1: {  	(tag) =	ssettag $0x0;
	lr =	simm.s32 $0x1  }
0x2: {  	[smem:$0x3F89] =	sst lr;
	_ =	strace $0xD0000000  }
0x3: {  	_ = 	snop  }
0x4: {  	_ = 	snop  }
0x5: {  	_ = 	snop  }
0x6: {  	_ = 	snop  }
0x7: {  	_ = 	snop  }
__scs_overlays_trampoline_lowered:
0x8: {  	[smem:$0x3F98] =	sst s0  }
0x9: {  	[smem:$0x3F99] =	sst s1  }
0xa: {  	[smem:$0x3F9A] =	sst s2  }
0xb: {  	[smem:$0x3F9B] =	sst s3  }
0xc: {  	[smem:$0x3F9C] =	sst s4  }
0xd: {  	[smem:$0x3F9D] =	sst s5  }
0xe: {  	[smem:$0x3F9E] =	sst s6  }
0xf: {  	[smem:$0x3F9F] =	sst s7  }
0x10: {  	[smem:$0x3FA0] =	sst s8  }
0x11: {  	[smem:$0x3FA1] =	sst s9;
	s0 =	simm.s32 @!p0 $0x0  }
0x12: {  	s1 =	sld [smem:$0x3F87];
	s0 =	simm.s32 @p0 $0x1  }
0x13: {  	[smem:$0x3FA2] =	sst s0;
	s0 =	simm.s32 @!p1 $0x0  }
0x14: {  	s2 =	sld [smem:$0x3F86];
	s0 =	simm.s32 @p1 $0x1  }
0x15: {  	[smem:$0x3FA3] =	sst s0;
	s0 =	simm.s32 @!p2 $0x0  }
0x16: {  	s3 =	sld [smem:$0x3FDB];
	s0 =	simm.s32 @p2 $0x1  }
0x17: {  	s4 =	simm.s32 $0x1BF5;
	[smem:$0x3FA5] =	sst s0  }
0x18: {  	s0 =	sld [smem:$0x3F88];
	_ =	swait.ge [sflag:s4], $0x0  }
0x19: {  	s7 =	sld [smem:$0x3F89]  }
0x1a: {  	s8 =	sadd.s32 $0xFFFFE003, lr  }
0x1b: {  	s9 =	sadd.s32 $0xFFFFFEF7, lr;
	s5 =	simm.s32 $0xFFFFFFFF;
	p2 =	slt.u32 s8, $0xFFFFF086  }
0x1c: {  	p1 =	slt.u32 s9, $0xF7A;
	s5 =	simm.s32 @!p2 $0x0  }
0x1d: {  	s5 =	simm.s32 @p1 $0x1;
	p0 =	seq.s32 s7, s2  }
0x1e: {  	s7 =	smul.u32 @!p0 $0xF7A, s2;
	p2 =	seq.s32 @!p0 s5, $0x0  }
0x1f: {  	s9 =	smul.u32 $0xF7A, s1;
	s8 =	simm.s32 @!p0 $0x1BF5;
	p2 =	por !p2, p0  }
0x20: {  	[sflag:s8] =	ssyncset.s32 @!p0 $0xFFFFF086;
	s6 =	sadd.s32 @!p0 s3, s7;
	s7 =	simm.s32 @!p0 $0x108  }
0x21: {  	s3 =	sadd.s32 s3, s9;
	s6 =	sadd.s32 @!p0 $0x88, s6;
	s7 =	simm.s32 @p2 $0x1082  }
0x22: {  	[simem:s7], [sflag:s8] =	dma.local @!p0 [hbm:s6], $0xF7A  }
0x23: {  	s9 =	sor.u32 $0xD0000000, s2;
	s6 =	simm.s32 $0x108;
	_ =	swait.ge @!p0 [sflag:s8], $0x0  }
0x24: {  	s3 =	sadd.s32 $0x88, s3;
	s6 =	simm.s32 @!p1 $0x1082;
	[sflag:s4] =	ssyncset.s32 $0xFFFFF086  }
0x25: {  	[simem:s6], [sflag:s4] =	dma.local [hbm:s3], $0xF7A  }
0x26: {  	[smem:$0x3F89] =	sst s1;
	(tag) =	ssettag s2;
	_ =	strace s9  }
0x27: {  	s1 =	sld [smem:$0x3F99]  }
0x28: {  	s2 =	sld [smem:$0x3F9A]  }
0x29: {  	s4 =	sld [smem:$0x3F9C]  }
0x2a: {  	p0 =	seq.s32 s5, $0x0;
	s5 =	sld [smem:$0x3F9D]  }
0x2b: {  	s6 =	sld [smem:$0x3F9E]  }
0x2c: {  	s7 =	sld [smem:$0x3F9F]  }
0x2d: {  	s3 =	simm.s32 $0x108;
	s8 =	sld [smem:$0x3FA0]  }
0x2e: {  	s3 =	simm.s32 @!p0 $0x1082;
	s9 =	sld [smem:$0x3FA1]  }
0x2f: {  	lr =	sadd.s32 s0, s3;
	s0 =	sld [smem:$0x3F98]  }
0x30: {  	s3 =	sld [smem:$0x3F9B]  }
0x31: {  	[smem:$0x3FA4] =	sst s10  }
0x32: {  	s10 =	sld [smem:$0x3FA2];
	_ =	sdelay $0x3  }
0x33: {  	p0 =	seq.s32 s10, $0x1;
	s10 =	sld [smem:$0x3FA4];
	_ =	sdelay $0x3  }
0x34: {  	[smem:$0x3FA4] =	sst s10  }
0x35: {  	s10 =	sld [smem:$0x3FA3];
	_ =	sdelay $0x3  }
0x36: {  	p1 =	seq.s32 s10, $0x1;
	s10 =	sld [smem:$0x3FA4];
	_ =	sdelay $0x3  }
0x37: {  	[smem:$0x3FA4] =	sst s10  }
0x38: {  	s10 =	sld [smem:$0x3FA5]  }
0x39: {  	_ = 	snop;
	(pc) =	sbr.ind lr, $3  }
0x3a: {  	_ = 	snop  }
0x3b: {  	_ = 	snop  }
0x3c: {  	p2 =	seq.s32 s10, $0x1;
	s10 =	sld [smem:$0x3FA4]  }
0x3d: {  	_ =	shalt  }
0x3e: {  	_ =	shalt  }
0x3f: {  	_ =	shalt  }
0x40: {  	_ =	shalt  }
0x41: {  	_ =	shalt  }
0x42: {  	_ =	shalt  }
0x43: {  	_ =	shalt  }
0x44: {  	_ =	shalt  }
0x45: {  	_ =	shalt  }
0x46: {  	_ =	shalt  }
0x47: {  	_ =	shalt  }
0x48: {  	_ =	shalt  }
0x49: {  	_ =	shalt  }
0x4a: {  	_ =	shalt  }
0x4b: {  	_ =	shalt  }
0x4c: {  	_ =	shalt  }
0x4d: {  	_ =	shalt  }
0x4e: {  	_ =	shalt  }
0x4f: {  	_ =	shalt  }
0x50: {  	_ =	shalt  }
0x51: {  	_ =	shalt  }
0x52: {  	_ =	shalt  }
0x53: {  	_ =	shalt  }
0x54: {  	_ =	shalt  }
0x55: {  	_ =	shalt  }
0x56: {  	_ =	shalt  }
0x57: {  	_ =	shalt  }
0x58: {  	_ =	shalt  }
0x59: {  	_ =	shalt  }
0x5a: {  	_ =	shalt  }
0x5b: {  	_ =	shalt  }
0x5c: {  	_ =	shalt  }
0x5d: {  	_ =	shalt  }
0x5e: {  	_ =	shalt  }
0x5f: {  	_ =	shalt  }
0x60: {  	_ =	shalt  }
0x61: {  	_ =	shalt  }
0x62: {  	_ =	shalt  }
0x63: {  	_ =	shalt  }
0x64: {  	_ =	shalt  }
0x65: {  	_ =	shalt  }
0x66: {  	_ =	shalt  }
0x67: {  	_ =	shalt  }
0x68: {  	_ =	shalt  }
0x69: {  	_ =	shalt  }
0x6a: {  	_ =	shalt  }
0x6b: {  	_ =	shalt  }
0x6c: {  	_ =	shalt  }
0x6d: {  	_ =	shalt  }
0x6e: {  	_ =	shalt  }
0x6f: {  	_ =	shalt  }
0x70: {  	_ =	shalt  }
0x71: {  	_ =	shalt  }
0x72: {  	_ =	shalt  }
0x73: {  	_ =	shalt  }
0x74: {  	_ =	shalt  }
0x75: {  	_ =	shalt  }
0x76: {  	_ =	shalt  }
0x77: {  	_ =	shalt  }
0x78: {  	_ =	shalt  }
0x79: {  	_ =	shalt  }
0x7a: {  	_ =	shalt  }
0x7b: {  	_ =	shalt  }
0x7c: {  	_ =	shalt  }
0x7d: {  	_ =	shalt  }
0x7e: {  	_ =	shalt  }
0x7f: {  	_ =	shalt  }
0x80: {  	_ =	shalt  }
0x81: {  	_ =	shalt  }
0x82: {  	_ =	shalt  }
0x83: {  	_ =	shalt  }
0x84: {  	_ =	shalt  }
0x85: {  	_ =	shalt  }
0x86: {  	_ =	shalt  }
0x87: {  	_ =	shalt  }
.Lfunc_end0:
.L_simem_size_0:
called_computation_lowered:
.L_overlay_start_0:
0x88: {  	s2 =	sld [smem:$0x3FD9]  }
0x89: {  	s3 =	sld [smem:$0x3FFE];
	_ =	sdelay $0x1  }
0x8a: {  	s1 =	srdreg.scid  }
0x8b: {  	s0 =	sand.u32 $0x1, s1  }
0x8c: {  	s14 =	sshll.u32 s0, $0xA;
	s2 =	sadd.s32 s3, s2  }
0x8d: {  	s2 =	sadd.s32 s2, s14  }
0x8e: {  	[smem:$0x3FB0] =	sst s2  }
0x8f: {  	_ = 	snop  }
0x90: {  	s2 =	sld [smem:$0x3FD0];
	_ =	sdelay $0x2  }
0x91: {  	s15 =	simm.s32 $0xA;
	s4 =	simm.s32 $0x10  }
0x92: {  	[smem:s4], [sflag:s15] =	dma.local [hbm:s2], $0x1  }
0x93: {  	_ =	swait.eq [sflag:s15], $0x1  }
0x94: {  	[sflag:s15] =	ssyncset.done $0x0  }
0x95: {  	s16 =	sld [smem:$0x10];
	[sflag:s15] =	ssyncadd.s32 $0xFFFFFFFF  }
0x96: {  	s17 =	sld [smem:$0x11];
	(tm) =	ssettm $0x1  }
0x97: {  	s18 =	sld [smem:$0x3FFB];
	_ =	sdelay $0x3  }
0x98: {  	_ =	strace s18  }
0x99: {  	s4 =	sld [smem:$0x3FFC];
	_ =	sdelay $0x3  }
0x9a: {  	_ =	strace s4  }
0x9b: {  	s4 =	sld [smem:$0x3FFD];
	_ =	sdelay $0x3  }
0x9c: {  	_ =	strace s4  }
0x9d: {  	_ =	strace $0x8FFFFFFF  }
0x9e: {  	s19 =	sld [smem:$0x3FDB];
	_ =	sdelay $0x1  }
0x9f: {  	s5 =	simm.s32 $_scs_section_size  }
0xa0: {  	s6 =	simm.s32 $_size__tile_overlayer_lowered;
	s7 =	simm.s32 $_tile_overlayer_lowered  }
0xa1: {  	s22 =	simm.s32 $0x1BFF;
	s21 =	sshll.u32 s7, $0x1;
	s4 =	sadd.s32 s5, s19  }
0xa2: {  	s8 =	simm.s32 $0x0;
	s20 =	sshll.u32 s6, $0x1;
	s6 =	sadd.s32 s21, s4  }
0xa3: {  	[timem:s8], [sflag:s22] =	dma.local [hbm:s6], s20  }
0xa4: {  	_ =	swait.ge [sflag:s22], s20  }
0xa5: {  	s5 =	ssub.s32 $0x0, s20;
	[sflag:s22] =	ssyncset.done $0x0  }
0xa6: {  	[sflag:s22] =	ssyncadd.s32 s5;
	_ =	sdelay $0x1  }
0xa7: {  	s23 =	simm.s32 $0x1B8B  }
0xa8: {  	_ =	swait.ge [sflag:s23], $0x1  }
0xa9: {  	[sflag:s23] =	ssyncset.done $0x0  }
0xaa: {  	s25 =	simm.s32 $0x1B8E;
	s24 =	sld [smem:$0x3FFE];
	[sflag:s23] =	ssyncadd.s32 $0xFFFFFFFF  }
0xab: {  	s26 =	simm.s32 $execute0_lowered;
	[smem:$0x3FD2] =	sst s25  }
0xac: {  	s6 =	sshll.u32 s26, $0x1;
	_ =	strace $0x80000046;
	[dreg:$0x1] =	wrdreg $0xFFFFFFFF  }
0xad: {  	s28 =	simm.s32 $_size_execute0_lowered;
	s4 =	sadd.s32 s4, s6;
	[dreg:$0x0] =	wrdreg $0x0  }
0xae: {  	s6 =	sshll.u32 s28, $0x1;
	[dreg:$0x2] =	wrdreg s4  }
0xaf: {  	[dreg:$0x3] =	wrdreg s6  }
0xb0: {  	[dreg:$0x4] =	wrdreg $0xC0  }
0xb1: {  	_ =	task [dreg:s8], $0x5FFFF  }
0xb2: {  	[dreg:$0x1] =	wrdreg $0xFFFFFFFF  }
0xb3: {  	[dreg:$0x0] =	wrdreg $0x60  }
0xb4: {  	[dreg:$0x2] =	wrdreg s16  }
0xb5: {  	[dreg:$0x3] =	wrdreg s17  }
0xb6: {  	[dreg:$0x4] =	wrdreg s24  }
0xb7: {  	[dreg:$0x5] =	wrdreg $0x7A000  }
0xb8: {  	[dreg:$0x6] =	wrdreg $0x9  }
0xb9: {  	_ =	task.clear_ibuf [dreg:s8], $0x7FFFF;
	_ =	strace $0x90000046  }
0xba: {  	s29 =	simm.s32 $0x9;
	_ =	strace $0x80000048  }
0xbb: {  	_ =	swait.ge [sflag:s29], $0x1  }
0xbc: {  	[sflag:s29] =	ssyncadd.s32 $0xFFFFFFFF  }
0xbd: {  	_ =	strace $0x90000048  }
0xbe: {  	_ =	sfence  }
0xbf: {  	s30 =	sld [smem:$0x0];
	_ =	sdelay $0x2  }
0xc0: {  	s31 =	sshll.u32 s1, $0xD;
	s1 =	sshrl.u32 s1, $0x2  }
0xc1: {  	s3 =	sand.u32 $0x4000, s31;
	s1 =	sadd.s32 s1, s30  }
0xc2: {  	s0 =	sor.u32 s3, s0;
	s1 =	sshll.u32 s1, $0x11  }
0xc3: {  	s0 =	sor.u32 s1, s0  }
0xc4: {  	s0 =	sadd.s32 $0x8F2B, s0  }
0xc5: {  	[sflag:s0] =	ssyncadd.remote.s32 $0x1  }
0xc6: {  	_ =	sfence.sel $0xFFFF  }
0xc7: {  	[dreg:$0x0] =	wrdreg $0xFFFFFFFF;
	(pc) =	sbr.abs _section_cstart, $3  }
0xc8: {  	[dreg:$0x1] =	wrdreg $0xFFFFFFFF  }
0xc9: {  	_ =	task.clear_ibuf [dreg:s8], $0x2FFFF;
	_ =	strace $0x9FFFFFFF  }
0xca: {  	(tm) =	ssettm $0x7FFFFFFF  }
0xcb: {  	_ =	shalt  }
tec
execute0_lowered:
.L_overlay_start_1:
0x0: {  	(tag) =	ssettag $0x1  }
0x1: {  	s0 =	srdreg.scid  }
0x2: {  	s29 =	stileid.u32;
	s7 =	rddreg [dreg:$0x2]  }
0x3: {  	s19 =	sand.u32 $0x1, s0;
	s16 =	smul.u32 $0x280, s29;
	s20 =	sadd.s32 $0x3FE00, s7  }
0x4: {  	s28 =	smul.u32 $0x27100, s29;
	s0 =	ssub.s32 $0x2, s19;
	s2 =	sshll.u32 s19, $0x4  }
0x5: {  	s21 =	smul.u32 $0x2800, s19;
	s1 =	sshrl.u32 s0, $0x1;
	s3 =	sor.u32 s29, s2  }
0x6: {  	s18 =	sor.u32 $0x28, s16;
	s14 =	sor.u32 $0x50, s16;
	s15 =	sor.u32 $0x78, s16  }
0x7: {  	s17 =	sadd.s32 $0xA0, s16;
	s11 =	sadd.s32 $0xC8, s16;
	s12 =	sadd.s32 $0xF0, s16  }
0x8: {  	s13 =	sadd.s32 $0x118, s16;
	s8 =	sadd.s32 $0x140, s16;
	s9 =	sadd.s32 $0x168, s16  }
0x9: {  	s31 =	sadd.s32 $0x190, s16;
	s4 =	sadd.s32 $0x1B8, s16;
	s5 =	sadd.s32 $0x1E0, s16  }
0xa: {  	s2 =	sadd.s32 $0x258, s16;
	s0 =	ssub.s32 s0, s1;
	s22 =	smul.u32 $0x138800, s3  }
0xb: {  	s1 =	sadd.s32 $0x230, s16;
	s3 =	smul.u32 $0x2710, s3;
	s23 =	sadd.s32 s21, s18  }
0xc: {  	s26 =	sadd.s32 s21, s14;
	s10 =	sadd.s32 s21, s15;
	s24 =	sadd.s32 s21, s17  }
0xd: {  	s18 =	sshll.u32 s18, $0x7;
	[smem:$0x7EF] =	sst s0;
	s0 =	sadd.s32 $0x208, s16  }
0xe: {  	s16 =	sadd.s32 s16, s21;
	s25 =	sshll.u32 s23, $0x4;
	s6 =	sshll.u32 s26, $0x4  }
0xf: {  	s23 =	sshll.u32 s10, $0x4;
	s26 =	sadd.s32 s21, s11;
	s16 =	sshll.u32 s16, $0x4  }
0x10: {  	s10 =	sadd.s32 s21, s12;
	s11 =	sshll.u32 s11, $0x7;
	s16 =	sadd.s32 s20, s16  }
0x11: {  	s12 =	sshll.u32 s12, $0x7;
	s22 =	sshrl.u32 s22, $0x3;
	[dreg:$0x7] =	wrdreg s16  }
0x12: {  	s16 =	sadd.s32 s20, s25;
	s25 =	sshll.u32 s24, $0x4;
	s24 =	sadd.s32 s21, s13  }
0x13: {  	s13 =	sshll.u32 s13, $0x7;
	[dreg:$0x8] =	wrdreg s16;
	s16 =	sadd.s32 s20, s6  }
0x14: {  	s6 =	sshll.u32 s26, $0x4;
	s26 =	sadd.s32 s21, s8;
	[dreg:$0x9] =	wrdreg s16  }
0x15: {  	s16 =	sadd.s32 s20, s23;
	s23 =	sshll.u32 s10, $0x4;
	s10 =	sadd.s32 s21, s9  }
0x16: {  	[dreg:$0xa] =	wrdreg s16;
	s16 =	sadd.s32 s20, s25;
	s25 =	sshll.u32 s24, $0x4  }
0x17: {  	s24 =	sadd.s32 s21, s31;
	[dreg:$0xb] =	wrdreg s16;
	s16 =	sadd.s32 s20, s6  }
0x18: {  	s6 =	sshll.u32 s26, $0x4;
	s26 =	sadd.s32 s21, s4;
	[dreg:$0xc] =	wrdreg s16  }
0x19: {  	s16 =	sadd.s32 s20, s23;
	s23 =	sshll.u32 s10, $0x4;
	s10 =	sadd.s32 s21, s5  }
0x1a: {  	s5 =	sshll.u32 s5, $0x7;
	[dreg:$0xd] =	wrdreg s16;
	s16 =	sadd.s32 s20, s25  }
0x1b: {  	s25 =	sshll.u32 s24, $0x4;
	[dreg:$0xe] =	wrdreg s16;
	s16 =	sadd.s32 s20, s6  }
0x1c: {  	s24 =	sshll.u32 s10, $0x4;
	[dreg:$0xf] =	wrdreg s16;
	s16 =	sadd.s32 s20, s23  }
0x1d: {  	s6 =	sshll.u32 s26, $0x4;
	[dreg:$0x10] =	wrdreg s16;
	s16 =	sadd.s32 s20, s25  }
0x1e: {  	s23 =	sadd.s32 $0x26E8, s3;
	s25 =	sadd.s32 s21, s0;
	[dreg:$0x11] =	wrdreg s16  }
0x1f: {  	s16 =	sadd.s32 s20, s6;
	s26 =	sshll.u32 s25, $0x4;
	s6 =	sadd.s32 s21, s1  }
0x20: {  	s21 =	sadd.s32 s21, s2;
	[dreg:$0x12] =	wrdreg s16;
	s16 =	sadd.s32 s20, s24  }
0x21: {  	s10 =	sshll.u32 s6, $0x4;
	[dreg:$0x13] =	wrdreg s16;
	s16 =	sadd.s32 s20, s26  }
0x22: {  	s21 =	sshll.u32 s21, $0x4;
	[dreg:$0x14] =	wrdreg s16;
	s16 =	sadd.s32 s20, s10  }
0x23: {  	s20 =	sadd.s32 s20, s21;
	s21 =	sadd.s32 $0x26C00, s22;
	[dreg:$0x15] =	wrdreg s16  }
0x24: {  	s22 =	sadd.s32 $0x8FE00, s7;
	s16 =	simm.s32 $0x0;
	[dreg:$0x16] =	wrdreg s20  }
0x25: {  	s10 =	sadd.s32 $0x571E00, s7;
	s24 =	sadd.s32 s22, s21;
	[smem:$0x7FF] =	sst s16  }
0x26: {  	s3 =	sshrl.u32 s3, $0x3;
	s20 =	sadd.s32 s10, s21;
	[dreg:$0x17] =	wrdreg s24  }
0x27: {  	s6 =	sshll.u32 s23, $0x4;
	s26 =	smul.u32 $0x271000, s19;
	[dreg:$0x18] =	wrdreg s20  }
0x28: {  	s19 =	smul.u32 $0x27100, s19;
	s25 =	sadd.s32 s22, s6;
	s20 =	rddreg [dreg:$0x0]  }
0x29: {  	s21 =	sadd.s32 s26, s22;
	s22 =	sadd.s32 s26, s10;
	[dreg:$0x19] =	wrdreg s25  }
0x2a: {  	s24 =	sadd.s32 s10, s6;
	s25 =	rddreg [dreg:$0x3];
	s10 =	smul.u32 $0x2710, s29  }
0x2b: {  	s21 =	sadd.s32 s28, s21;
	s29 =	smul.u32 $0x50000, s29;
	[dreg:$0x1a] =	wrdreg s24  }
0x2c: {  	s26 =	sadd.s32 s28, s22;
	s28 =	sadd.s32 $0xEA00, s7;
	s24 =	rddreg [dreg:$0x1]  }
0x2d: {  	s22 =	sshll.u32 s17, $0x7;
	_ =	strace $0x80000047;
	[dreg:$0x5] =	wrdreg s21  }
0x2e: {  	s17 =	sadd.s32 s12, s25;
	s30 =	sadd.s32 s5, s25;
	[dreg:$0x6] =	wrdreg s26  }
0x2f: {  	s6 =	sshrl.u32 s29, $0x2;
	s26 =	sadd.s32 $0x18800, s7;
	[smem:$0x7EA] =	sst s17  }
0x30: {  	s29 =	sadd.s32 $0x4C00, s7;
	s7 =	sadd.s32 $0x3FA00, s7;
	[smem:$0x7FA] =	sst s30  }
0x31: {  	s19 =	sadd.s32 s10, s19;
	s10 =	sadd.s32 s18, s25;
	[dreg:$0x1b] =	wrdreg s7  }
0x32: {  	s21 =	sshll.u32 s15, $0x7;
	s15 =	sadd.s32 s11, s25;
	[smem:$0x7E9] =	sst s10  }
0x33: {  	s0 =	sshll.u32 s0, $0x7;
	s1 =	sshll.u32 s1, $0x7;
	[dreg:$0x1f] =	wrdreg s15  }
0x34: {  	s2 =	sshll.u32 s2, $0x7;
	s11 =	sadd.s32 s0, s25;
	s17 =	sld [smem:$0x7EF]  }
0x35: {  	s18 =	sshll.u32 s14, $0x7;
	s6 =	sadd.s32 s6, s25;
	[smem:$0x7FB] =	sst s11  }
0x36: {  	s7 =	sadd.s32 s18, s25;
	s14 =	sadd.s32 s21, s25;
	[smem:$0x7E8] =	sst s6  }
0x37: {  	s10 =	sadd.s32 s22, s25;
	s18 =	sshll.u32 s8, $0x7;
	[dreg:$0x1c] =	wrdreg s7  }
0x38: {  	s8 =	sadd.s32 s1, s25;
	[dreg:$0x1e] =	wrdreg s10;
	s10 =	sadd.s32 s13, s25  }
0x39: {  	s13 =	sadd.s32 s2, s25;
	s2 =	sadd.s32 s29, s3;
	[smem:$0x7FC] =	sst s8  }
0x3a: {  	s21 =	sshll.u32 s9, $0x7;
	s3 =	sadd.s32 s28, s3;
	[smem:$0x7EB] =	sst s2  }
0x3b: {  	s9 =	sadd.s32 s18, s25;
	s18 =	sadd.s32 $0x50, s19;
	[smem:$0x7EC] =	sst s3  }
0x3c: {  	s4 =	sshll.u32 s4, $0x7;
	s12 =	smov.u32 s14;
	[smem:$0x7F1] =	sst s18  }
0x3d: {  	s22 =	sshll.u32 s31, $0x7;
	s5 =	sadd.s32 $0x28, s19;
	[dreg:$0x1d] =	wrdreg s12  }
0x3e: {  	s31 =	simm.s32 $0x2A00;
	s1 =	simm.s32 $0x3E00;
	[smem:$0x7F5] =	sst s10  }
0x3f: {  	s6 =	sadd.s32 s21, s25;
	s21 =	sadd.s32 s22, s25;
	[smem:$0x7F6] =	sst s9  }
0x40: {  	s22 =	sadd.s32 s4, s25;
	s4 =	sshrl.u32 s23, $0x3;
	[smem:$0x7F7] =	sst s6  }
0x41: {  	s15 =	sshrl.u32 s5, $0x3;
	s5 =	simm.s32 $0x2;
	[smem:$0x7F8] =	sst s21  }
0x42: {  	s7 =	sadd.s32 s29, s4;
	s14 =	sadd.s32 s28, s4;
	[smem:$0x7F9] =	sst s22  }
0x43: {  	s19 =	sadd.s32 s15, s28;
	s23 =	sadd.s32 s15, s29;
	[smem:$0x7FD] =	sst s13  }
0x44: {  	s15 =	simm.s32 $0x3;
	s18 =	simm.s32 $0x28;
	[smem:$0x7ED] =	sst s7  }
0x45: {  	s2 =	simm.s32 $0x5200;
	s3 =	simm.s32 $0x6600;
	[smem:$0x7EE] =	sst s14  }
0x46: {  	s4 =	simm.s32 $0x1;
	s0 =	smax.u32 s17, $0x1;
	[smem:$0x7F2] =	sst s19  }
0x47: {  	[smem:$0x7F3] =	sst s23;
	s14 =	simm.s32 $0x200;
	s17 =	simm.s32 $0x100  }
0x48: {  	s19 =	simm.s32 $0x1600;
	s7 =	simm.s32 $0x0;
	[smem:$0x7F0] =	sst s0  }
0x49: {  	s23 =	simm.s32 $0x80;
	s0 =	simm.s32 $0x180;
	[smem:$0x7F4] =	sst s7  }
.LBB2_1:
0x4a: {  	s7 =	rddreg [dreg:$0x1b]  }
0x4b: {  	[tilespmem:s14], [sflag:$0x3] =	stream.linear.gather [hbm4b:s7+s16], $0x1400, $0x38;
	[tilespmem:$0x1BA00] =	vst v63  }
0x4c: {  	_ =	swait.ge [sflag:s15], $0x1400  }
0x4d: {  	s7 =	sld [smem:$0x7E8]  }
0x4e: {  	[sflag:s15] =	ssyncset.done $0x0  }
0x4f: {  	[sflag:s15] =	ssyncadd.s32 $0xFFFFEC00  }
0x50: {  	[spmem:s7] =	stream.linear.scatter [tilespmem:s14], [sflag:$0x3], $0x1400, $0x38;
	[tilespmem:$0x1BA00] =	vst v63  }
0x51: {  	_ =	swait.ge [sflag:s15], $0x1400  }
0x52: {  	s7 =	sld [smem:$0x7E9]  }
0x53: {  	[sflag:s15] =	ssyncset.done $0x0  }
0x54: {  	[sflag:s15] =	ssyncadd.s32 $0xFFFFEC00  }
0x55: {  	[spmem:s7] =	stream.linear.scatter [tilespmem:s14], [sflag:$0x3], $0x1400, $0x38;
	[tilespmem:$0x1BA00] =	vst v63  }
0x56: {  	_ =	swait.ge [sflag:s15], $0x1400  }
0x57: {  	[sflag:s15] =	ssyncset.done $0x0  }
0x58: {  	s7 =	rddreg [dreg:$0x1c];
	[sflag:s15] =	ssyncadd.s32 $0xFFFFEC00  }
0x59: {  	[spmem:s7] =	stream.linear.scatter [tilespmem:s14], [sflag:$0x3], $0x1400, $0x38;
	[tilespmem:$0x1BA00] =	vst v63  }
0x5a: {  	_ =	swait.ge [sflag:s15], $0x1400  }
0x5b: {  	[sflag:s15] =	ssyncset.done $0x0  }
0x5c: {  	[sflag:s15] =	ssyncadd.s32 $0xFFFFEC00  }
0x5d: {  	[spmem:s12] =	stream.linear.scatter [tilespmem:s14], [sflag:$0x3], $0x1400, $0x38;
	[tilespmem:$0x1BA00] =	vst v63  }
0x5e: {  	_ =	swait.ge [sflag:s15], $0x1400  }
0x5f: {  	[sflag:s15] =	ssyncset.done $0x0  }
0x60: {  	s12 =	rddreg [dreg:$0x1e];
	[sflag:s15] =	ssyncadd.s32 $0xFFFFEC00  }
0x61: {  	[spmem:s12] =	stream.linear.scatter [tilespmem:s14], [sflag:$0x3], $0x1400, $0x38;
	[tilespmem:$0x1BA00] =	vst v63  }
0x62: {  	_ =	swait.ge [sflag:s15], $0x1400  }
0x63: {  	[sflag:s15] =	ssyncset.done $0x0  }
0x64: {  	s12 =	rddreg [dreg:$0x1f];
	[sflag:s15] =	ssyncadd.s32 $0xFFFFEC00  }
0x65: {  	[spmem:s12] =	stream.linear.scatter [tilespmem:s14], [sflag:$0x3], $0x1400, $0x38;
	[tilespmem:$0x1BA00] =	vst v63  }
0x66: {  	_ =	swait.ge [sflag:s15], $0x1400  }
0x67: {  	s12 =	sld [smem:$0x7EA]  }
0x68: {  	[sflag:s15] =	ssyncset.done $0x0  }
0x69: {  	[sflag:s15] =	ssyncadd.s32 $0xFFFFEC00  }
0x6a: {  	[spmem:s12] =	stream.linear.scatter [tilespmem:s14], [sflag:$0x3], $0x1400, $0x38;
	[tilespmem:$0x1BA00] =	vst v63  }
0x6b: {  	_ =	swait.ge [sflag:s15], $0x1400  }
0x6c: {  	[sflag:s15] =	ssyncset.done $0x0  }
0x6d: {  	[sflag:s15] =	ssyncadd.s32 $0xFFFFEC00  }
0x6e: {  	[spmem:s10] =	stream.linear.scatter [tilespmem:s14], [sflag:$0x3], $0x1400, $0x38;
	[tilespmem:$0x1BA00] =	vst v63  }
0x6f: {  	_ =	swait.ge [sflag:s15], $0x1400  }
0x70: {  	[sflag:s15] =	ssyncset.done $0x0  }
0x71: {  	[sflag:s15] =	ssyncadd.s32 $0xFFFFEC00  }
0x72: {  	[spmem:s9] =	stream.linear.scatter [tilespmem:s14], [sflag:$0x3], $0x1400, $0x38;
	[tilespmem:$0x1BA00] =	vst v63  }
0x73: {  	_ =	swait.ge [sflag:s15], $0x1400  }
0x74: {  	[sflag:s15] =	ssyncset.done $0x0  }
0x75: {  	[sflag:s15] =	ssyncadd.s32 $0xFFFFEC00  }
0x76: {  	[spmem:s6] =	stream.linear.scatter [tilespmem:s14], [sflag:$0x3], $0x1400, $0x38;
	[tilespmem:$0x1BA00] =	vst v63  }
0x77: {  	_ =	swait.ge [sflag:s15], $0x1400  }
0x78: {  	[sflag:s15] =	ssyncset.done $0x0  }
0x79: {  	[sflag:s15] =	ssyncadd.s32 $0xFFFFEC00  }
0x7a: {  	[spmem:s21] =	stream.linear.scatter [tilespmem:s14], [sflag:$0x3], $0x1400, $0x38;
	[tilespmem:$0x1BA00] =	vst v63  }
0x7b: {  	_ =	swait.ge [sflag:s15], $0x1400  }
0x7c: {  	[sflag:s15] =	ssyncset.done $0x0  }
0x7d: {  	[sflag:s15] =	ssyncadd.s32 $0xFFFFEC00  }
0x7e: {  	[spmem:s22] =	stream.linear.scatter [tilespmem:s14], [sflag:$0x3], $0x1400, $0x38;
	[tilespmem:$0x1BA00] =	vst v63  }
0x7f: {  	_ =	swait.ge [sflag:s15], $0x1400  }
0x80: {  	[sflag:s15] =	ssyncset.done $0x0  }
0x81: {  	[sflag:s15] =	ssyncadd.s32 $0xFFFFEC00  }
0x82: {  	[spmem:s30] =	stream.linear.scatter [tilespmem:s14], [sflag:$0x3], $0x1400, $0x38;
	[tilespmem:$0x1BA00] =	vst v63  }
0x83: {  	_ =	swait.ge [sflag:s15], $0x1400  }
0x84: {  	[sflag:s15] =	ssyncset.done $0x0  }
0x85: {  	[sflag:s15] =	ssyncadd.s32 $0xFFFFEC00  }
0x86: {  	[spmem:s11] =	stream.linear.scatter [tilespmem:s14], [sflag:$0x3], $0x1400, $0x38;
	[tilespmem:$0x1BA00] =	vst v63  }
0x87: {  	_ =	swait.ge [sflag:s15], $0x1400  }
0x88: {  	[sflag:s15] =	ssyncset.done $0x0  }
0x89: {  	[sflag:s15] =	ssyncadd.s32 $0xFFFFEC00  }
0x8a: {  	[spmem:s8] =	stream.linear.scatter [tilespmem:s14], [sflag:$0x3], $0x1400, $0x38;
	[tilespmem:$0x1BA00] =	vst v63  }
0x8b: {  	_ =	swait.ge [sflag:s15], $0x1400  }
0x8c: {  	[sflag:s15] =	ssyncset.done $0x0  }
0x8d: {  	[sflag:s15] =	ssyncadd.s32 $0xFFFFEC00  }
0x8e: {  	[spmem:s13] =	stream.linear.scatter [tilespmem:s14], [sflag:$0x3], $0x1400, $0x38;
	[tilespmem:$0x1BA00] =	vst v63  }
0x8f: {  	_ =	swait.ge [sflag:s15], $0x1400  }
0x90: {  	[sflag:s15] =	ssyncset.done $0x0  }
0x91: {  	[sflag:s15] =	ssyncadd.s32 $0xFFFFEC00  }
0x92: {  	[bflag:$0x0] =	sbarrier.arrive $0xFFFF  }
0x93: {  	s30 =	sld [smem:$0x7EB];
	_ =	sdelay $0x2  }
0x94: {  	[tilespmem:s16], [sflag:$0x3] =	stream.linear.gather [hbm4b:s30+s16], $0x28, $0x38;
	[tilespmem:$0x1BA00] =	vst v63  }
0x95: {  	_ =	swait.ge [sflag:s15], $0x28  }
0x96: {  	s7 =	sld [smem:$0x7EC]  }
0x97: {  	[sflag:s15] =	ssyncset.done $0x0  }
0x98: {  	[sflag:s15] =	ssyncadd.s32 $0xFFFFFFD8  }
0x99: {  	[tilespmem:s17], [sflag:$0x3] =	stream.linear.gather [hbm4b:s7+s16], $0x28, $0x38;
	[tilespmem:$0x1BA00] =	vst v63  }
0x9a: {  	_ =	swait.ge [sflag:s15], $0x28  }
0x9b: {  	[sflag:s15] =	ssyncset.done $0x0  }
0x9c: {  	[sflag:s15] =	ssyncadd.s32 $0xFFFFFFD8  }
0x9d: {  	[tilespmem:s14], [sflag:$0x1] =	stream.indirect.gather [hbm4b:s20+s18], $0x80, s16, s18, $0xb8;
	[tilespmem:$0x1BA00] =	vst v63  }
0x9e: {  	_ = 	snop  }
0x9f: {  	[tilespmem:s19], [sflag:$0x1] =	stream.indirect.gather [hbm4b:s24+s18], $0x80, s17, s18, $0xb8;
	[tilespmem:$0x1BA00] =	vst v63  }
0xa0: {  	s6 =	sld [smem:$0x7F3]  }
0xa1: {  	[tilespmem:s31], [sflag:$0x1] =	stream.indirect.gather [hbm4b:s26+s18], $0x80, s17, s18, $0xb8;
	[tilespmem:$0x1BA00] =	vst v63  }
0xa2: {  	_ = 	snop  }
0xa3: {  	[tilespmem:s23], [sflag:$0x3] =	stream.linear.gather [hbm4b:s6+s16], $0x28, $0x38;
	[tilespmem:$0x1BA00] =	vst v63  }
0xa4: {  	_ =	swait.ge [sflag:s15], $0x28  }
0xa5: {  	s22 =	sld [smem:$0x7F2]  }
0xa6: {  	[sflag:s15] =	ssyncset.done $0x0  }
0xa7: {  	[sflag:s15] =	ssyncadd.s32 $0xFFFFFFD8  }
0xa8: {  	[tilespmem:s0], [sflag:$0x3] =	stream.linear.gather [hbm4b:s22+s16], $0x28, $0x38;
	[tilespmem:$0x1BA00] =	vst v63  }
0xa9: {  	_ =	swait.ge [sflag:s15], $0x28  }
0xaa: {  	[sflag:s15] =	ssyncset.done $0x0  }
0xab: {  	[sflag:s15] =	ssyncadd.s32 $0xFFFFFFD8  }
0xac: {  	[tilespmem:s1], [sflag:$0x2] =	stream.indirect.gather [hbm4b:s20+s18], $0x80, s23, s18, $0xb8;
	[tilespmem:$0x1BA00] =	vst v63  }
0xad: {  	_ = 	snop  }
0xae: {  	[tilespmem:s2], [sflag:$0x2] =	stream.indirect.gather [hbm4b:s24+s18], $0x80, s0, s18, $0xb8;
	[tilespmem:$0x1BA00] =	vst v63  }
0xaf: {  	_ = 	snop  }
0xb0: {  	[tilespmem:s3], [sflag:$0x2] =	stream.indirect.gather [hbm4b:s26+s18], $0x80, s0, s18, $0xb8;
	[tilespmem:$0x1BA00] =	vst v63  }
0xb1: {  	_ =	swait.ge [sflag:s4], $0x1400  }
0xb2: {  	[sflag:s4] =	ssyncset.done $0x0  }
0xb3: {  	[sflag:s4] =	ssyncadd.s32 $0xFFFFEC00  }
0xb4: {  	_ =	swait.ge [sflag:s4], $0x1400  }
0xb5: {  	[sflag:s4] =	ssyncset.done $0x0  }
0xb6: {  	[sflag:s4] =	ssyncadd.s32 $0xFFFFEC00  }
0xb7: {  	_ =	swait.ge [sflag:s4], $0x1400  }
0xb8: {  	s8 =	rddreg [dreg:$0x5];
	[sflag:s4] =	ssyncset.done $0x0  }
0xb9: {  	[sflag:s4] =	ssyncadd.s32 $0xFFFFEC00;
	s7 =	sadd.s32 $0x0, s8  }
0xba: {  	[hbm4b:s7+s16] =	stream.linear.scatter [tilespmem:s14], [sflag:$0x3], $0x1400, $0x38;
	[tilespmem:$0x1BA00] =	vst v63  }
0xbb: {  	_ =	swait.ge [sflag:s15], $0x1400  }
0xbc: {  	s9 =	rddreg [dreg:$0x6];
	[sflag:s15] =	ssyncset.done $0x0  }
0xbd: {  	[sflag:s15] =	ssyncadd.s32 $0xFFFFEC00;
	s8 =	sadd.s32 $0x0, s9  }
0xbe: {  	[hbm4b:s8+s16] =	stream.linear.scatter [tilespmem:s19], [sflag:$0x3], $0x1400, $0x38;
	[tilespmem:$0x1BA00] =	vst v63  }
0xbf: {  	_ =	swait.ge [sflag:s15], $0x1400  }
0xc0: {  	[sflag:s15] =	ssyncset.done $0x0  }
0xc1: {  	[sflag:s15] =	ssyncadd.s32 $0xFFFFEC00  }
0xc2: {  	[spmem:s25] =	stream.indirect.scatter.add.f32 [tilespmem:s31], [sflag:$0x3], $0x80, s16, s18, $0xb8;
	[tilespmem:$0x1BA00] =	vst v63  }
0xc3: {  	_ =	swait.ge [sflag:s15], $0x1400  }
0xc4: {  	s21 =	sld [smem:$0x7F1];
	_ =	sdelay $0x2  }
0xc5: {  	[sflag:s15] =	ssyncset.done $0x0;
	s10 =	sshrl.u32 s21, $0x3  }
0xc6: {  	[sflag:s15] =	ssyncadd.s32 $0xFFFFEC00;
	s13 =	sadd.s32 s29, s10  }
0xc7: {  	[tilespmem:s16], [sflag:$0x3] =	stream.linear.gather [hbm4b:s13+s16], $0x28, $0x38;
	[tilespmem:$0x1BA00] =	vst v63  }
0xc8: {  	_ =	swait.ge [sflag:s15], $0x28  }
0xc9: {  	[sflag:s15] =	ssyncset.done $0x0  }
0xca: {  	s11 =	sadd.s32 s28, s10;
	[sflag:s15] =	ssyncadd.s32 $0xFFFFFFD8  }
0xcb: {  	[tilespmem:s17], [sflag:$0x3] =	stream.linear.gather [hbm4b:s11+s16], $0x28, $0x38;
	[tilespmem:$0x1BA00] =	vst v63  }
0xcc: {  	_ =	swait.ge [sflag:s15], $0x28  }
0xcd: {  	[sflag:s15] =	ssyncset.done $0x0  }
0xce: {  	[sflag:s15] =	ssyncadd.s32 $0xFFFFFFD8  }
0xcf: {  	[tilespmem:s14], [sflag:$0x1] =	stream.indirect.gather [hbm4b:s20+s18], $0x80, s16, s18, $0xb8;
	[tilespmem:$0x1BA00] =	vst v63  }
0xd0: {  	_ = 	snop  }
0xd1: {  	[tilespmem:s19], [sflag:$0x1] =	stream.indirect.gather [hbm4b:s24+s18], $0x80, s17, s18, $0xb8;
	[tilespmem:$0x1BA00] =	vst v63  }
0xd2: {  	_ = 	snop  }
0xd3: {  	[tilespmem:s31], [sflag:$0x1] =	stream.indirect.gather [hbm4b:s26+s18], $0x80, s17, s18, $0xb8;
	[tilespmem:$0x1BA00] =	vst v63  }
0xd4: {  	_ =	swait.ge [sflag:s5], $0x1400  }
0xd5: {  	[sflag:s5] =	ssyncset.done $0x0  }
0xd6: {  	[sflag:s5] =	ssyncadd.s32 $0xFFFFEC00  }
0xd7: {  	_ =	swait.ge [sflag:s5], $0x1400  }
0xd8: {  	[sflag:s5] =	ssyncset.done $0x0  }
0xd9: {  	[sflag:s5] =	ssyncadd.s32 $0xFFFFEC00  }
0xda: {  	_ =	swait.ge [sflag:s5], $0x1400  }
0xdb: {  	[sflag:s5] =	ssyncset.done $0x0  }
0xdc: {  	s7 =	sadd.s32 $0x280, s7;
	[sflag:s5] =	ssyncadd.s32 $0xFFFFEC00  }
0xdd: {  	[hbm4b:s7+s16] =	stream.linear.scatter [tilespmem:s1], [sflag:$0x3], $0x1400, $0x38;
	[tilespmem:$0x1BA00] =	vst v63  }
0xde: {  	_ =	swait.ge [sflag:s15], $0x1400  }
0xdf: {  	[sflag:s15] =	ssyncset.done $0x0  }
0xe0: {  	s30 =	sadd.s32 $0x280, s8;
	[sflag:s15] =	ssyncadd.s32 $0xFFFFEC00  }
0xe1: {  	[hbm4b:s30+s16] =	stream.linear.scatter [tilespmem:s2], [sflag:$0x3], $0x1400, $0x38;
	[tilespmem:$0x1BA00] =	vst v63  }
0xe2: {  	_ =	swait.ge [sflag:s15], $0x1400  }
0xe3: {  	[sflag:s15] =	ssyncset.done $0x0  }
0xe4: {  	[sflag:s15] =	ssyncadd.s32 $0xFFFFEC00  }
0xe5: {  	[spmem:s25] =	stream.indirect.scatter.add.f32 [tilespmem:s3], [sflag:$0x3], $0x80, s23, s18, $0xb8;
	[tilespmem:$0x1BA00] =	vst v63  }
0xe6: {  	_ =	swait.ge [sflag:s15], $0x1400  }
0xe7: {  	s8 =	sadd.s32 $0xA, s6;
	s7 =	simm.s32 $0x500;
	[sflag:s15] =	ssyncset.done $0x0  }
.LBB2_2:
0xe8: {  	[sflag:s15] =	ssyncadd.s32 $0xFFFFEC00  }
0xe9: {  	[tilespmem:s23], [sflag:$0x3] =	stream.linear.gather [hbm4b:s8+s16], $0x28, $0x38;
	[tilespmem:$0x1BA00] =	vst v63  }
0xea: {  	_ =	swait.ge [sflag:s15], $0x28  }
0xeb: {  	[sflag:s15] =	ssyncset.done $0x0  }
0xec: {  	s22 =	sadd.s32 $0xA, s22;
	[sflag:s15] =	ssyncadd.s32 $0xFFFFFFD8  }
0xed: {  	[tilespmem:s0], [sflag:$0x3] =	stream.linear.gather [hbm4b:s22+s16], $0x28, $0x38;
	[tilespmem:$0x1BA00] =	vst v63  }
0xee: {  	_ =	swait.ge [sflag:s15], $0x28  }
0xef: {  	[sflag:s15] =	ssyncset.done $0x0  }
0xf0: {  	[sflag:s15] =	ssyncadd.s32 $0xFFFFFFD8  }
0xf1: {  	[tilespmem:s1], [sflag:$0x2] =	stream.indirect.gather [hbm4b:s20+s18], $0x80, s23, s18, $0xb8;
	[tilespmem:$0x1BA00] =	vst v63  }
0xf2: {  	_ = 	snop  }
0xf3: {  	[tilespmem:s2], [sflag:$0x2] =	stream.indirect.gather [hbm4b:s24+s18], $0x80, s0, s18, $0xb8;
	[tilespmem:$0x1BA00] =	vst v63  }
0xf4: {  	_ = 	snop  }
0xf5: {  	[tilespmem:s3], [sflag:$0x2] =	stream.indirect.gather [hbm4b:s26+s18], $0x80, s0, s18, $0xb8;
	[tilespmem:$0x1BA00] =	vst v63  }
0xf6: {  	_ =	swait.ge [sflag:s4], $0x1400  }
0xf7: {  	[sflag:s4] =	ssyncset.done $0x0  }
0xf8: {  	[sflag:s4] =	ssyncadd.s32 $0xFFFFEC00  }
0xf9: {  	_ =	swait.ge [sflag:s4], $0x1400  }
0xfa: {  	[sflag:s4] =	ssyncset.done $0x0  }
0xfb: {  	[sflag:s4] =	ssyncadd.s32 $0xFFFFEC00  }
0xfc: {  	_ =	swait.ge [sflag:s4], $0x1400  }
0xfd: {  	s12 =	smov.u32 s7;
	s11 =	rddreg [dreg:$0x5];
	[sflag:s4] =	ssyncset.done $0x0  }
0xfe: {  	[sflag:s4] =	ssyncadd.s32 $0xFFFFEC00;
	s11 =	sadd.s32 s12, s11  }
0xff: {  	[hbm4b:s11+s16] =	stream.linear.scatter [tilespmem:s14], [sflag:$0x3], $0x1400, $0x38;
	[tilespmem:$0x1BA00] =	vst v63  }
0x100: {  	_ =	swait.ge [sflag:s15], $0x1400  }
0x101: {  	s13 =	rddreg [dreg:$0x6];
	[sflag:s15] =	ssyncset.done $0x0  }
0x102: {  	[sflag:s15] =	ssyncadd.s32 $0xFFFFEC00;
	s12 =	sadd.s32 s12, s13  }
0x103: {  	[hbm4b:s12+s16] =	stream.linear.scatter [tilespmem:s19], [sflag:$0x3], $0x1400, $0x38;
	[tilespmem:$0x1BA00] =	vst v63  }
0x104: {  	_ =	swait.ge [sflag:s15], $0x1400  }
0x105: {  	[sflag:s15] =	ssyncset.done $0x0  }
0x106: {  	[sflag:s15] =	ssyncadd.s32 $0xFFFFEC00  }
0x107: {  	[spmem:s25] =	stream.indirect.scatter.add.f32 [tilespmem:s31], [sflag:$0x3], $0x80, s16, s18, $0xb8;
	[tilespmem:$0x1BA00] =	vst v63  }
0x108: {  	s21 =	sadd.s32 $0x50, s21;
	_ =	swait.ge [sflag:s15], $0x1400  }
0x109: {  	s10 =	sshrl.u32 s21, $0x3;
	[sflag:s15] =	ssyncset.done $0x0  }
0x10a: {  	s30 =	sadd.s32 s29, s10;
	[sflag:s15] =	ssyncadd.s32 $0xFFFFEC00  }
0x10b: {  	[tilespmem:s16], [sflag:$0x3] =	stream.linear.gather [hbm4b:s30+s16], $0x28, $0x38;
	[tilespmem:$0x1BA00] =	vst v63  }
0x10c: {  	_ =	swait.ge [sflag:s15], $0x28  }
0x10d: {  	[sflag:s15] =	ssyncset.done $0x0  }
0x10e: {  	s13 =	sadd.s32 s28, s10;
	[sflag:s15] =	ssyncadd.s32 $0xFFFFFFD8  }
0x10f: {  	[tilespmem:s17], [sflag:$0x3] =	stream.linear.gather [hbm4b:s13+s16], $0x28, $0x38;
	[tilespmem:$0x1BA00] =	vst v63  }
0x110: {  	_ =	swait.ge [sflag:s15], $0x28  }
0x111: {  	[sflag:s15] =	ssyncset.done $0x0  }
0x112: {  	[sflag:s15] =	ssyncadd.s32 $0xFFFFFFD8  }
0x113: {  	[tilespmem:s14], [sflag:$0x1] =	stream.indirect.gather [hbm4b:s20+s18], $0x80, s16, s18, $0xb8;
	[tilespmem:$0x1BA00] =	vst v63  }
0x114: {  	_ = 	snop  }
0x115: {  	[tilespmem:s19], [sflag:$0x1] =	stream.indirect.gather [hbm4b:s24+s18], $0x80, s17, s18, $0xb8;
	[tilespmem:$0x1BA00] =	vst v63  }
0x116: {  	_ = 	snop  }
0x117: {  	[tilespmem:s31], [sflag:$0x1] =	stream.indirect.gather [hbm4b:s26+s18], $0x80, s17, s18, $0xb8;
	[tilespmem:$0x1BA00] =	vst v63  }
0x118: {  	_ =	swait.ge [sflag:s5], $0x1400  }
0x119: {  	[sflag:s5] =	ssyncset.done $0x0  }
0x11a: {  	[sflag:s5] =	ssyncadd.s32 $0xFFFFEC00  }
0x11b: {  	_ =	swait.ge [sflag:s5], $0x1400  }
0x11c: {  	[sflag:s5] =	ssyncset.done $0x0  }
0x11d: {  	[sflag:s5] =	ssyncadd.s32 $0xFFFFEC00  }
0x11e: {  	_ =	swait.ge [sflag:s5], $0x1400  }
0x11f: {  	[sflag:s5] =	ssyncset.done $0x0  }
0x120: {  	s11 =	sadd.s32 $0x280, s11;
	[sflag:s5] =	ssyncadd.s32 $0xFFFFEC00  }
0x121: {  	[hbm4b:s11+s16] =	stream.linear.scatter [tilespmem:s1], [sflag:$0x3], $0x1400, $0x38;
	[tilespmem:$0x1BA00] =	vst v63  }
0x122: {  	_ =	swait.ge [sflag:s15], $0x1400  }
0x123: {  	[sflag:s15] =	ssyncset.done $0x0  }
0x124: {  	s30 =	sadd.s32 $0x280, s12;
	[sflag:s15] =	ssyncadd.s32 $0xFFFFEC00  }
0x125: {  	[hbm4b:s30+s16] =	stream.linear.scatter [tilespmem:s2], [sflag:$0x3], $0x1400, $0x38;
	[tilespmem:$0x1BA00] =	vst v63  }
0x126: {  	p0 =	sne.s32 s7, $0x26700;
	_ =	swait.ge [sflag:s15], $0x1400  }
.Ltmp0:
0x127: {  	[sflag:s15] =	ssyncset.done $0x0;
	(pc) =	sbr.rel @p0 .LBB2_2-.Ltmp0, $4  }
0x128: {  	[sflag:s15] =	ssyncadd.s32 $0xFFFFEC00  }
0x129: {  	[spmem:s25] =	stream.indirect.scatter.add.f32 [tilespmem:s3], [sflag:$0x3], $0x80, s23, s18, $0xb8;
	[tilespmem:$0x1BA00] =	vst v63  }
0x12a: {  	_ =	swait.ge [sflag:s15], $0x1400  }
0x12b: {  	s7 =	sadd.s32 $0x500, s7;
	s8 =	sadd.s32 $0xA, s8;
	[sflag:s15] =	ssyncset.done $0x0  }
0x12c: {  	s6 =	sld [smem:$0x7ED];
	_ =	sdelay $0x1  }
0x12d: {  	[sflag:s15] =	ssyncadd.s32 $0xFFFFEC00  }
0x12e: {  	[tilespmem:s23], [sflag:$0x3] =	stream.linear.gather [hbm4b:s6+s16], $0x28, $0x38;
	[tilespmem:$0x1BA00] =	vst v63  }
0x12f: {  	_ =	swait.ge [sflag:s15], $0x28  }
0x130: {  	s13 =	sld [smem:$0x7EE]  }
0x131: {  	[sflag:s15] =	ssyncset.done $0x0  }
0x132: {  	[sflag:s15] =	ssyncadd.s32 $0xFFFFFFD8  }
0x133: {  	[tilespmem:s0], [sflag:$0x3] =	stream.linear.gather [hbm4b:s13+s16], $0x28, $0x38;
	[tilespmem:$0x1BA00] =	vst v63  }
0x134: {  	_ =	swait.ge [sflag:s15], $0x28  }
0x135: {  	[sflag:s15] =	ssyncset.done $0x0  }
0x136: {  	[sflag:s15] =	ssyncadd.s32 $0xFFFFFFD8  }
0x137: {  	[tilespmem:s1], [sflag:$0x2] =	stream.indirect.gather [hbm4b:s20+s18], $0x80, s23, s18, $0xb8;
	[tilespmem:$0x1BA00] =	vst v63  }
0x138: {  	_ = 	snop  }
0x139: {  	[tilespmem:s2], [sflag:$0x2] =	stream.indirect.gather [hbm4b:s24+s18], $0x80, s0, s18, $0xb8;
	[tilespmem:$0x1BA00] =	vst v63  }
0x13a: {  	_ = 	snop  }
0x13b: {  	[tilespmem:s3], [sflag:$0x2] =	stream.indirect.gather [hbm4b:s26+s18], $0x80, s0, s18, $0xb8;
	[tilespmem:$0x1BA00] =	vst v63  }
0x13c: {  	_ =	swait.ge [sflag:s4], $0x1400  }
0x13d: {  	[sflag:s4] =	ssyncset.done $0x0  }
0x13e: {  	[sflag:s4] =	ssyncadd.s32 $0xFFFFEC00  }
0x13f: {  	_ =	swait.ge [sflag:s4], $0x1400  }
0x140: {  	[sflag:s4] =	ssyncset.done $0x0  }
0x141: {  	[sflag:s4] =	ssyncadd.s32 $0xFFFFEC00  }
0x142: {  	_ =	swait.ge [sflag:s4], $0x1400  }
0x143: {  	[sflag:s4] =	ssyncset.done $0x0  }
0x144: {  	s7 =	rddreg [dreg:$0x17];
	[sflag:s4] =	ssyncadd.s32 $0xFFFFEC00  }
0x145: {  	[hbm4b:s7+s16] =	stream.linear.scatter [tilespmem:s14], [sflag:$0x3], $0x1400, $0x38;
	[tilespmem:$0x1BA00] =	vst v63  }
0x146: {  	_ =	swait.ge [sflag:s15], $0x1400  }
0x147: {  	[sflag:s15] =	ssyncset.done $0x0  }
0x148: {  	s21 =	rddreg [dreg:$0x18];
	[sflag:s15] =	ssyncadd.s32 $0xFFFFEC00  }
0x149: {  	[hbm4b:s21+s16] =	stream.linear.scatter [tilespmem:s19], [sflag:$0x3], $0x1400, $0x38;
	[tilespmem:$0x1BA00] =	vst v63  }
0x14a: {  	_ =	swait.ge [sflag:s15], $0x1400  }
0x14b: {  	[sflag:s15] =	ssyncset.done $0x0  }
0x14c: {  	[sflag:s15] =	ssyncadd.s32 $0xFFFFEC00  }
0x14d: {  	[spmem:s25] =	stream.indirect.scatter.add.f32 [tilespmem:s31], [sflag:$0x3], $0x80, s16, s18, $0xb8;
	[tilespmem:$0x1BA00] =	vst v63  }
0x14e: {  	_ =	swait.ge [sflag:s15], $0x1400  }
0x14f: {  	[sflag:s15] =	ssyncset.done $0x0  }
0x150: {  	[sflag:s15] =	ssyncadd.s32 $0xFFFFEC00  }
0x151: {  	_ =	swait.ge [sflag:s5], $0x1400  }
0x152: {  	[sflag:s5] =	ssyncset.done $0x0  }
0x153: {  	[sflag:s5] =	ssyncadd.s32 $0xFFFFEC00  }
0x154: {  	_ =	swait.ge [sflag:s5], $0x1400  }
0x155: {  	[sflag:s5] =	ssyncset.done $0x0  }
0x156: {  	[sflag:s5] =	ssyncadd.s32 $0xFFFFEC00  }
0x157: {  	_ =	swait.ge [sflag:s5], $0x1400  }
0x158: {  	[sflag:s5] =	ssyncset.done $0x0  }
0x159: {  	s22 =	rddreg [dreg:$0x19];
	[sflag:s5] =	ssyncadd.s32 $0xFFFFEC00  }
0x15a: {  	[hbm4b:s22+s16] =	stream.linear.scatter [tilespmem:s1], [sflag:$0x3], $0x1400, $0x38;
	[tilespmem:$0x1BA00] =	vst v63  }
0x15b: {  	_ =	swait.ge [sflag:s15], $0x1400  }
0x15c: {  	[sflag:s15] =	ssyncset.done $0x0  }
0x15d: {  	s6 =	rddreg [dreg:$0x1a];
	[sflag:s15] =	ssyncadd.s32 $0xFFFFEC00  }
0x15e: {  	[hbm4b:s6+s16] =	stream.linear.scatter [tilespmem:s2], [sflag:$0x3], $0x1400, $0x38;
	[tilespmem:$0x1BA00] =	vst v63  }
0x15f: {  	_ =	swait.ge [sflag:s15], $0x1400  }
0x160: {  	[sflag:s15] =	ssyncset.done $0x0  }
0x161: {  	[sflag:s15] =	ssyncadd.s32 $0xFFFFEC00  }
0x162: {  	[spmem:s25] =	stream.indirect.scatter.add.f32 [tilespmem:s3], [sflag:$0x3], $0x80, s23, s18, $0xb8;
	[tilespmem:$0x1BA00] =	vst v63  }
0x163: {  	_ =	swait.ge [sflag:s15], $0x1400  }
0x164: {  	[sflag:s15] =	ssyncset.done $0x0  }
0x165: {  	[sflag:s15] =	ssyncadd.s32 $0xFFFFEC00  }
0x166: {  	[bflag:$0x0] =	sbarrier.arrive $0xFFFF  }
0x167: {  	s7 =	sld [smem:$0x7E8];
	_ =	sdelay $0x2  }
0x168: {  	[tilespmem:s14], [sflag:$0x3] =	stream.linear.gather [spmem:s7], $0x1400, $0x38;
	[tilespmem:$0x1BA00] =	vst v63  }
0x169: {  	_ =	swait.ge [sflag:s15], $0x1400  }
0x16a: {  	[sflag:s15] =	ssyncset.done $0x0  }
0x16b: {  	s8 =	rddreg [dreg:$0x7];
	[sflag:s15] =	ssyncadd.s32 $0xFFFFEC00  }
0x16c: {  	[hbm4b:s8+s16] =	stream.linear.scatter [tilespmem:s14], [sflag:$0x3], $0x1400, $0x38;
	[tilespmem:$0x1BA00] =	vst v63  }
0x16d: {  	_ =	swait.ge [sflag:s15], $0x1400  }
0x16e: {  	s9 =	sld [smem:$0x7E9]  }
0x16f: {  	[sflag:s15] =	ssyncset.done $0x0  }
0x170: {  	[sflag:s15] =	ssyncadd.s32 $0xFFFFEC00  }
0x171: {  	[tilespmem:s14], [sflag:$0x3] =	stream.linear.gather [spmem:s9], $0x1400, $0x38;
	[tilespmem:$0x1BA00] =	vst v63  }
0x172: {  	_ =	swait.ge [sflag:s15], $0x1400  }
0x173: {  	[sflag:s15] =	ssyncset.done $0x0  }
0x174: {  	s10 =	rddreg [dreg:$0x8];
	[sflag:s15] =	ssyncadd.s32 $0xFFFFEC00  }
0x175: {  	[hbm4b:s10+s16] =	stream.linear.scatter [tilespmem:s14], [sflag:$0x3], $0x1400, $0x38;
	[tilespmem:$0x1BA00] =	vst v63  }
0x176: {  	_ =	swait.ge [sflag:s15], $0x1400  }
0x177: {  	[sflag:s15] =	ssyncset.done $0x0  }
0x178: {  	s11 =	rddreg [dreg:$0x1c];
	[sflag:s15] =	ssyncadd.s32 $0xFFFFEC00  }
0x179: {  	[tilespmem:s14], [sflag:$0x3] =	stream.linear.gather [spmem:s11], $0x1400, $0x38;
	[tilespmem:$0x1BA00] =	vst v63  }
0x17a: {  	_ =	swait.ge [sflag:s15], $0x1400  }
0x17b: {  	[sflag:s15] =	ssyncset.done $0x0  }
0x17c: {  	s12 =	rddreg [dreg:$0x9];
	[sflag:s15] =	ssyncadd.s32 $0xFFFFEC00  }
0x17d: {  	[hbm4b:s12+s16] =	stream.linear.scatter [tilespmem:s14], [sflag:$0x3], $0x1400, $0x38;
	[tilespmem:$0x1BA00] =	vst v63  }
0x17e: {  	_ =	swait.ge [sflag:s15], $0x1400  }
0x17f: {  	[sflag:s15] =	ssyncset.done $0x0  }
0x180: {  	s13 =	rddreg [dreg:$0x1d];
	[sflag:s15] =	ssyncadd.s32 $0xFFFFEC00  }
0x181: {  	[tilespmem:s14], [sflag:$0x3] =	stream.linear.gather [spmem:s13], $0x1400, $0x38;
	[tilespmem:$0x1BA00] =	vst v63  }
0x182: {  	_ =	swait.ge [sflag:s15], $0x1400  }
0x183: {  	[sflag:s15] =	ssyncset.done $0x0  }
0x184: {  	s21 =	rddreg [dreg:$0xa];
	[sflag:s15] =	ssyncadd.s32 $0xFFFFEC00  }
0x185: {  	[hbm4b:s21+s16] =	stream.linear.scatter [tilespmem:s14], [sflag:$0x3], $0x1400, $0x38;
	[tilespmem:$0x1BA00] =	vst v63  }
0x186: {  	_ =	swait.ge [sflag:s15], $0x1400  }
0x187: {  	[sflag:s15] =	ssyncset.done $0x0  }
0x188: {  	s22 =	rddreg [dreg:$0x1e];
	[sflag:s15] =	ssyncadd.s32 $0xFFFFEC00  }
0x189: {  	[tilespmem:s14], [sflag:$0x3] =	stream.linear.gather [spmem:s22], $0x1400, $0x38;
	[tilespmem:$0x1BA00] =	vst v63  }
0x18a: {  	_ =	swait.ge [sflag:s15], $0x1400  }
0x18b: {  	[sflag:s15] =	ssyncset.done $0x0  }
0x18c: {  	s6 =	rddreg [dreg:$0xb];
	[sflag:s15] =	ssyncadd.s32 $0xFFFFEC00  }
0x18d: {  	[hbm4b:s6+s16] =	stream.linear.scatter [tilespmem:s14], [sflag:$0x3], $0x1400, $0x38;
	[tilespmem:$0x1BA00] =	vst v63  }
0x18e: {  	_ =	swait.ge [sflag:s15], $0x1400  }
0x18f: {  	[sflag:s15] =	ssyncset.done $0x0  }
0x190: {  	s8 =	rddreg [dreg:$0x1f];
	[sflag:s15] =	ssyncadd.s32 $0xFFFFEC00  }
0x191: {  	[tilespmem:s14], [sflag:$0x3] =	stream.linear.gather [spmem:s8], $0x1400, $0x38;
	[tilespmem:$0x1BA00] =	vst v63  }
0x192: {  	_ =	swait.ge [sflag:s15], $0x1400  }
0x193: {  	[sflag:s15] =	ssyncset.done $0x0  }
0x194: {  	s9 =	rddreg [dreg:$0xc];
	[sflag:s15] =	ssyncadd.s32 $0xFFFFEC00  }
0x195: {  	[hbm4b:s9+s16] =	stream.linear.scatter [tilespmem:s14], [sflag:$0x3], $0x1400, $0x38;
	[tilespmem:$0x1BA00] =	vst v63  }
0x196: {  	_ =	swait.ge [sflag:s15], $0x1400  }
0x197: {  	s10 =	sld [smem:$0x7EA]  }
0x198: {  	[sflag:s15] =	ssyncset.done $0x0  }
0x199: {  	[sflag:s15] =	ssyncadd.s32 $0xFFFFEC00  }
0x19a: {  	[tilespmem:s14], [sflag:$0x3] =	stream.linear.gather [spmem:s10], $0x1400, $0x38;
	[tilespmem:$0x1BA00] =	vst v63  }
0x19b: {  	_ =	swait.ge [sflag:s15], $0x1400  }
0x19c: {  	[sflag:s15] =	ssyncset.done $0x0  }
0x19d: {  	s11 =	rddreg [dreg:$0xd];
	[sflag:s15] =	ssyncadd.s32 $0xFFFFEC00  }
0x19e: {  	[hbm4b:s11+s16] =	stream.linear.scatter [tilespmem:s14], [sflag:$0x3], $0x1400, $0x38;
	[tilespmem:$0x1BA00] =	vst v63  }
0x19f: {  	_ =	swait.ge [sflag:s15], $0x1400  }
0x1a0: {  	s10 =	sld [smem:$0x7F5]  }
0x1a1: {  	[sflag:s15] =	ssyncset.done $0x0  }
0x1a2: {  	[sflag:s15] =	ssyncadd.s32 $0xFFFFEC00  }
0x1a3: {  	[tilespmem:s14], [sflag:$0x3] =	stream.linear.gather [spmem:s10], $0x1400, $0x38;
	[tilespmem:$0x1BA00] =	vst v63  }
0x1a4: {  	_ =	swait.ge [sflag:s15], $0x1400  }
0x1a5: {  	[sflag:s15] =	ssyncset.done $0x0  }
0x1a6: {  	s12 =	rddreg [dreg:$0xe];
	[sflag:s15] =	ssyncadd.s32 $0xFFFFEC00  }
0x1a7: {  	[hbm4b:s12+s16] =	stream.linear.scatter [tilespmem:s14], [sflag:$0x3], $0x1400, $0x38;
	[tilespmem:$0x1BA00] =	vst v63  }
0x1a8: {  	_ =	swait.ge [sflag:s15], $0x1400  }
0x1a9: {  	s9 =	sld [smem:$0x7F6]  }
0x1aa: {  	[sflag:s15] =	ssyncset.done $0x0  }
0x1ab: {  	[sflag:s15] =	ssyncadd.s32 $0xFFFFEC00  }
0x1ac: {  	[tilespmem:s14], [sflag:$0x3] =	stream.linear.gather [spmem:s9], $0x1400, $0x38;
	[tilespmem:$0x1BA00] =	vst v63  }
0x1ad: {  	_ =	swait.ge [sflag:s15], $0x1400  }
0x1ae: {  	[sflag:s15] =	ssyncset.done $0x0  }
0x1af: {  	s13 =	rddreg [dreg:$0xf];
	[sflag:s15] =	ssyncadd.s32 $0xFFFFEC00  }
0x1b0: {  	[hbm4b:s13+s16] =	stream.linear.scatter [tilespmem:s14], [sflag:$0x3], $0x1400, $0x38;
	[tilespmem:$0x1BA00] =	vst v63  }
0x1b1: {  	_ =	swait.ge [sflag:s15], $0x1400  }
0x1b2: {  	s6 =	sld [smem:$0x7F7]  }
0x1b3: {  	[sflag:s15] =	ssyncset.done $0x0  }
0x1b4: {  	[sflag:s15] =	ssyncadd.s32 $0xFFFFEC00  }
0x1b5: {  	[tilespmem:s14], [sflag:$0x3] =	stream.linear.gather [spmem:s6], $0x1400, $0x38;
	[tilespmem:$0x1BA00] =	vst v63  }
0x1b6: {  	_ =	swait.ge [sflag:s15], $0x1400  }
0x1b7: {  	[sflag:s15] =	ssyncset.done $0x0  }
0x1b8: {  	s21 =	rddreg [dreg:$0x10];
	[sflag:s15] =	ssyncadd.s32 $0xFFFFEC00  }
0x1b9: {  	[hbm4b:s21+s16] =	stream.linear.scatter [tilespmem:s14], [sflag:$0x3], $0x1400, $0x38;
	[tilespmem:$0x1BA00] =	vst v63  }
0x1ba: {  	_ =	swait.ge [sflag:s15], $0x1400  }
0x1bb: {  	s21 =	sld [smem:$0x7F8]  }
0x1bc: {  	[sflag:s15] =	ssyncset.done $0x0  }
0x1bd: {  	[sflag:s15] =	ssyncadd.s32 $0xFFFFEC00  }
0x1be: {  	[tilespmem:s14], [sflag:$0x3] =	stream.linear.gather [spmem:s21], $0x1400, $0x38;
	[tilespmem:$0x1BA00] =	vst v63  }
0x1bf: {  	_ =	swait.ge [sflag:s15], $0x1400  }
0x1c0: {  	[sflag:s15] =	ssyncset.done $0x0  }
0x1c1: {  	s22 =	rddreg [dreg:$0x11];
	[sflag:s15] =	ssyncadd.s32 $0xFFFFEC00  }
0x1c2: {  	[hbm4b:s22+s16] =	stream.linear.scatter [tilespmem:s14], [sflag:$0x3], $0x1400, $0x38;
	[tilespmem:$0x1BA00] =	vst v63  }
0x1c3: {  	_ =	swait.ge [sflag:s15], $0x1400  }
0x1c4: {  	s22 =	sld [smem:$0x7F9]  }
0x1c5: {  	[sflag:s15] =	ssyncset.done $0x0  }
0x1c6: {  	[sflag:s15] =	ssyncadd.s32 $0xFFFFEC00  }
0x1c7: {  	[tilespmem:s14], [sflag:$0x3] =	stream.linear.gather [spmem:s22], $0x1400, $0x38;
	[tilespmem:$0x1BA00] =	vst v63  }
0x1c8: {  	_ =	swait.ge [sflag:s15], $0x1400  }
0x1c9: {  	[sflag:s15] =	ssyncset.done $0x0  }
0x1ca: {  	s8 =	rddreg [dreg:$0x12];
	[sflag:s15] =	ssyncadd.s32 $0xFFFFEC00  }
0x1cb: {  	[hbm4b:s8+s16] =	stream.linear.scatter [tilespmem:s14], [sflag:$0x3], $0x1400, $0x38;
	[tilespmem:$0x1BA00] =	vst v63  }
0x1cc: {  	_ =	swait.ge [sflag:s15], $0x1400  }
0x1cd: {  	s30 =	sld [smem:$0x7FA]  }
0x1ce: {  	[sflag:s15] =	ssyncset.done $0x0  }
0x1cf: {  	[sflag:s15] =	ssyncadd.s32 $0xFFFFEC00  }
0x1d0: {  	[tilespmem:s14], [sflag:$0x3] =	stream.linear.gather [spmem:s30], $0x1400, $0x38;
	[tilespmem:$0x1BA00] =	vst v63  }
0x1d1: {  	_ =	swait.ge [sflag:s15], $0x1400  }
0x1d2: {  	[sflag:s15] =	ssyncset.done $0x0  }
0x1d3: {  	s11 =	rddreg [dreg:$0x13];
	[sflag:s15] =	ssyncadd.s32 $0xFFFFEC00  }
0x1d4: {  	[hbm4b:s11+s16] =	stream.linear.scatter [tilespmem:s14], [sflag:$0x3], $0x1400, $0x38;
	[tilespmem:$0x1BA00] =	vst v63  }
0x1d5: {  	_ =	swait.ge [sflag:s15], $0x1400  }
0x1d6: {  	s11 =	sld [smem:$0x7FB]  }
0x1d7: {  	[sflag:s15] =	ssyncset.done $0x0  }
0x1d8: {  	[sflag:s15] =	ssyncadd.s32 $0xFFFFEC00  }
0x1d9: {  	[tilespmem:s14], [sflag:$0x3] =	stream.linear.gather [spmem:s11], $0x1400, $0x38;
	[tilespmem:$0x1BA00] =	vst v63  }
0x1da: {  	_ =	swait.ge [sflag:s15], $0x1400  }
0x1db: {  	[sflag:s15] =	ssyncset.done $0x0  }
0x1dc: {  	s12 =	rddreg [dreg:$0x14];
	[sflag:s15] =	ssyncadd.s32 $0xFFFFEC00  }
0x1dd: {  	[hbm4b:s12+s16] =	stream.linear.scatter [tilespmem:s14], [sflag:$0x3], $0x1400, $0x38;
	[tilespmem:$0x1BA00] =	vst v63  }
0x1de: {  	_ =	swait.ge [sflag:s15], $0x1400  }
0x1df: {  	s8 =	sld [smem:$0x7FC]  }
0x1e0: {  	[sflag:s15] =	ssyncset.done $0x0  }
0x1e1: {  	[sflag:s15] =	ssyncadd.s32 $0xFFFFEC00  }
0x1e2: {  	[tilespmem:s14], [sflag:$0x3] =	stream.linear.gather [spmem:s8], $0x1400, $0x38;
	[tilespmem:$0x1BA00] =	vst v63  }
0x1e3: {  	_ =	swait.ge [sflag:s15], $0x1400  }
0x1e4: {  	[sflag:s15] =	ssyncset.done $0x0  }
0x1e5: {  	s13 =	rddreg [dreg:$0x15];
	[sflag:s15] =	ssyncadd.s32 $0xFFFFEC00  }
0x1e6: {  	[hbm4b:s13+s16] =	stream.linear.scatter [tilespmem:s14], [sflag:$0x3], $0x1400, $0x38;
	[tilespmem:$0x1BA00] =	vst v63  }
0x1e7: {  	_ =	swait.ge [sflag:s15], $0x1400  }
0x1e8: {  	s13 =	sld [smem:$0x7FD]  }
0x1e9: {  	[sflag:s15] =	ssyncset.done $0x0  }
0x1ea: {  	[sflag:s15] =	ssyncadd.s32 $0xFFFFEC00  }
0x1eb: {  	[tilespmem:s14], [sflag:$0x3] =	stream.linear.gather [spmem:s13], $0x1400, $0x38;
	[tilespmem:$0x1BA00] =	vst v63  }
0x1ec: {  	_ =	swait.ge [sflag:s15], $0x1400  }
0x1ed: {  	[sflag:s15] =	ssyncset.done $0x0  }
0x1ee: {  	s12 =	rddreg [dreg:$0x16];
	[sflag:s15] =	ssyncadd.s32 $0xFFFFEC00  }
0x1ef: {  	[hbm4b:s12+s16] =	stream.linear.scatter [tilespmem:s14], [sflag:$0x3], $0x1400, $0x38;
	[tilespmem:$0x1BA00] =	vst v63  }
0x1f0: {  	_ =	swait.ge [sflag:s15], $0x1400  }
0x1f1: {  	s12 =	sld [smem:$0x7F4]  }
0x1f2: {  	s7 =	sld [smem:$0x7F0];
	_ =	sdelay $0x1  }
0x1f3: {  	s12 =	sadd.s32 $0x1, s12  }
0x1f4: {  	p0 =	sne.s32 s12, s7  }
.Ltmp1:
0x1f5: {  	_ = 	snop;
	(pc) =	sbr.rel @p0 .LBB2_1-.Ltmp1, $3  }
0x1f6: {  	_ =	sdelay $0x1  }
0x1f7: {  	[sflag:s15] =	ssyncset.done $0x0;
	[smem:$0x7F4] =	sst s12  }
0x1f8: {  	[sflag:s15] =	ssyncadd.s32 $0xFFFFEC00;
	s12 =	rddreg [dreg:$0x1d]  }
0x1f9: {  	_ =	sfence.sel $0x180000  }
0x1fa: {  	[bflag:$0x0] =	sbarrier.arrive $0xFFFF  }
0x1fb: {  	_ =	strace $0x90000047  }
0x1fc: {  	s0 =	stileid.u32;
	[bflag:$0x2] =	sbarrier.arrive $0xFFFF  }
0x1fd: {  	p0 =	sne.s32 s0, $0x0;
	s0 =	rddreg [dreg:$0x4]  }
0x1fe: {  	s0 =	sadd.s32 @!p0 $0x100000, s0  }
0x1ff: {  	[sflag:s0] =	ssyncadd.tile.s32 @!p0 $0x1;
	_ =	shalt  }
.Lfunc_end2:
_tile_overlayer_lowered:
.L_overlay_start_2:
0x200: {  	(tag) =	ssettag $0x2  }
0x201: {  	s0 =	rddreg [dreg:$0x0];
	s2 =	stileid.u32  }
0x202: {  	s1 =	rddreg [dreg:$0x1];
	p0 =	sne.s32 s2, $0x0  }
0x203: {  	s3 =	rddreg [dreg:$0x2];
	[bflag:$0x3] =	sbarrier.arrive $0xFFFF;
	s2 =	simm.s32 @!p0 $0x1C03  }
0x204: {  	[timem:s3], [sflag:s2] =	dma.local @!p0 [hbm:s0], s1  }
0x205: {  	s0 =	simm.s32 @!p0 $0x3  }
0x206: {  	_ =	swait.ge @!p0 [sflag:s0], s1  }
0x207: {  	s1 =	ssub.s32 @!p0 $0x0, s1;
	[sflag:s0] =	ssyncset.done @!p0 $0x0  }
0x208: {  	[sflag:s0] =	ssyncadd.s32 @!p0 s1  }
0x209: {  	[bflag:$0x3] =	sbarrier.arrive $0xFFFF  }
0x20a: {  	_ =	shalt  }

</sc_bundles>
